<compile_context>
chip_gen: v7x
topology: tpu7x:2x2x1
jax: 0.10.2.dev20260603
libtpu: 0.0.44.dev20260713+nightly
codegen_flags: <defaults>
</compile_context>

<pallas_src>
import functools

import jax
import jax.numpy as jnp
from jax import lax
from jax.experimental import pallas as pl
from jax.experimental.pallas import tpu as pltpu
from jax.experimental.pallas import tpu_sc as plsc

F32 = jnp.float32
BF16 = jnp.bfloat16
XP = 16
CHUNK = 80
NCORE = 2
NSUB = 16
TILES = NCORE * NSUB


def _silu(v):
    return v * jax.nn.sigmoid(v)


def _prep_body(h_ref, wrt_ref, wct_ref, hr_ref, hc_ref):
    h = h_ref[...]
    hr_ref[...] = jnp.dot(h, wrt_ref[...], preferred_element_type=F32)
    hc_ref[...] = jnp.dot(h, wct_ref[...], preferred_element_type=F32)


def _prep(h, wrt, wct, bn):
    n, d = h.shape
    grid = n // bn
    return pl.pallas_call(
        _prep_body,
        grid=(grid,),
        in_specs=[
            pl.BlockSpec((bn, d), lambda i: (i, 0)),
            pl.BlockSpec((d, d), lambda i: (0, 0)),
            pl.BlockSpec((d, d), lambda i: (0, 0)),
        ],
        out_specs=[
            pl.BlockSpec((bn, d), lambda i: (i, 0)),
            pl.BlockSpec((bn, d), lambda i: (i, 0)),
        ],
        out_shape=[
            jax.ShapeDtypeStruct((n, d), F32),
            jax.ShapeDtypeStruct((n, d), F32),
        ],
    )(h, wrt, wct)


def _sc_cd_body(nch, x0_hbm, x1_hbm, x2_hbm, row_hbm, col_hbm, cd_hbm,
                idxr, idxc, bufx, x0v, x1v, x2v):
    cid = lax.axis_index("c")
    sid = lax.axis_index("s")
    wid = sid * NCORE + cid
    ebase = wid * nch * CHUNK
    pltpu.sync_copy(row_hbm.at[wid], idxr)
    pltpu.sync_copy(col_hbm.at[wid], idxc)
    pltpu.sync_copy(x0_hbm, x0v)
    pltpu.sync_copy(x1_hbm, x1v)
    pltpu.sync_copy(x2_hbm, x2v)

    def step(j, carry):
        for grp in range(CHUNK // 16):
            sl = pl.ds(grp * 16, 16)
            ir = idxr[j, sl]
            ic = idxc[j, sl]
            irh, irl = ir >> 7, ir & 127
            ich, icl = ic >> 7, ic & 127
            dx = (plsc.load_gather(x0v, [irh, irl])
                  - plsc.load_gather(x0v, [ich, icl]))
            dy = (plsc.load_gather(x1v, [irh, irl])
                  - plsc.load_gather(x1v, [ich, icl]))
            dz = (plsc.load_gather(x2v, [irh, irl])
                  - plsc.load_gather(x2v, [ich, icl]))
            d2 = dx * dx + dy * dy + dz * dz
            rows = grp * 16 + lax.broadcasted_iota(jnp.int32, (16,), 0)
            for k, v in enumerate((dx, dy, dz, d2)):
                lanes = jnp.full((16,), k, jnp.int32)
                plsc.store_scatter(bufx, [rows, lanes], v)

        pltpu.sync_copy(bufx, cd_hbm.at[pl.ds(ebase + j * CHUNK, CHUNK), :])
        return carry

    lax.fori_loop(0, nch, step, 0)


def _sc_gather_b_body(nch, d, hc_hbm, col_hbm, dep_hbm, g_hbm, idxc, buf0,
                      buf1, depb, s0, s1, w0, w1):
    pltpu.sync_copy(dep_hbm.at[pl.ds(0, 8), :], depb)
    cid = lax.axis_index("c")
    sid = lax.axis_index("s")
    wid = sid * NCORE + cid
    ebase = wid * nch * CHUNK
    pltpu.sync_copy(col_hbm.at[wid], idxc)

    bufs = (buf0, buf1)
    gsem = (s0, s1)
    wsem = (w0, w1)

    def gout(j):
        return g_hbm.at[pl.ds(ebase + j * CHUNK, CHUNK), :]

    pltpu.async_copy(hc_hbm.at[idxc.at[0]], buf0, s0)
    pltpu.async_copy(hc_hbm.at[idxc.at[1]], buf1, s1)

    def pair(jj, carry):
        j0 = jj * 2
        for b in range(2):
            j = j0 + b
            pltpu.make_async_copy(hc_hbm.at[idxc.at[j]], bufs[b], gsem[b]).wait()
            pltpu.async_copy(bufs[b], gout(j), wsem[b])
        for b in range(2):
            j = j0 + b
            pltpu.make_async_copy(bufs[b], gout(j), wsem[b]).wait()
            nxt = j + 2

            @pl.when(nxt < nch)
            def _():
                pltpu.async_copy(hc_hbm.at[idxc.at[nxt]], bufs[b], gsem[b])

        return carry

    lax.fori_loop(0, nch // 2, pair, 0)
    if nch % 2:
        j = nch - 1
        pltpu.make_async_copy(hc_hbm.at[idxc.at[j]], buf0, s0).wait()
        pltpu.sync_copy(buf0, gout(j))


def _sc_gather(hr, hc, x0, x1, x2, row2d, col2d):
    n, d = hr.shape
    nch = row2d.shape[1]
    e = TILES * nch * CHUNK
    mesh = plsc.VectorSubcoreMesh(core_axis_name="c", subcore_axis_name="s")
    kern_cd = pl.kernel(
        functools.partial(_sc_cd_body, nch),
        mesh=mesh,
        compiler_params=pltpu.CompilerParams(needs_layout_passes=False),
        out_type=jax.ShapeDtypeStruct((e, XP), F32),
        scratch_types=[
            pltpu.VMEM((nch, CHUNK), jnp.int32),
            pltpu.VMEM((nch, CHUNK), jnp.int32),
            pltpu.VMEM((CHUNK, XP), F32),
            pltpu.VMEM(((n + 127) // 128, 128), F32),
            pltpu.VMEM(((n + 127) // 128, 128), F32),
            pltpu.VMEM(((n + 127) // 128, 128), F32),
        ],
    )
    def make_b(depw, depdt):
        return pl.kernel(
            functools.partial(_sc_gather_b_body, nch, d),
            mesh=mesh,
            compiler_params=pltpu.CompilerParams(needs_layout_passes=False),
            out_type=jax.ShapeDtypeStruct((e, d), F32),
            scratch_types=[
                pltpu.VMEM((nch, CHUNK), jnp.int32),
                pltpu.VMEM((CHUNK, d), F32),
                pltpu.VMEM((CHUNK, d), F32),
                pltpu.VMEM((8, depw), depdt),
                pltpu.SemaphoreType.DMA,
                pltpu.SemaphoreType.DMA,
                pltpu.SemaphoreType.DMA,
                pltpu.SemaphoreType.DMA,
            ],
        )

    cd = kern_cd(x0, x1, x2, row2d, col2d)
    g1 = make_b(XP, F32)(hr, row2d, cd)
    g2 = make_b(d, F32)(hc, col2d, g1)
    return g1, g2, cd


def _edge_body(g_ref, g2_ref, cd_ref, ea_ref, weat_ref, be1_ref, wd_ref,
               we2t_ref, be2_ref, wc1t_ref, bc1_ref, wc2_ref, mij_ref,
               wdiff_ref):
    gsum = g_ref[...] + g2_ref[...]
    cd = cd_ref[...]
    d2 = cd[:, 3:4]
    pre = (gsum + d2 * wd_ref[...] + be1_ref[...]
           + jnp.dot(ea_ref[...], weat_ref[...], preferred_element_type=F32))
    m = _silu(pre)
    mij = _silu(jnp.dot(m, we2t_ref[...], preferred_element_type=F32)
                + be2_ref[...])
    mij_ref[...] = mij
    p = _silu(jnp.dot(mij, wc1t_ref[...], preferred_element_type=F32)
              + bc1_ref[...])
    cw = jnp.tanh(jnp.sum(p * wc2_ref[...], axis=1, keepdims=True))
    inv_dist = lax.rsqrt(d2 + 1e-8)
    lane = lax.broadcasted_iota(jnp.int32, (1, XP), 1)
    ones3 = jnp.where(lane == 3, 1.0, 0.0).astype(F32)
    cd3 = jnp.where(lane < 3, cd, 0.0)
    wdiff_ref[...] = cd3 * (cw * inv_dist) + ones3


def _edge_mlp(g, g2, cd, ea, weat, be1, wd, we2t, be2, wc1t, bc1, wc2, be):
    e, d = g.shape
    de = ea.shape[1]
    grid = e // be
    full = lambda r, c: pl.BlockSpec((r, c), lambda i: (0, 0))
    return pl.pallas_call(
        _edge_body,
        grid=(grid,),
        in_specs=[
            pl.BlockSpec((be, d), lambda i: (i, 0)),
            pl.BlockSpec((be, d), lambda i: (i, 0)),
            pl.BlockSpec((be, XP), lambda i: (i, 0)),
            pl.BlockSpec((be, de), lambda i: (i, 0)),
            full(de, d), full(1, d), full(1, d),
            full(d, d), full(1, d),
            full(d, d), full(1, d), full(1, d),
        ],
        out_specs=[
            pl.BlockSpec((be, d), lambda i: (i, 0)),
            pl.BlockSpec((be, XP), lambda i: (i, 0)),
        ],
        out_shape=[
            jax.ShapeDtypeStruct((e, d), F32),
            jax.ShapeDtypeStruct((e, XP), F32),
        ],
    )(g, g2, cd, ea, weat, be1, wd, we2t, be2, wc1t, bc1, wc2)


def _sc_scatter_body(nch, npt, d, mij_hbm, wd_hbm, row_hbm, zmi_hbm,
                     mi_out, xu_out, idx, bufm, bufw, bufw128, smi, sa0, sa1):
    cid = lax.axis_index("c")
    sid = lax.axis_index("s")
    wid = sid * NCORE + cid
    ebase = wid * nch * CHUNK
    nb = sid * npt
    pltpu.sync_copy(zmi_hbm, smi.at[pl.ds(nb, npt), :])
    pltpu.sync_copy(row_hbm.at[wid], idx)
    plsc.subcore_barrier()

    bufs = (bufm, bufw128)
    sems = (sa0, sa1)

    def mij_in(j):
        return mij_hbm.at[pl.ds(ebase + j * CHUNK, CHUNK), :]

    pltpu.async_copy(mij_in(0), bufm, sa0)
    pltpu.async_copy(mij_in(1), bufw128, sa1)

    def pair_a(jj, carry):
        j0 = jj * 2
        for b in range(2):
            j = j0 + b
            pltpu.make_async_copy(mij_in(j), bufs[b], sems[b]).wait()
            pltpu.sync_copy(bufs[b], smi.at[idx.at[j]], add=True)
            nxt = j + 2

            @pl.when(nxt < nch)
            def _():
                pltpu.async_copy(mij_in(nxt), bufs[b], sems[b])

        return carry

    lax.fori_loop(0, nch // 2, pair_a, 0)
    if nch % 2:
        j = nch - 1
        pltpu.make_async_copy(mij_in(j), bufm, sa0).wait()
        pltpu.sync_copy(bufm, smi.at[idx.at[j]], add=True)
    plsc.subcore_barrier()
    pltpu.sync_copy(smi.at[pl.ds(nb, npt), :], mi_out.at[cid, pl.ds(nb, npt), :])
    plsc.subcore_barrier()

    pltpu.sync_copy(zmi_hbm, smi.at[pl.ds(nb, npt), :])
    pltpu.sync_copy(zmi_hbm.at[pl.ds(0, CHUNK), :], bufm)
    plsc.subcore_barrier()

    def wd_in(j):
        return wd_hbm.at[pl.ds(ebase + j * CHUNK, CHUNK), :]

    pltpu.async_copy(wd_in(0), bufw, sa0)

    def step_b(j, carry):
        pltpu.make_async_copy(wd_in(j), bufw, sa0).wait()

        def putrow(r, c2):
            bufm[r, pl.ds(0, XP)] = bufw[r, :]
            return c2

        lax.fori_loop(0, CHUNK, putrow, 0)

        @pl.when(j + 1 < nch)
        def _():
            pltpu.async_copy(wd_in(j + 1), bufw, sa0)

        pltpu.sync_copy(bufm, smi.at[idx.at[j]], add=True)
        return carry

    lax.fori_loop(0, nch, step_b, 0)
    plsc.subcore_barrier()
    pltpu.sync_copy(smi.at[pl.ds(nb, npt), :], xu_out.at[cid, pl.ds(nb, npt), :])


def _sc_scatter(mij, wdiff, row2d, n):
    e, d = mij.shape
    nch = row2d.shape[1]
    npad = ((n + 8 * NSUB - 1) // (8 * NSUB)) * 8 * NSUB
    npt = npad // NSUB
    zmi = jnp.zeros((npt, d), F32)
    mesh = plsc.VectorSubcoreMesh(core_axis_name="c", subcore_axis_name="s")
    kern = pl.kernel(
        functools.partial(_sc_scatter_body, nch, npt, d),
        mesh=mesh,
        compiler_params=pltpu.CompilerParams(needs_layout_passes=False),
        out_type=[
            jax.ShapeDtypeStruct((NCORE, npad, d), F32),
            jax.ShapeDtypeStruct((NCORE, npad, d), F32),
        ],
        scratch_types=[
            pltpu.VMEM((nch, CHUNK), jnp.int32),
            pltpu.VMEM((CHUNK, d), F32),
            pltpu.VMEM((CHUNK, XP), F32),
            pltpu.VMEM((CHUNK, d), F32),
            pltpu.VMEM_SHARED((npad, d), F32),
            pltpu.SemaphoreType.DMA,
            pltpu.SemaphoreType.DMA,
        ],
    )
    mi2, xu2 = kern(mij, wdiff, row2d, zmi)
    return mi2[:, :n, :], xu2[:, :n, :]


def _node_body(h_ref, mi_ref, xu_ref, xp_ref, wht_ref, wmt_ref, bn1_ref,
               wn2t_ref, bn2_ref, lng_ref, lnb_ref, ho_ref, xo_ref):
    h = h_ref[...]
    mi = mi_ref[0] + mi_ref[1]
    t = _silu(jnp.dot(h, wht_ref[...], preferred_element_type=F32)
              + jnp.dot(mi, wmt_ref[...], preferred_element_type=F32)
              + bn1_ref[...])
    hn = h + jnp.dot(t, wn2t_ref[...], preferred_element_type=F32) + bn2_ref[...]
    mu = jnp.mean(hn, axis=1, keepdims=True)
    var = jnp.mean((hn - mu) * (hn - mu), axis=1, keepdims=True)
    ho_ref[...] = (hn - mu) * lax.rsqrt(var + 1e-5) * lng_ref[...] + lnb_ref[...]
    xu = xu_ref[0, :, :XP] + xu_ref[1, :, :XP]
    deg = jnp.maximum(xu[:, 3:4], 1.0)
    xo_ref[...] = xp_ref[...] + xu / deg


def _node_update(h, mi2, xu2, xpad, wht, wmt, bn1, wn2t, bn2, lng, lnb, bn):
    n, d = h.shape
    grid = n // bn
    full = lambda r, c: pl.BlockSpec((r, c), lambda i: (0, 0))
    return pl.pallas_call(
        _node_body,
        grid=(grid,),
        in_specs=[
            pl.BlockSpec((bn, d), lambda i: (i, 0)),
            pl.BlockSpec((NCORE, bn, d), lambda i: (0, i, 0)),
            pl.BlockSpec((NCORE, bn, d), lambda i: (0, i, 0)),
            pl.BlockSpec((bn, XP), lambda i: (i, 0)),
            full(d, d), full(d, d), full(1, d),
            full(d, d), full(1, d), full(1, d), full(1, d),
        ],
        out_specs=[
            pl.BlockSpec((bn, d), lambda i: (i, 0)),
            pl.BlockSpec((bn, XP), lambda i: (i, 0)),
        ],
        out_shape=[
            jax.ShapeDtypeStruct((n, d), F32),
            jax.ShapeDtypeStruct((n, XP), F32),
        ],
    )(h, mi2, xu2, xpad, wht, wmt, bn1, wn2t, bn2, lng, lnb)


def kernel(h, x, edge_attr, We1, be1, We2, be2, Wc1, bc1, Wc2, Wn1, bn1,
           Wn2, bn2, ln_g, ln_b, edge_index):
    n, d = h.shape
    e = edge_attr.shape[0]
    row = edge_index[0].astype(jnp.int32)
    col = edge_index[1].astype(jnp.int32)
    row2d = row.reshape(TILES, e // (TILES * CHUNK), CHUNK)
    col2d = col.reshape(TILES, e // (TILES * CHUNK), CHUNK)
    xpad = jnp.pad(x.astype(F32), ((0, 0), (0, XP - 3)))

    wrt = We1[:, :d].T
    wct = We1[:, d:2 * d].T
    wd = We1[:, 2 * d][None, :]
    weat = We1[:, 2 * d + 1:].T
    hr, hc = _prep(h, wrt, wct, bn=2000)

    npad128 = ((n + 127) // 128) * 128
    xc = jnp.pad(x.astype(F32), ((0, npad128 - n), (0, 0)))
    g1, g2, cd = _sc_gather(hr, hc,
                            xc[:, 0].reshape(npad128 // 128, 128),
                            xc[:, 1].reshape(npad128 // 128, 128),
                            xc[:, 2].reshape(npad128 // 128, 128), row2d, col2d)

    mij, wdiff = _edge_mlp(
        g1, g2, cd, edge_attr, weat, be1[None, :], wd,
        We2.T, be2[None, :], Wc1.T, bc1[None, :], Wc2, be=2560)

    mi2, xu2 = _sc_scatter(mij, wdiff, row2d, n)

    h_out, xo = _node_update(
        h, mi2, xu2, xpad, Wn1[:, :d].T, Wn1[:, d:].T, bn1[None, :],
        Wn2.T, bn2[None, :], ln_g[None, :], ln_b[None, :], bn=2000)
    return h_out, xo[:, :3]

# --- scband reference (transcript-rebuilt; emitter-appended) ---
"""Pipeline reference for scband-egnnlayer-11716670783711 (READ-ONLY COPY).

The authoritative reference and input builder live on the scoring server;
editing this copy changes nothing except your own understanding.
"""

import jax, jax.numpy as jnp
import numpy as np


def silu(v):
    return v * jax.nn.sigmoid(v)


def setup_inputs(seed: int = 0) -> dict:
    key = jax.random.key(seed)
    ks = jax.random.split(key, 20)
    N, E, D, DE = 10000, 320000, 128, 16
    h = jax.random.normal(ks[0], (N, D), dtype=jnp.float32)
    x = jax.random.normal(ks[1], (N, 3), dtype=jnp.float32)
    edge_index = jax.random.randint(ks[2], (2, E), 0, N)
    edge_attr = jax.random.normal(ks[3], (E, DE), dtype=jnp.float32)
    edge_in = 2 * D + 1 + DE
    s = 0.05
    We1 = jax.random.normal(ks[4], (D, edge_in), dtype=jnp.float32) * s
    be1 = jnp.zeros((D,), jnp.float32)
    We2 = jax.random.normal(ks[5], (D, D), dtype=jnp.float32) * s
    be2 = jnp.zeros((D,), jnp.float32)
    Wc1 = jax.random.normal(ks[6], (D, D), dtype=jnp.float32) * s
    bc1 = jnp.zeros((D,), jnp.float32)
    Wc2 = jax.random.normal(ks[7], (1, D), dtype=jnp.float32) * 0.001
    Wn1 = jax.random.normal(ks[8], (D, 2 * D), dtype=jnp.float32) * s
    bn1 = jnp.zeros((D,), jnp.float32)
    Wn2 = jax.random.normal(ks[9], (D, D), dtype=jnp.float32) * s
    bn2 = jnp.zeros((D,), jnp.float32)
    ln_g = jnp.ones((D,), jnp.float32)
    ln_b = jnp.zeros((D,), jnp.float32)
    return {"h": h, "x": x, "edge_attr": edge_attr, "We1": We1, "be1": be1, "We2": We2, "be2": be2, "Wc1": Wc1, "bc1": bc1, "Wc2": Wc2, "Wn1": Wn1, "bn1": bn1, "Wn2": Wn2, "bn2": bn2, "ln_g": ln_g, "ln_b": ln_b, "edge_index": edge_index}


def reference(h, x, edge_attr, We1, be1, We2, be2, Wc1, bc1, Wc2, Wn1, bn1, Wn2, bn2, ln_g, ln_b, edge_index):
    row = edge_index[0]
    col = edge_index[1]
    coord_diff = x[row] - x[col]
    dist_sq = jnp.sum(coord_diff ** 2, axis=-1, keepdims=True)
    edge_input = jnp.concatenate([h[row], h[col], dist_sq, edge_attr], axis=-1)
    m = silu(edge_input @ We1.T + be1)
    m_ij = silu(m @ We2.T + be2)
    # coordinate update
    cw = silu(m_ij @ Wc1.T + bc1) @ Wc2.T
    cw = jnp.tanh(cw)
    dist = jnp.sqrt(dist_sq + 1e-08)
    coord_diff_norm = coord_diff / dist
    weighted_diff = coord_diff_norm * cw
    x_update = jnp.zeros_like(x).at[row].add(weighted_diff)
    degree = jnp.zeros((x.shape[0], 1), dtype=x.dtype).at[row].add(1.0)
    degree = jnp.maximum(degree, 1.0)
    x_out = x + x_update / degree
    # node update
    m_i = jnp.zeros_like(h).at[row].add(m_ij)
    node_input = jnp.concatenate([h, m_i], axis=-1)
    h_new = h + (silu(node_input @ Wn1.T + bn1) @ Wn2.T + bn2)
    mu = jnp.mean(h_new, axis=-1, keepdims=True)
    var = jnp.var(h_new, axis=-1, keepdims=True)
    h_out = (h_new - mu) / jnp.sqrt(var + 1e-05) * ln_g + ln_b
    return (h_out, x_out)

if __name__ == "__main__":
    import jax
    _d = setup_inputs()
    print(jax.jit(kernel)(*tuple(_d.values())))

</pallas_src>

<mosaic_0001>
#map = affine_map<(d0, d1) -> (0, 0)>
#map1 = affine_map<(d0, d1) -> (0, 0, 0)>
module attributes {stable_mosaic.version = 14 : i64} {
  func.func @_sc_scatter_body(%arg0: i32, %arg1: i32, %arg2: memref<320000x128xf32, #tpu.memory_space<hbm>>, %arg3: memref<320000x16xf32, #tpu.memory_space<hbm>>, %arg4: memref<32x125x80xi32, #tpu.memory_space<hbm>>, %arg5: memref<632x128xf32, #tpu.memory_space<hbm>>, %arg6: memref<2x10112x128xf32, #tpu.memory_space<hbm>>, %arg7: memref<2x10112x128xf32, #tpu.memory_space<hbm>>, %arg8: memref<125x80xi32, #tpu.memory_space<vmem>>, %arg9: memref<80x128xf32, #tpu.memory_space<vmem>>, %arg10: memref<80x16xf32, #tpu.memory_space<vmem>>, %arg11: memref<80x128xf32, #tpu.memory_space<vmem>>, %arg12: memref<10112x128xf32, #tpu.memory_space<vmem_shared>>, %arg13: memref<!tpu.dma_semaphore, #tpu.memory_space<semaphore_mem>>, %arg14: memref<!tpu.dma_semaphore, #tpu.memory_space<semaphore_mem>>) attributes {dimension_semantics = [#tpu.dimension_semantics<core_parallel>, #tpu.dimension_semantics<subcore_parallel>], iteration_bounds = array<i64: 2, 16>, scalar_prefetch = 0 : i64, scratch_operands = 7 : i64, tpu.core_type = #tpu.core_type<sc_vector_subcore>, window_params = [{transform_indices = #map}, {transform_indices = #map}, {transform_indices = #map1}, {transform_indices = #map}, {transform_indices = #map1}, {transform_indices = #map1}]} {
    %mul3A = arith.constant 2 : i32
    %mul3A_0 = arith.muli %arg1, %mul3A : i32
    %add3A = arith.addi %mul3A_0, %arg0 : i32
    %mul3A_1 = arith.constant 125 : i32
    %mul3A_2 = arith.muli %add3A, %mul3A_1 : i32
    %mul3A_3 = arith.constant 80 : i32
    %mul3A_4 = arith.muli %mul3A_2, %mul3A_3 : i32
    %mul3A_5 = arith.constant 632 : i32
    %mul3A_6 = arith.muli %arg1, %mul3A_5 : i32
    "tpu.region"() ({
      %run_scoped3A_44 = tpu.sem_alloc : memref<!tpu.dma_semaphore, #tpu.memory_space<semaphore_mem>>
      %dma_start3A_45 = arith.constant 0 : i32
      %dma_start3A_46 = tpu.memref_slice %arg12[%mul3A_6, %dma_start3A_45] : memref<10112x128xf32, #tpu.memory_space<vmem_shared>> -> memref<632x128xf32, #tpu.memory_space<vmem_shared>>
      tpu.enqueue_dma source(%arg5 : memref<632x128xf32, #tpu.memory_space<hbm>>) target(%dma_start3A_46 : memref<632x128xf32, #tpu.memory_space<vmem_shared>>) target_semaphore(%run_scoped3A_44 : memref<!tpu.dma_semaphore, #tpu.memory_space<semaphore_mem>>)
      %dma_wait3A_47 = arith.constant 0 : i32
      %dma_wait3A_48 = tpu.memref_slice %arg12[%mul3A_6, %dma_wait3A_47] : memref<10112x128xf32, #tpu.memory_space<vmem_shared>> -> memref<632x128xf32, #tpu.memory_space<vmem_shared>>
      tpu.wait_dma2 semaphore(%run_scoped3A_44 : memref<!tpu.dma_semaphore, #tpu.memory_space<semaphore_mem>>) src(%arg5 : memref<632x128xf32, #tpu.memory_space<hbm>>) dst(%dma_wait3A_48 : memref<632x128xf32, #tpu.memory_space<vmem_shared>>)
      tpu.yield
    }) : () -> ()
    "tpu.region"() ({
      %run_scoped3A_44 = tpu.sem_alloc : memref<!tpu.dma_semaphore, #tpu.memory_space<semaphore_mem>>
      %dma_start3A_45 = arith.constant 0 : i32
      %dma_start3A_46 = arith.constant 0 : i32
      %dma_start3A_47 = tpu.memref_slice %arg4[%add3A, %dma_start3A_45, %dma_start3A_46] : memref<32x125x80xi32, #tpu.memory_space<hbm>> -> memref<1x125x80xi32, #tpu.memory_space<hbm>>
      %dma_start3A_48 = tpu.memref_squeeze %dma_start3A_47 : memref<1x125x80xi32, #tpu.memory_space<hbm>> -> memref<125x80xi32, #tpu.memory_space<hbm>>
      %dma_start3A_49 = arith.constant 0 : i32
      %dma_start3A_50 = arith.constant 0 : i32
      %dma_start3A_51 = tpu.memref_slice %arg4[%add3A, %dma_start3A_49, %dma_start3A_50] : memref<32x125x80xi32, #tpu.memory_space<hbm>> -> memref<1x125x80xi32, #tpu.memory_space<hbm>>
      %dma_start3A_52 = tpu.memref_squeeze %dma_start3A_51 : memref<1x125x80xi32, #tpu.memory_space<hbm>> -> memref<125x80xi32, #tpu.memory_space<hbm>>
      tpu.enqueue_dma source(%dma_start3A_52 : memref<125x80xi32, #tpu.memory_space<hbm>>) target(%arg8 : memref<125x80xi32, #tpu.memory_space<vmem>>) target_semaphore(%run_scoped3A_44 : memref<!tpu.dma_semaphore, #tpu.memory_space<semaphore_mem>>)
      %dma_wait3A_53 = arith.constant 0 : i32
      %dma_wait3A_54 = arith.constant 0 : i32
      %dma_wait3A_55 = tpu.memref_slice %arg4[%add3A, %dma_wait3A_53, %dma_wait3A_54] : memref<32x125x80xi32, #tpu.memory_space<hbm>> -> memref<1x125x80xi32, #tpu.memory_space<hbm>>
      %dma_wait3A_56 = tpu.memref_squeeze %dma_wait3A_55 : memref<1x125x80xi32, #tpu.memory_space<hbm>> -> memref<125x80xi32, #tpu.memory_space<hbm>>
      %dma_wait3A_57 = arith.constant 0 : i32
      %dma_wait3A_58 = arith.constant 0 : i32
      %dma_wait3A_59 = tpu.memref_slice %arg4[%add3A, %dma_wait3A_57, %dma_wait3A_58] : memref<32x125x80xi32, #tpu.memory_space<hbm>> -> memref<1x125x80xi32, #tpu.memory_space<hbm>>
      %dma_wait3A_60 = tpu.memref_squeeze %dma_wait3A_59 : memref<1x125x80xi32, #tpu.memory_space<hbm>> -> memref<125x80xi32, #tpu.memory_space<hbm>>
      tpu.wait_dma2 semaphore(%run_scoped3A_44 : memref<!tpu.dma_semaphore, #tpu.memory_space<semaphore_mem>>) src(%dma_wait3A_60 : memref<125x80xi32, #tpu.memory_space<hbm>>) dst(%arg8 : memref<125x80xi32, #tpu.memory_space<vmem>>)
      tpu.yield
    }) : () -> ()
    %barrier3A = arith.constant 0 : index
    tpu.barrier barrier_id(%barrier3A)
    %add3A_7 = arith.constant 0 : i32
    %add3A_8 = arith.addi %mul3A_4, %add3A_7 : i32
    %dma_start3A = arith.constant 0 : i32
    %dma_start3A_9 = tpu.memref_slice %arg2[%add3A_8, %dma_start3A] : memref<320000x128xf32, #tpu.memory_space<hbm>> -> memref<80x128xf32, #tpu.memory_space<hbm>>
    %dma_start3A_10 = arith.constant 0 : i32
    %dma_start3A_11 = tpu.memref_slice %arg2[%add3A_8, %dma_start3A_10] : memref<320000x128xf32, #tpu.memory_space<hbm>> -> memref<80x128xf32, #tpu.memory_space<hbm>>
    tpu.enqueue_dma source(%dma_start3A_11 : memref<80x128xf32, #tpu.memory_space<hbm>>) target(%arg9 : memref<80x128xf32, #tpu.memory_space<vmem>>) target_semaphore(%arg13 : memref<!tpu.dma_semaphore, #tpu.memory_space<semaphore_mem>>)
    %add3A_12 = arith.constant 80 : i32
    %add3A_13 = arith.addi %mul3A_4, %add3A_12 : i32
    %dma_start3A_14 = arith.constant 0 : i32
    %dma_start3A_15 = tpu.memref_slice %arg2[%add3A_13, %dma_start3A_14] : memref<320000x128xf32, #tpu.memory_space<hbm>> -> memref<80x128xf32, #tpu.memory_space<hbm>>
    %dma_start3A_16 = arith.constant 0 : i32
    %dma_start3A_17 = tpu.memref_slice %arg2[%add3A_13, %dma_start3A_16] : memref<320000x128xf32, #tpu.memory_space<hbm>> -> memref<80x128xf32, #tpu.memory_space<hbm>>
    tpu.enqueue_dma source(%dma_start3A_17 : memref<80x128xf32, #tpu.memory_space<hbm>>) target(%arg11 : memref<80x128xf32, #tpu.memory_space<vmem>>) target_semaphore(%arg14 : memref<!tpu.dma_semaphore, #tpu.memory_space<semaphore_mem>>)
    %scan3A = arith.constant 0 : i32
    %scan3A_18 = arith.constant 0 : i32
    %scan3A_19 = arith.constant 62 : i32
    %scan3A_20 = arith.addi %scan3A_18, %scan3A_19 : i32
    %scan3A_21 = arith.constant 1 : i32
    scf.for %scan3A_44 = %scan3A_18 to %scan3A_20 step %scan3A_21  : i32 {
      %mul3A_45 = arith.constant 2 : i32
      %mul3A_46 = arith.muli %scan3A_44, %mul3A_45 : i32
      %add3A_47 = arith.constant 0 : i32
      %add3A_48 = arith.addi %mul3A_46, %add3A_47 : i32
      %mul3A_49 = arith.constant 80 : i32
      %mul3A_50 = arith.muli %add3A_48, %mul3A_49 : i32
      %add3A_51 = arith.addi %mul3A_4, %mul3A_50 : i32
      %dma_wait3A_52 = arith.constant 0 : i32
      %dma_wait3A_53 = tpu.memref_slice %arg2[%add3A_51, %dma_wait3A_52] : memref<320000x128xf32, #tpu.memory_space<hbm>> -> memref<80x128xf32, #tpu.memory_space<hbm>>
      %dma_wait3A_54 = arith.constant 0 : i32
      %dma_wait3A_55 = tpu.memref_slice %arg2[%add3A_51, %dma_wait3A_54] : memref<320000x128xf32, #tpu.memory_space<hbm>> -> memref<80x128xf32, #tpu.memory_space<hbm>>
      tpu.wait_dma2 semaphore(%arg13 : memref<!tpu.dma_semaphore, #tpu.memory_space<semaphore_mem>>) src(%dma_wait3A_55 : memref<80x128xf32, #tpu.memory_space<hbm>>) dst(%arg9 : memref<80x128xf32, #tpu.memory_space<vmem>>)
      "tpu.region"() ({
        %run_scoped3A_76 = tpu.sem_alloc : memref<!tpu.dma_semaphore, #tpu.memory_space<semaphore_mem>>
        %dma_start3A_77 = arith.constant 0 : i32
        %dma_start3A_78 = tpu.memref_slice %arg8[%add3A_48, %dma_start3A_77] : memref<125x80xi32, #tpu.memory_space<vmem>> -> memref<1x80xi32, #tpu.memory_space<vmem>>
        %dma_start3A_79 = tpu.memref_squeeze %dma_start3A_78 : memref<1x80xi32, #tpu.memory_space<vmem>> -> memref<80xi32, #tpu.memory_space<vmem>>
        %dma_start3A_80 = arith.constant 0 : i32
        %dma_start3A_81 = arith.constant 0 : i32
        %dma_start3A_82 = tpu.memref_slice %arg12[%dma_start3A_80, %dma_start3A_81] : memref<10112x128xf32, #tpu.memory_space<vmem_shared>> -> memref<10112x128xf32, #tpu.memory_space<vmem_shared>>
        tpu.enqueue_indirect_dma source(%arg9 : memref<80x128xf32, #tpu.memory_space<vmem>>) target(%dma_start3A_82 : memref<10112x128xf32, #tpu.memory_space<vmem_shared>>) offsets(%dma_start3A_79 : memref<80xi32, #tpu.memory_space<vmem>>) semaphore(%run_scoped3A_76 : memref<!tpu.dma_semaphore, #tpu.memory_space<semaphore_mem>>) {add = true}
        %dma_wait3A_83 = arith.constant 0 : i32
        %dma_wait3A_84 = tpu.memref_slice %arg8[%add3A_48, %dma_wait3A_83] : memref<125x80xi32, #tpu.memory_space<vmem>> -> memref<1x80xi32, #tpu.memory_space<vmem>>
        %dma_wait3A_85 = tpu.memref_squeeze %dma_wait3A_84 : memref<1x80xi32, #tpu.memory_space<vmem>> -> memref<80xi32, #tpu.memory_space<vmem>>
        %dma_wait3A_86 = arith.constant 0 : i32
        %dma_wait3A_87 = arith.constant 0 : i32
        %dma_wait3A_88 = tpu.memref_slice %arg12[%dma_wait3A_86, %dma_wait3A_87] : memref<10112x128xf32, #tpu.memory_space<vmem_shared>> -> memref<10112x128xf32, #tpu.memory_space<vmem_shared>>
        tpu.wait_indirect_dma semaphore(%run_scoped3A_76 : memref<!tpu.dma_semaphore, #tpu.memory_space<semaphore_mem>>) src(%arg9 : memref<80x128xf32, #tpu.memory_space<vmem>>) dst(%dma_wait3A_88 : memref<10112x128xf32, #tpu.memory_space<vmem_shared>>)
        tpu.yield
      }) : () -> ()
      %add3A_56 = arith.constant 2 : i32
      %add3A_57 = arith.addi %add3A_48, %add3A_56 : i32
      %lt3A = arith.constant 125 : i32
      %lt3A_58 = arith.cmpi slt, %add3A_57, %lt3A : i32
      %convert_element_type3A = arith.extui %lt3A_58 : i1 to i32
      %cond3A = arith.constant 0 : i32
      %cond3A_59 = arith.cmpi ne, %convert_element_type3A, %cond3A : i32
      scf.if %cond3A_59 {
        %mul3A_76 = arith.constant 80 : i32
        %mul3A_77 = arith.muli %add3A_57, %mul3A_76 : i32
        %add3A_78 = arith.addi %mul3A_4, %mul3A_77 : i32
        %dma_start3A_79 = arith.constant 0 : i32
        %dma_start3A_80 = tpu.memref_slice %arg2[%add3A_78, %dma_start3A_79] : memref<320000x128xf32, #tpu.memory_space<hbm>> -> memref<80x128xf32, #tpu.memory_space<hbm>>
        %dma_start3A_81 = arith.constant 0 : i32
        %dma_start3A_82 = tpu.memref_slice %arg2[%add3A_78, %dma_start3A_81] : memref<320000x128xf32, #tpu.memory_space<hbm>> -> memref<80x128xf32, #tpu.memory_space<hbm>>
        tpu.enqueue_dma source(%dma_start3A_82 : memref<80x128xf32, #tpu.memory_space<hbm>>) target(%arg9 : memref<80x128xf32, #tpu.memory_space<vmem>>) target_semaphore(%arg13 : memref<!tpu.dma_semaphore, #tpu.memory_space<semaphore_mem>>)
      } else {
      }
      %add3A_60 = arith.constant 1 : i32
      %add3A_61 = arith.addi %mul3A_46, %add3A_60 : i32
      %mul3A_62 = arith.constant 80 : i32
      %mul3A_63 = arith.muli %add3A_61, %mul3A_62 : i32
      %add3A_64 = arith.addi %mul3A_4, %mul3A_63 : i32
      %dma_wait3A_65 = arith.constant 0 : i32
      %dma_wait3A_66 = tpu.memref_slice %arg2[%add3A_64, %dma_wait3A_65] : memref<320000x128xf32, #tpu.memory_space<hbm>> -> memref<80x128xf32, #tpu.memory_space<hbm>>
      %dma_wait3A_67 = arith.constant 0 : i32
      %dma_wait3A_68 = tpu.memref_slice %arg2[%add3A_64, %dma_wait3A_67] : memref<320000x128xf32, #tpu.memory_space<hbm>> -> memref<80x128xf32, #tpu.memory_space<hbm>>
      tpu.wait_dma2 semaphore(%arg14 : memref<!tpu.dma_semaphore, #tpu.memory_space<semaphore_mem>>) src(%dma_wait3A_68 : memref<80x128xf32, #tpu.memory_space<hbm>>) dst(%arg11 : memref<80x128xf32, #tpu.memory_space<vmem>>)
      "tpu.region"() ({
        %run_scoped3A_76 = tpu.sem_alloc : memref<!tpu.dma_semaphore, #tpu.memory_space<semaphore_mem>>
        %dma_start3A_77 = arith.constant 0 : i32
        %dma_start3A_78 = tpu.memref_slice %arg8[%add3A_61, %dma_start3A_77] : memref<125x80xi32, #tpu.memory_space<vmem>> -> memref<1x80xi32, #tpu.memory_space<vmem>>
        %dma_start3A_79 = tpu.memref_squeeze %dma_start3A_78 : memref<1x80xi32, #tpu.memory_space<vmem>> -> memref<80xi32, #tpu.memory_space<vmem>>
        %dma_start3A_80 = arith.constant 0 : i32
        %dma_start3A_81 = arith.constant 0 : i32
        %dma_start3A_82 = tpu.memref_slice %arg12[%dma_start3A_80, %dma_start3A_81] : memref<10112x128xf32, #tpu.memory_space<vmem_shared>> -> memref<10112x128xf32, #tpu.memory_space<vmem_shared>>
        tpu.enqueue_indirect_dma source(%arg11 : memref<80x128xf32, #tpu.memory_space<vmem>>) target(%dma_start3A_82 : memref<10112x128xf32, #tpu.memory_space<vmem_shared>>) offsets(%dma_start3A_79 : memref<80xi32, #tpu.memory_space<vmem>>) semaphore(%run_scoped3A_76 : memref<!tpu.dma_semaphore, #tpu.memory_space<semaphore_mem>>) {add = true}
        %dma_wait3A_83 = arith.constant 0 : i32
        %dma_wait3A_84 = tpu.memref_slice %arg8[%add3A_61, %dma_wait3A_83] : memref<125x80xi32, #tpu.memory_space<vmem>> -> memref<1x80xi32, #tpu.memory_space<vmem>>
        %dma_wait3A_85 = tpu.memref_squeeze %dma_wait3A_84 : memref<1x80xi32, #tpu.memory_space<vmem>> -> memref<80xi32, #tpu.memory_space<vmem>>
        %dma_wait3A_86 = arith.constant 0 : i32
        %dma_wait3A_87 = arith.constant 0 : i32
        %dma_wait3A_88 = tpu.memref_slice %arg12[%dma_wait3A_86, %dma_wait3A_87] : memref<10112x128xf32, #tpu.memory_space<vmem_shared>> -> memref<10112x128xf32, #tpu.memory_space<vmem_shared>>
        tpu.wait_indirect_dma semaphore(%run_scoped3A_76 : memref<!tpu.dma_semaphore, #tpu.memory_space<semaphore_mem>>) src(%arg11 : memref<80x128xf32, #tpu.memory_space<vmem>>) dst(%dma_wait3A_88 : memref<10112x128xf32, #tpu.memory_space<vmem_shared>>)
        tpu.yield
      }) : () -> ()
      %add3A_69 = arith.constant 2 : i32
      %add3A_70 = arith.addi %add3A_61, %add3A_69 : i32
      %lt3A_71 = arith.constant 125 : i32
      %lt3A_72 = arith.cmpi slt, %add3A_70, %lt3A_71 : i32
      %convert_element_type3A_73 = arith.extui %lt3A_72 : i1 to i32
      %cond3A_74 = arith.constant 0 : i32
      %cond3A_75 = arith.cmpi ne, %convert_element_type3A_73, %cond3A_74 : i32
      scf.if %cond3A_75 {
        %mul3A_76 = arith.constant 80 : i32
        %mul3A_77 = arith.muli %add3A_70, %mul3A_76 : i32
        %add3A_78 = arith.addi %mul3A_4, %mul3A_77 : i32
        %dma_start3A_79 = arith.constant 0 : i32
        %dma_start3A_80 = tpu.memref_slice %arg2[%add3A_78, %dma_start3A_79] : memref<320000x128xf32, #tpu.memory_space<hbm>> -> memref<80x128xf32, #tpu.memory_space<hbm>>
        %dma_start3A_81 = arith.constant 0 : i32
        %dma_start3A_82 = tpu.memref_slice %arg2[%add3A_78, %dma_start3A_81] : memref<320000x128xf32, #tpu.memory_space<hbm>> -> memref<80x128xf32, #tpu.memory_space<hbm>>
        tpu.enqueue_dma source(%dma_start3A_82 : memref<80x128xf32, #tpu.memory_space<hbm>>) target(%arg11 : memref<80x128xf32, #tpu.memory_space<vmem>>) target_semaphore(%arg14 : memref<!tpu.dma_semaphore, #tpu.memory_space<semaphore_mem>>)
      } else {
      }
    }
    %scan3A_22 = arith.constant 62 : i32
    %add3A_23 = arith.constant 9920 : i32
    %add3A_24 = arith.addi %mul3A_4, %add3A_23 : i32
    %dma_wait3A = arith.constant 0 : i32
    %dma_wait3A_25 = tpu.memref_slice %arg2[%add3A_24, %dma_wait3A] : memref<320000x128xf32, #tpu.memory_space<hbm>> -> memref<80x128xf32, #tpu.memory_space<hbm>>
    %dma_wait3A_26 = arith.constant 0 : i32
    %dma_wait3A_27 = tpu.memref_slice %arg2[%add3A_24, %dma_wait3A_26] : memref<320000x128xf32, #tpu.memory_space<hbm>> -> memref<80x128xf32, #tpu.memory_space<hbm>>
    tpu.wait_dma2 semaphore(%arg13 : memref<!tpu.dma_semaphore, #tpu.memory_space<semaphore_mem>>) src(%dma_wait3A_27 : memref<80x128xf32, #tpu.memory_space<hbm>>) dst(%arg9 : memref<80x128xf32, #tpu.memory_space<vmem>>)
    %run_scoped3A = arith.constant 124 : i32
    "tpu.region"() ({
      %run_scoped3A_44 = tpu.sem_alloc : memref<!tpu.dma_semaphore, #tpu.memory_space<semaphore_mem>>
      %dma_start3A_45 = arith.constant 0 : i32
      %dma_start3A_46 = tpu.memref_slice %arg8[%run_scoped3A, %dma_start3A_45] : memref<125x80xi32, #tpu.memory_space<vmem>> -> memref<1x80xi32, #tpu.memory_space<vmem>>
      %dma_start3A_47 = tpu.memref_squeeze %dma_start3A_46 : memref<1x80xi32, #tpu.memory_space<vmem>> -> memref<80xi32, #tpu.memory_space<vmem>>
      %dma_start3A_48 = arith.constant 0 : i32
      %dma_start3A_49 = arith.constant 0 : i32
      %dma_start3A_50 = tpu.memref_slice %arg12[%dma_start3A_48, %dma_start3A_49] : memref<10112x128xf32, #tpu.memory_space<vmem_shared>> -> memref<10112x128xf32, #tpu.memory_space<vmem_shared>>
      tpu.enqueue_indirect_dma source(%arg9 : memref<80x128xf32, #tpu.memory_space<vmem>>) target(%dma_start3A_50 : memref<10112x128xf32, #tpu.memory_space<vmem_shared>>) offsets(%dma_start3A_47 : memref<80xi32, #tpu.memory_space<vmem>>) semaphore(%run_scoped3A_44 : memref<!tpu.dma_semaphore, #tpu.memory_space<semaphore_mem>>) {add = true}
      %dma_wait3A_51 = arith.constant 0 : i32
      %dma_wait3A_52 = tpu.memref_slice %arg8[%run_scoped3A, %dma_wait3A_51] : memref<125x80xi32, #tpu.memory_space<vmem>> -> memref<1x80xi32, #tpu.memory_space<vmem>>
      %dma_wait3A_53 = tpu.memref_squeeze %dma_wait3A_52 : memref<1x80xi32, #tpu.memory_space<vmem>> -> memref<80xi32, #tpu.memory_space<vmem>>
      %dma_wait3A_54 = arith.constant 0 : i32
      %dma_wait3A_55 = arith.constant 0 : i32
      %dma_wait3A_56 = tpu.memref_slice %arg12[%dma_wait3A_54, %dma_wait3A_55] : memref<10112x128xf32, #tpu.memory_space<vmem_shared>> -> memref<10112x128xf32, #tpu.memory_space<vmem_shared>>
      tpu.wait_indirect_dma semaphore(%run_scoped3A_44 : memref<!tpu.dma_semaphore, #tpu.memory_space<semaphore_mem>>) src(%arg9 : memref<80x128xf32, #tpu.memory_space<vmem>>) dst(%dma_wait3A_56 : memref<10112x128xf32, #tpu.memory_space<vmem_shared>>)
      tpu.yield
    }) : () -> ()
    %barrier3A_28 = arith.constant 0 : index
    tpu.barrier barrier_id(%barrier3A_28)
    "tpu.region"() ({
      %run_scoped3A_44 = tpu.sem_alloc : memref<!tpu.dma_semaphore, #tpu.memory_space<semaphore_mem>>
      %dma_start3A_45 = arith.constant 0 : i32
      %dma_start3A_46 = tpu.memref_slice %arg6[%arg0, %mul3A_6, %dma_start3A_45] : memref<2x10112x128xf32, #tpu.memory_space<hbm>> -> memref<1x632x128xf32, #tpu.memory_space<hbm>>
      %dma_start3A_47 = tpu.memref_squeeze %dma_start3A_46 : memref<1x632x128xf32, #tpu.memory_space<hbm>> -> memref<632x128xf32, #tpu.memory_space<hbm>>
      %dma_start3A_48 = arith.constant 0 : i32
      %dma_start3A_49 = tpu.memref_slice %arg12[%mul3A_6, %dma_start3A_48] : memref<10112x128xf32, #tpu.memory_space<vmem_shared>> -> memref<632x128xf32, #tpu.memory_space<vmem_shared>>
      tpu.enqueue_dma source(%dma_start3A_49 : memref<632x128xf32, #tpu.memory_space<vmem_shared>>) target(%dma_start3A_47 : memref<632x128xf32, #tpu.memory_space<hbm>>) target_semaphore(%run_scoped3A_44 : memref<!tpu.dma_semaphore, #tpu.memory_space<semaphore_mem>>)
      %dma_wait3A_50 = arith.constant 0 : i32
      %dma_wait3A_51 = tpu.memref_slice %arg6[%arg0, %mul3A_6, %dma_wait3A_50] : memref<2x10112x128xf32, #tpu.memory_space<hbm>> -> memref<1x632x128xf32, #tpu.memory_space<hbm>>
      %dma_wait3A_52 = tpu.memref_squeeze %dma_wait3A_51 : memref<1x632x128xf32, #tpu.memory_space<hbm>> -> memref<632x128xf32, #tpu.memory_space<hbm>>
      %dma_wait3A_53 = arith.constant 0 : i32
      %dma_wait3A_54 = tpu.memref_slice %arg12[%mul3A_6, %dma_wait3A_53] : memref<10112x128xf32, #tpu.memory_space<vmem_shared>> -> memref<632x128xf32, #tpu.memory_space<vmem_shared>>
      tpu.wait_dma2 semaphore(%run_scoped3A_44 : memref<!tpu.dma_semaphore, #tpu.memory_space<semaphore_mem>>) src(%dma_wait3A_54 : memref<632x128xf32, #tpu.memory_space<vmem_shared>>) dst(%dma_wait3A_52 : memref<632x128xf32, #tpu.memory_space<hbm>>)
      tpu.yield
    }) : () -> ()
    %barrier3A_29 = arith.constant 0 : index
    tpu.barrier barrier_id(%barrier3A_29)
    "tpu.region"() ({
      %run_scoped3A_44 = tpu.sem_alloc : memref<!tpu.dma_semaphore, #tpu.memory_space<semaphore_mem>>
      %dma_start3A_45 = arith.constant 0 : i32
      %dma_start3A_46 = tpu.memref_slice %arg12[%mul3A_6, %dma_start3A_45] : memref<10112x128xf32, #tpu.memory_space<vmem_shared>> -> memref<632x128xf32, #tpu.memory_space<vmem_shared>>
      tpu.enqueue_dma source(%arg5 : memref<632x128xf32, #tpu.memory_space<hbm>>) target(%dma_start3A_46 : memref<632x128xf32, #tpu.memory_space<vmem_shared>>) target_semaphore(%run_scoped3A_44 : memref<!tpu.dma_semaphore, #tpu.memory_space<semaphore_mem>>)
      %dma_wait3A_47 = arith.constant 0 : i32
      %dma_wait3A_48 = tpu.memref_slice %arg12[%mul3A_6, %dma_wait3A_47] : memref<10112x128xf32, #tpu.memory_space<vmem_shared>> -> memref<632x128xf32, #tpu.memory_space<vmem_shared>>
      tpu.wait_dma2 semaphore(%run_scoped3A_44 : memref<!tpu.dma_semaphore, #tpu.memory_space<semaphore_mem>>) src(%arg5 : memref<632x128xf32, #tpu.memory_space<hbm>>) dst(%dma_wait3A_48 : memref<632x128xf32, #tpu.memory_space<vmem_shared>>)
      tpu.yield
    }) : () -> ()
    "tpu.region"() ({
      %run_scoped3A_44 = tpu.sem_alloc : memref<!tpu.dma_semaphore, #tpu.memory_space<semaphore_mem>>
      %dma_start3A_45 = arith.constant 0 : i32
      %dma_start3A_46 = arith.constant 0 : i32
      %dma_start3A_47 = tpu.memref_slice %arg5[%dma_start3A_45, %dma_start3A_46] : memref<632x128xf32, #tpu.memory_space<hbm>> -> memref<80x128xf32, #tpu.memory_space<hbm>>
      %dma_start3A_48 = arith.constant 0 : i32
      %dma_start3A_49 = arith.constant 0 : i32
      %dma_start3A_50 = tpu.memref_slice %arg5[%dma_start3A_48, %dma_start3A_49] : memref<632x128xf32, #tpu.memory_space<hbm>> -> memref<80x128xf32, #tpu.memory_space<hbm>>
      tpu.enqueue_dma source(%dma_start3A_50 : memref<80x128xf32, #tpu.memory_space<hbm>>) target(%arg9 : memref<80x128xf32, #tpu.memory_space<vmem>>) target_semaphore(%run_scoped3A_44 : memref<!tpu.dma_semaphore, #tpu.memory_space<semaphore_mem>>)
      %dma_wait3A_51 = arith.constant 0 : i32
      %dma_wait3A_52 = arith.constant 0 : i32
      %dma_wait3A_53 = tpu.memref_slice %arg5[%dma_wait3A_51, %dma_wait3A_52] : memref<632x128xf32, #tpu.memory_space<hbm>> -> memref<80x128xf32, #tpu.memory_space<hbm>>
      %dma_wait3A_54 = arith.constant 0 : i32
      %dma_wait3A_55 = arith.constant 0 : i32
      %dma_wait3A_56 = tpu.memref_slice %arg5[%dma_wait3A_54, %dma_wait3A_55] : memref<632x128xf32, #tpu.memory_space<hbm>> -> memref<80x128xf32, #tpu.memory_space<hbm>>
      tpu.wait_dma2 semaphore(%run_scoped3A_44 : memref<!tpu.dma_semaphore, #tpu.memory_space<semaphore_mem>>) src(%dma_wait3A_56 : memref<80x128xf32, #tpu.memory_space<hbm>>) dst(%arg9 : memref<80x128xf32, #tpu.memory_space<vmem>>)
      tpu.yield
    }) : () -> ()
    %barrier3A_30 = arith.constant 0 : index
    tpu.barrier barrier_id(%barrier3A_30)
    %add3A_31 = arith.constant 0 : i32
    %add3A_32 = arith.addi %mul3A_4, %add3A_31 : i32
    %dma_start3A_33 = arith.constant 0 : i32
    %dma_start3A_34 = tpu.memref_slice %arg3[%add3A_32, %dma_start3A_33] : memref<320000x16xf32, #tpu.memory_space<hbm>> -> memref<80x16xf32, #tpu.memory_space<hbm>>
    %dma_start3A_35 = arith.constant 0 : i32
    %dma_start3A_36 = tpu.memref_slice %arg3[%add3A_32, %dma_start3A_35] : memref<320000x16xf32, #tpu.memory_space<hbm>> -> memref<80x16xf32, #tpu.memory_space<hbm>>
    tpu.enqueue_dma source(%dma_start3A_36 : memref<80x16xf32, #tpu.memory_space<hbm>>) target(%arg10 : memref<80x16xf32, #tpu.memory_space<vmem>>) target_semaphore(%arg13 : memref<!tpu.dma_semaphore, #tpu.memory_space<semaphore_mem>>)
    %scan3A_37 = arith.constant 0 : i32
    %scan3A_38 = arith.constant 0 : i32
    %scan3A_39 = arith.constant 125 : i32
    %scan3A_40 = arith.addi %scan3A_38, %scan3A_39 : i32
    %scan3A_41 = arith.constant 1 : i32
    scf.for %scan3A_44 = %scan3A_38 to %scan3A_40 step %scan3A_41  : i32 {
      %mul3A_45 = arith.constant 80 : i32
      %mul3A_46 = arith.muli %scan3A_44, %mul3A_45 : i32
      %add3A_47 = arith.addi %mul3A_4, %mul3A_46 : i32
      %dma_wait3A_48 = arith.constant 0 : i32
      %dma_wait3A_49 = tpu.memref_slice %arg3[%add3A_47, %dma_wait3A_48] : memref<320000x16xf32, #tpu.memory_space<hbm>> -> memref<80x16xf32, #tpu.memory_space<hbm>>
      %dma_wait3A_50 = arith.constant 0 : i32
      %dma_wait3A_51 = tpu.memref_slice %arg3[%add3A_47, %dma_wait3A_50] : memref<320000x16xf32, #tpu.memory_space<hbm>> -> memref<80x16xf32, #tpu.memory_space<hbm>>
      tpu.wait_dma2 semaphore(%arg13 : memref<!tpu.dma_semaphore, #tpu.memory_space<semaphore_mem>>) src(%dma_wait3A_51 : memref<80x16xf32, #tpu.memory_space<hbm>>) dst(%arg10 : memref<80x16xf32, #tpu.memory_space<vmem>>)
      %scan3A_52 = arith.constant 0 : i32
      %scan3A_53 = arith.constant 0 : i32
      %scan3A_54 = arith.constant 80 : i32
      %scan3A_55 = arith.addi %scan3A_53, %scan3A_54 : i32
      %scan3A_56 = arith.constant 1 : i32
      scf.for %scan3A_62 = %scan3A_53 to %scan3A_55 step %scan3A_56  : i32 {
        %get3A = arith.index_cast %scan3A_62 : i32 to index
        %get3A_63 = arith.constant 0 : index
        %get3A_64 = tpu.vector_load %arg10[%get3A, %get3A_63] {strides = array<i32>} : memref<80x16xf32, #tpu.memory_space<vmem>>, vector<16xf32>,
        %swap3A = arith.index_cast %scan3A_62 : i32 to index
        %swap3A_65 = arith.constant 0 : index
        %swap3A_66 = tpu.vector_load %arg9[%swap3A, %swap3A_65] {strides = array<i32>} : memref<80x128xf32, #tpu.memory_space<vmem>>, vector<16xf32>,
        tpu.vector_store %arg9[%swap3A, %swap3A_65], %get3A_64 {strides = array<i32>} : memref<80x128xf32, #tpu.memory_space<vmem>>, vector<16xf32>,
      }
      %scan3A_57 = arith.constant 80 : i32
      %add3A_58 = arith.constant 1 : i32
      %add3A_59 = arith.addi %scan3A_44, %add3A_58 : i32
      %lt3A = arith.constant 125 : i32
      %lt3A_60 = arith.cmpi slt, %add3A_59, %lt3A : i32
      %convert_element_type3A = arith.extui %lt3A_60 : i1 to i32
      %cond3A = arith.constant 0 : i32
      %cond3A_61 = arith.cmpi ne, %convert_element_type3A, %cond3A : i32
      scf.if %cond3A_61 {
        %add3A_62 = arith.constant 1 : i32
        %add3A_63 = arith.addi %scan3A_44, %add3A_62 : i32
        %mul3A_64 = arith.constant 80 : i32
        %mul3A_65 = arith.muli %add3A_63, %mul3A_64 : i32
        %add3A_66 = arith.addi %mul3A_4, %mul3A_65 : i32
        %dma_start3A_67 = arith.constant 0 : i32
        %dma_start3A_68 = tpu.memref_slice %arg3[%add3A_66, %dma_start3A_67] : memref<320000x16xf32, #tpu.memory_space<hbm>> -> memref<80x16xf32, #tpu.memory_space<hbm>>
        %dma_start3A_69 = arith.constant 0 : i32
        %dma_start3A_70 = tpu.memref_slice %arg3[%add3A_66, %dma_start3A_69] : memref<320000x16xf32, #tpu.memory_space<hbm>> -> memref<80x16xf32, #tpu.memory_space<hbm>>
        tpu.enqueue_dma source(%dma_start3A_70 : memref<80x16xf32, #tpu.memory_space<hbm>>) target(%arg10 : memref<80x16xf32, #tpu.memory_space<vmem>>) target_semaphore(%arg13 : memref<!tpu.dma_semaphore, #tpu.memory_space<semaphore_mem>>)
      } else {
      }
      "tpu.region"() ({
        %run_scoped3A_62 = tpu.sem_alloc : memref<!tpu.dma_semaphore, #tpu.memory_space<semaphore_mem>>
        %dma_start3A_63 = arith.constant 0 : i32
        %dma_start3A_64 = tpu.memref_slice %arg8[%scan3A_44, %dma_start3A_63] : memref<125x80xi32, #tpu.memory_space<vmem>> -> memref<1x80xi32, #tpu.memory_space<vmem>>
        %dma_start3A_65 = tpu.memref_squeeze %dma_start3A_64 : memref<1x80xi32, #tpu.memory_space<vmem>> -> memref<80xi32, #tpu.memory_space<vmem>>
        %dma_start3A_66 = arith.constant 0 : i32
        %dma_start3A_67 = arith.constant 0 : i32
        %dma_start3A_68 = tpu.memref_slice %arg12[%dma_start3A_66, %dma_start3A_67] : memref<10112x128xf32, #tpu.memory_space<vmem_shared>> -> memref<10112x128xf32, #tpu.memory_space<vmem_shared>>
        tpu.enqueue_indirect_dma source(%arg9 : memref<80x128xf32, #tpu.memory_space<vmem>>) target(%dma_start3A_68 : memref<10112x128xf32, #tpu.memory_space<vmem_shared>>) offsets(%dma_start3A_65 : memref<80xi32, #tpu.memory_space<vmem>>) semaphore(%run_scoped3A_62 : memref<!tpu.dma_semaphore, #tpu.memory_space<semaphore_mem>>) {add = true}
        %dma_wait3A_69 = arith.constant 0 : i32
        %dma_wait3A_70 = tpu.memref_slice %arg8[%scan3A_44, %dma_wait3A_69] : memref<125x80xi32, #tpu.memory_space<vmem>> -> memref<1x80xi32, #tpu.memory_space<vmem>>
        %dma_wait3A_71 = tpu.memref_squeeze %dma_wait3A_70 : memref<1x80xi32, #tpu.memory_space<vmem>> -> memref<80xi32, #tpu.memory_space<vmem>>
        %dma_wait3A_72 = arith.constant 0 : i32
        %dma_wait3A_73 = arith.constant 0 : i32
        %dma_wait3A_74 = tpu.memref_slice %arg12[%dma_wait3A_72, %dma_wait3A_73] : memref<10112x128xf32, #tpu.memory_space<vmem_shared>> -> memref<10112x128xf32, #tpu.memory_space<vmem_shared>>
        tpu.wait_indirect_dma semaphore(%run_scoped3A_62 : memref<!tpu.dma_semaphore, #tpu.memory_space<semaphore_mem>>) src(%arg9 : memref<80x128xf32, #tpu.memory_space<vmem>>) dst(%dma_wait3A_74 : memref<10112x128xf32, #tpu.memory_space<vmem_shared>>)
        tpu.yield
      }) : () -> ()
    }
    %scan3A_42 = arith.constant 125 : i32
    %barrier3A_43 = arith.constant 0 : index
    tpu.barrier barrier_id(%barrier3A_43)
    "tpu.region"() ({
      %run_scoped3A_44 = tpu.sem_alloc : memref<!tpu.dma_semaphore, #tpu.memory_space<semaphore_mem>>
      %dma_start3A_45 = arith.constant 0 : i32
      %dma_start3A_46 = tpu.memref_slice %arg7[%arg0, %mul3A_6, %dma_start3A_45] : memref<2x10112x128xf32, #tpu.memory_space<hbm>> -> memref<1x632x128xf32, #tpu.memory_space<hbm>>
      %dma_start3A_47 = tpu.memref_squeeze %dma_start3A_46 : memref<1x632x128xf32, #tpu.memory_space<hbm>> -> memref<632x128xf32, #tpu.memory_space<hbm>>
      %dma_start3A_48 = arith.constant 0 : i32
      %dma_start3A_49 = tpu.memref_slice %arg12[%mul3A_6, %dma_start3A_48] : memref<10112x128xf32, #tpu.memory_space<vmem_shared>> -> memref<632x128xf32, #tpu.memory_space<vmem_shared>>
      tpu.enqueue_dma source(%dma_start3A_49 : memref<632x128xf32, #tpu.memory_space<vmem_shared>>) target(%dma_start3A_47 : memref<632x128xf32, #tpu.memory_space<hbm>>) target_semaphore(%run_scoped3A_44 : memref<!tpu.dma_semaphore, #tpu.memory_space<semaphore_mem>>)
      %dma_wait3A_50 = arith.constant 0 : i32
      %dma_wait3A_51 = tpu.memref_slice %arg7[%arg0, %mul3A_6, %dma_wait3A_50] : memref<2x10112x128xf32, #tpu.memory_space<hbm>> -> memref<1x632x128xf32, #tpu.memory_space<hbm>>
      %dma_wait3A_52 = tpu.memref_squeeze %dma_wait3A_51 : memref<1x632x128xf32, #tpu.memory_space<hbm>> -> memref<632x128xf32, #tpu.memory_space<hbm>>
      %dma_wait3A_53 = arith.constant 0 : i32
      %dma_wait3A_54 = tpu.memref_slice %arg12[%mul3A_6, %dma_wait3A_53] : memref<10112x128xf32, #tpu.memory_space<vmem_shared>> -> memref<632x128xf32, #tpu.memory_space<vmem_shared>>
      tpu.wait_dma2 semaphore(%run_scoped3A_44 : memref<!tpu.dma_semaphore, #tpu.memory_space<semaphore_mem>>) src(%dma_wait3A_54 : memref<632x128xf32, #tpu.memory_space<vmem_shared>>) dst(%dma_wait3A_52 : memref<632x128xf32, #tpu.memory_space<hbm>>)
      tpu.yield
    }) : () -> ()
    return
  }
}

#map = affine_map<(d0, d1) -> (0, 0)>
#map1 = affine_map<(d0, d1) -> (0, 0, 0)>
module attributes {stable_mosaic.version = 14 : i64} {
  func.func @_sc_gather_b_body(%arg0: i32, %arg1: i32, %arg2: memref<10000x128xf32, #tpu.memory_space<hbm>>, %arg3: memref<32x125x80xi32, #tpu.memory_space<hbm>>, %arg4: memref<320000x16xf32, #tpu.memory_space<hbm>>, %arg5: memref<320000x128xf32, #tpu.memory_space<hbm>>, %arg6: memref<125x80xi32, #tpu.memory_space<vmem>>, %arg7: memref<80x128xf32, #tpu.memory_space<vmem>>, %arg8: memref<80x128xf32, #tpu.memory_space<vmem>>, %arg9: memref<8x16xf32, #tpu.memory_space<vmem>>, %arg10: memref<!tpu.dma_semaphore, #tpu.memory_space<semaphore_mem>>, %arg11: memref<!tpu.dma_semaphore, #tpu.memory_space<semaphore_mem>>, %arg12: memref<!tpu.dma_semaphore, #tpu.memory_space<semaphore_mem>>, %arg13: memref<!tpu.dma_semaphore, #tpu.memory_space<semaphore_mem>>) attributes {dimension_semantics = [#tpu.dimension_semantics<core_parallel>, #tpu.dimension_semantics<subcore_parallel>], iteration_bounds = array<i64: 2, 16>, scalar_prefetch = 0 : i64, scratch_operands = 8 : i64, tpu.core_type = #tpu.core_type<sc_vector_subcore>, window_params = [{transform_indices = #map}, {transform_indices = #map1}, {transform_indices = #map}, {transform_indices = #map}]} {
    "tpu.region"() ({
      %run_scoped3A = tpu.sem_alloc : memref<!tpu.dma_semaphore, #tpu.memory_space<semaphore_mem>>
      %dma_start3A_31 = arith.constant 0 : i32
      %dma_start3A_32 = arith.constant 0 : i32
      %dma_start3A_33 = tpu.memref_slice %arg4[%dma_start3A_31, %dma_start3A_32] : memref<320000x16xf32, #tpu.memory_space<hbm>> -> memref<8x16xf32, #tpu.memory_space<hbm>>
      %dma_start3A_34 = arith.constant 0 : i32
      %dma_start3A_35 = arith.constant 0 : i32
      %dma_start3A_36 = tpu.memref_slice %arg4[%dma_start3A_34, %dma_start3A_35] : memref<320000x16xf32, #tpu.memory_space<hbm>> -> memref<8x16xf32, #tpu.memory_space<hbm>>
      tpu.enqueue_dma source(%dma_start3A_36 : memref<8x16xf32, #tpu.memory_space<hbm>>) target(%arg9 : memref<8x16xf32, #tpu.memory_space<vmem>>) target_semaphore(%run_scoped3A : memref<!tpu.dma_semaphore, #tpu.memory_space<semaphore_mem>>)
      %dma_wait3A_37 = arith.constant 0 : i32
      %dma_wait3A_38 = arith.constant 0 : i32
      %dma_wait3A_39 = tpu.memref_slice %arg4[%dma_wait3A_37, %dma_wait3A_38] : memref<320000x16xf32, #tpu.memory_space<hbm>> -> memref<8x16xf32, #tpu.memory_space<hbm>>
      %dma_wait3A_40 = arith.constant 0 : i32
      %dma_wait3A_41 = arith.constant 0 : i32
      %dma_wait3A_42 = tpu.memref_slice %arg4[%dma_wait3A_40, %dma_wait3A_41] : memref<320000x16xf32, #tpu.memory_space<hbm>> -> memref<8x16xf32, #tpu.memory_space<hbm>>
      tpu.wait_dma2 semaphore(%run_scoped3A : memref<!tpu.dma_semaphore, #tpu.memory_space<semaphore_mem>>) src(%dma_wait3A_42 : memref<8x16xf32, #tpu.memory_space<hbm>>) dst(%arg9 : memref<8x16xf32, #tpu.memory_space<vmem>>)
      tpu.yield
    }) : () -> ()
    %mul3A = arith.constant 2 : i32
    %mul3A_0 = arith.muli %arg1, %mul3A : i32
    %add3A = arith.addi %mul3A_0, %arg0 : i32
    %mul3A_1 = arith.constant 125 : i32
    %mul3A_2 = arith.muli %add3A, %mul3A_1 : i32
    %mul3A_3 = arith.constant 80 : i32
    %mul3A_4 = arith.muli %mul3A_2, %mul3A_3 : i32
    "tpu.region"() ({
      %run_scoped3A = tpu.sem_alloc : memref<!tpu.dma_semaphore, #tpu.memory_space<semaphore_mem>>
      %dma_start3A_31 = arith.constant 0 : i32
      %dma_start3A_32 = arith.constant 0 : i32
      %dma_start3A_33 = tpu.memref_slice %arg3[%add3A, %dma_start3A_31, %dma_start3A_32] : memref<32x125x80xi32, #tpu.memory_space<hbm>> -> memref<1x125x80xi32, #tpu.memory_space<hbm>>
      %dma_start3A_34 = tpu.memref_squeeze %dma_start3A_33 : memref<1x125x80xi32, #tpu.memory_space<hbm>> -> memref<125x80xi32, #tpu.memory_space<hbm>>
      %dma_start3A_35 = arith.constant 0 : i32
      %dma_start3A_36 = arith.constant 0 : i32
      %dma_start3A_37 = tpu.memref_slice %arg3[%add3A, %dma_start3A_35, %dma_start3A_36] : memref<32x125x80xi32, #tpu.memory_space<hbm>> -> memref<1x125x80xi32, #tpu.memory_space<hbm>>
      %dma_start3A_38 = tpu.memref_squeeze %dma_start3A_37 : memref<1x125x80xi32, #tpu.memory_space<hbm>> -> memref<125x80xi32, #tpu.memory_space<hbm>>
      tpu.enqueue_dma source(%dma_start3A_38 : memref<125x80xi32, #tpu.memory_space<hbm>>) target(%arg6 : memref<125x80xi32, #tpu.memory_space<vmem>>) target_semaphore(%run_scoped3A : memref<!tpu.dma_semaphore, #tpu.memory_space<semaphore_mem>>)
      %dma_wait3A_39 = arith.constant 0 : i32
      %dma_wait3A_40 = arith.constant 0 : i32
      %dma_wait3A_41 = tpu.memref_slice %arg3[%add3A, %dma_wait3A_39, %dma_wait3A_40] : memref<32x125x80xi32, #tpu.memory_space<hbm>> -> memref<1x125x80xi32, #tpu.memory_space<hbm>>
      %dma_wait3A_42 = tpu.memref_squeeze %dma_wait3A_41 : memref<1x125x80xi32, #tpu.memory_space<hbm>> -> memref<125x80xi32, #tpu.memory_space<hbm>>
      %dma_wait3A_43 = arith.constant 0 : i32
      %dma_wait3A_44 = arith.constant 0 : i32
      %dma_wait3A_45 = tpu.memref_slice %arg3[%add3A, %dma_wait3A_43, %dma_wait3A_44] : memref<32x125x80xi32, #tpu.memory_space<hbm>> -> memref<1x125x80xi32, #tpu.memory_space<hbm>>
      %dma_wait3A_46 = tpu.memref_squeeze %dma_wait3A_45 : memref<1x125x80xi32, #tpu.memory_space<hbm>> -> memref<125x80xi32, #tpu.memory_space<hbm>>
      tpu.wait_dma2 semaphore(%run_scoped3A : memref<!tpu.dma_semaphore, #tpu.memory_space<semaphore_mem>>) src(%dma_wait3A_46 : memref<125x80xi32, #tpu.memory_space<hbm>>) dst(%arg6 : memref<125x80xi32, #tpu.memory_space<vmem>>)
      tpu.yield
    }) : () -> ()
    %dma_start3A = arith.constant 0 : i32
    %dma_start3A_5 = arith.constant 0 : i32
    %dma_start3A_6 = tpu.memref_slice %arg6[%dma_start3A, %dma_start3A_5] : memref<125x80xi32, #tpu.memory_space<vmem>> -> memref<1x80xi32, #tpu.memory_space<vmem>>
    %dma_start3A_7 = tpu.memref_squeeze %dma_start3A_6 : memref<1x80xi32, #tpu.memory_space<vmem>> -> memref<80xi32, #tpu.memory_space<vmem>>
    %dma_start3A_8 = arith.constant 0 : i32
    %dma_start3A_9 = arith.constant 0 : i32
    %dma_start3A_10 = tpu.memref_slice %arg2[%dma_start3A_8, %dma_start3A_9] : memref<10000x128xf32, #tpu.memory_space<hbm>> -> memref<10000x128xf32, #tpu.memory_space<hbm>>
    tpu.enqueue_indirect_dma source(%dma_start3A_10 : memref<10000x128xf32, #tpu.memory_space<hbm>>) target(%arg7 : memref<80x128xf32, #tpu.memory_space<vmem>>) offsets(%dma_start3A_7 : memref<80xi32, #tpu.memory_space<vmem>>) semaphore(%arg10 : memref<!tpu.dma_semaphore, #tpu.memory_space<semaphore_mem>>)
    %dma_start3A_11 = arith.constant 1 : i32
    %dma_start3A_12 = arith.constant 0 : i32
    %dma_start3A_13 = tpu.memref_slice %arg6[%dma_start3A_11, %dma_start3A_12] : memref<125x80xi32, #tpu.memory_space<vmem>> -> memref<1x80xi32, #tpu.memory_space<vmem>>
    %dma_start3A_14 = tpu.memref_squeeze %dma_start3A_13 : memref<1x80xi32, #tpu.memory_space<vmem>> -> memref<80xi32, #tpu.memory_space<vmem>>
    %dma_start3A_15 = arith.constant 0 : i32
    %dma_start3A_16 = arith.constant 0 : i32
    %dma_start3A_17 = tpu.memref_slice %arg2[%dma_start3A_15, %dma_start3A_16] : memref<10000x128xf32, #tpu.memory_space<hbm>> -> memref<10000x128xf32, #tpu.memory_space<hbm>>
    tpu.enqueue_indirect_dma source(%dma_start3A_17 : memref<10000x128xf32, #tpu.memory_space<hbm>>) target(%arg8 : memref<80x128xf32, #tpu.memory_space<vmem>>) offsets(%dma_start3A_14 : memref<80xi32, #tpu.memory_space<vmem>>) semaphore(%arg11 : memref<!tpu.dma_semaphore, #tpu.memory_space<semaphore_mem>>)
    %scan3A = arith.constant 0 : i32
    %scan3A_18 = arith.constant 0 : i32
    %scan3A_19 = arith.constant 62 : i32
    %scan3A_20 = arith.addi %scan3A_18, %scan3A_19 : i32
    %scan3A_21 = arith.constant 1 : i32
    scf.for %scan3A_31 = %scan3A_18 to %scan3A_20 step %scan3A_21  : i32 {
      %mul3A_32 = arith.constant 2 : i32
      %mul3A_33 = arith.muli %scan3A_31, %mul3A_32 : i32
      %add3A_34 = arith.constant 0 : i32
      %add3A_35 = arith.addi %mul3A_33, %add3A_34 : i32
      %dma_wait3A_36 = arith.constant 0 : i32
      %dma_wait3A_37 = tpu.memref_slice %arg6[%add3A_35, %dma_wait3A_36] : memref<125x80xi32, #tpu.memory_space<vmem>> -> memref<1x80xi32, #tpu.memory_space<vmem>>
      %dma_wait3A_38 = tpu.memref_squeeze %dma_wait3A_37 : memref<1x80xi32, #tpu.memory_space<vmem>> -> memref<80xi32, #tpu.memory_space<vmem>>
      %dma_wait3A_39 = arith.constant 0 : i32
      %dma_wait3A_40 = arith.constant 0 : i32
      %dma_wait3A_41 = tpu.memref_slice %arg2[%dma_wait3A_39, %dma_wait3A_40] : memref<10000x128xf32, #tpu.memory_space<hbm>> -> memref<10000x128xf32, #tpu.memory_space<hbm>>
      tpu.wait_indirect_dma semaphore(%arg10 : memref<!tpu.dma_semaphore, #tpu.memory_space<semaphore_mem>>) src(%dma_wait3A_41 : memref<10000x128xf32, #tpu.memory_space<hbm>>) dst(%arg7 : memref<80x128xf32, #tpu.memory_space<vmem>>)
      %mul3A_42 = arith.constant 80 : i32
      %mul3A_43 = arith.muli %add3A_35, %mul3A_42 : i32
      %add3A_44 = arith.addi %mul3A_4, %mul3A_43 : i32
      %dma_start3A_45 = arith.constant 0 : i32
      %dma_start3A_46 = tpu.memref_slice %arg5[%add3A_44, %dma_start3A_45] : memref<320000x128xf32, #tpu.memory_space<hbm>> -> memref<80x128xf32, #tpu.memory_space<hbm>>
      %dma_start3A_47 = arith.constant 0 : i32
      %dma_start3A_48 = tpu.memref_slice %arg5[%add3A_44, %dma_start3A_47] : memref<320000x128xf32, #tpu.memory_space<hbm>> -> memref<80x128xf32, #tpu.memory_space<hbm>>
      tpu.enqueue_dma source(%arg7 : memref<80x128xf32, #tpu.memory_space<vmem>>) target(%dma_start3A_48 : memref<80x128xf32, #tpu.memory_space<hbm>>) target_semaphore(%arg12 : memref<!tpu.dma_semaphore, #tpu.memory_space<semaphore_mem>>)
      %add3A_49 = arith.constant 1 : i32
      %add3A_50 = arith.addi %mul3A_33, %add3A_49 : i32
      %dma_wait3A_51 = arith.constant 0 : i32
      %dma_wait3A_52 = tpu.memref_slice %arg6[%add3A_50, %dma_wait3A_51] : memref<125x80xi32, #tpu.memory_space<vmem>> -> memref<1x80xi32, #tpu.memory_space<vmem>>
      %dma_wait3A_53 = tpu.memref_squeeze %dma_wait3A_52 : memref<1x80xi32, #tpu.memory_space<vmem>> -> memref<80xi32, #tpu.memory_space<vmem>>
      %dma_wait3A_54 = arith.constant 0 : i32
      %dma_wait3A_55 = arith.constant 0 : i32
      %dma_wait3A_56 = tpu.memref_slice %arg2[%dma_wait3A_54, %dma_wait3A_55] : memref<10000x128xf32, #tpu.memory_space<hbm>> -> memref<10000x128xf32, #tpu.memory_space<hbm>>
      tpu.wait_indirect_dma semaphore(%arg11 : memref<!tpu.dma_semaphore, #tpu.memory_space<semaphore_mem>>) src(%dma_wait3A_56 : memref<10000x128xf32, #tpu.memory_space<hbm>>) dst(%arg8 : memref<80x128xf32, #tpu.memory_space<vmem>>)
      %mul3A_57 = arith.constant 80 : i32
      %mul3A_58 = arith.muli %add3A_50, %mul3A_57 : i32
      %add3A_59 = arith.addi %mul3A_4, %mul3A_58 : i32
      %dma_start3A_60 = arith.constant 0 : i32
      %dma_start3A_61 = tpu.memref_slice %arg5[%add3A_59, %dma_start3A_60] : memref<320000x128xf32, #tpu.memory_space<hbm>> -> memref<80x128xf32, #tpu.memory_space<hbm>>
      %dma_start3A_62 = arith.constant 0 : i32
      %dma_start3A_63 = tpu.memref_slice %arg5[%add3A_59, %dma_start3A_62] : memref<320000x128xf32, #tpu.memory_space<hbm>> -> memref<80x128xf32, #tpu.memory_space<hbm>>
      tpu.enqueue_dma source(%arg8 : memref<80x128xf32, #tpu.memory_space<vmem>>) target(%dma_start3A_63 : memref<80x128xf32, #tpu.memory_space<hbm>>) target_semaphore(%arg13 : memref<!tpu.dma_semaphore, #tpu.memory_space<semaphore_mem>>)
      %add3A_64 = arith.constant 0 : i32
      %add3A_65 = arith.addi %mul3A_33, %add3A_64 : i32
      %mul3A_66 = arith.constant 80 : i32
      %mul3A_67 = arith.muli %add3A_65, %mul3A_66 : i32
      %add3A_68 = arith.addi %mul3A_4, %mul3A_67 : i32
      %dma_wait3A_69 = arith.constant 0 : i32
      %dma_wait3A_70 = tpu.memref_slice %arg5[%add3A_68, %dma_wait3A_69] : memref<320000x128xf32, #tpu.memory_space<hbm>> -> memref<80x128xf32, #tpu.memory_space<hbm>>
      %dma_wait3A_71 = arith.constant 0 : i32
      %dma_wait3A_72 = tpu.memref_slice %arg5[%add3A_68, %dma_wait3A_71] : memref<320000x128xf32, #tpu.memory_space<hbm>> -> memref<80x128xf32, #tpu.memory_space<hbm>>
      tpu.wait_dma2 semaphore(%arg12 : memref<!tpu.dma_semaphore, #tpu.memory_space<semaphore_mem>>) src(%arg7 : memref<80x128xf32, #tpu.memory_space<vmem>>) dst(%dma_wait3A_72 : memref<80x128xf32, #tpu.memory_space<hbm>>)
      %add3A_73 = arith.constant 2 : i32
      %add3A_74 = arith.addi %add3A_65, %add3A_73 : i32
      %lt3A = arith.constant 125 : i32
      %lt3A_75 = arith.cmpi slt, %add3A_74, %lt3A : i32
      %convert_element_type3A = arith.extui %lt3A_75 : i1 to i32
      %cond3A = arith.constant 0 : i32
      %cond3A_76 = arith.cmpi ne, %convert_element_type3A, %cond3A : i32
      scf.if %cond3A_76 {
        %dma_start3A_93 = arith.constant 0 : i32
        %dma_start3A_94 = tpu.memref_slice %arg6[%add3A_74, %dma_start3A_93] : memref<125x80xi32, #tpu.memory_space<vmem>> -> memref<1x80xi32, #tpu.memory_space<vmem>>
        %dma_start3A_95 = tpu.memref_squeeze %dma_start3A_94 : memref<1x80xi32, #tpu.memory_space<vmem>> -> memref<80xi32, #tpu.memory_space<vmem>>
        %dma_start3A_96 = arith.constant 0 : i32
        %dma_start3A_97 = arith.constant 0 : i32
        %dma_start3A_98 = tpu.memref_slice %arg2[%dma_start3A_96, %dma_start3A_97] : memref<10000x128xf32, #tpu.memory_space<hbm>> -> memref<10000x128xf32, #tpu.memory_space<hbm>>
        tpu.enqueue_indirect_dma source(%dma_start3A_98 : memref<10000x128xf32, #tpu.memory_space<hbm>>) target(%arg7 : memref<80x128xf32, #tpu.memory_space<vmem>>) offsets(%dma_start3A_95 : memref<80xi32, #tpu.memory_space<vmem>>) semaphore(%arg10 : memref<!tpu.dma_semaphore, #tpu.memory_space<semaphore_mem>>)
      } else {
      }
      %add3A_77 = arith.constant 1 : i32
      %add3A_78 = arith.addi %mul3A_33, %add3A_77 : i32
      %mul3A_79 = arith.constant 80 : i32
      %mul3A_80 = arith.muli %add3A_78, %mul3A_79 : i32
      %add3A_81 = arith.addi %mul3A_4, %mul3A_80 : i32
      %dma_wait3A_82 = arith.constant 0 : i32
      %dma_wait3A_83 = tpu.memref_slice %arg5[%add3A_81, %dma_wait3A_82] : memref<320000x128xf32, #tpu.memory_space<hbm>> -> memref<80x128xf32, #tpu.memory_space<hbm>>
      %dma_wait3A_84 = arith.constant 0 : i32
      %dma_wait3A_85 = tpu.memref_slice %arg5[%add3A_81, %dma_wait3A_84] : memref<320000x128xf32, #tpu.memory_space<hbm>> -> memref<80x128xf32, #tpu.memory_space<hbm>>
      tpu.wait_dma2 semaphore(%arg13 : memref<!tpu.dma_semaphore, #tpu.memory_space<semaphore_mem>>) src(%arg8 : memref<80x128xf32, #tpu.memory_space<vmem>>) dst(%dma_wait3A_85 : memref<80x128xf32, #tpu.memory_space<hbm>>)
      %add3A_86 = arith.constant 2 : i32
      %add3A_87 = arith.addi %add3A_78, %add3A_86 : i32
      %lt3A_88 = arith.constant 125 : i32
      %lt3A_89 = arith.cmpi slt, %add3A_87, %lt3A_88 : i32
      %convert_element_type3A_90 = arith.extui %lt3A_89 : i1 to i32
      %cond3A_91 = arith.constant 0 : i32
      %cond3A_92 = arith.cmpi ne, %convert_element_type3A_90, %cond3A_91 : i32
      scf.if %cond3A_92 {
        %dma_start3A_93 = arith.constant 0 : i32
        %dma_start3A_94 = tpu.memref_slice %arg6[%add3A_87, %dma_start3A_93] : memref<125x80xi32, #tpu.memory_space<vmem>> -> memref<1x80xi32, #tpu.memory_space<vmem>>
        %dma_start3A_95 = tpu.memref_squeeze %dma_start3A_94 : memref<1x80xi32, #tpu.memory_space<vmem>> -> memref<80xi32, #tpu.memory_space<vmem>>
        %dma_start3A_96 = arith.constant 0 : i32
        %dma_start3A_97 = arith.constant 0 : i32
        %dma_start3A_98 = tpu.memref_slice %arg2[%dma_start3A_96, %dma_start3A_97] : memref<10000x128xf32, #tpu.memory_space<hbm>> -> memref<10000x128xf32, #tpu.memory_space<hbm>>
        tpu.enqueue_indirect_dma source(%dma_start3A_98 : memref<10000x128xf32, #tpu.memory_space<hbm>>) target(%arg8 : memref<80x128xf32, #tpu.memory_space<vmem>>) offsets(%dma_start3A_95 : memref<80xi32, #tpu.memory_space<vmem>>) semaphore(%arg11 : memref<!tpu.dma_semaphore, #tpu.memory_space<semaphore_mem>>)
      } else {
      }
    }
    %scan3A_22 = arith.constant 62 : i32
    %dma_wait3A = arith.constant 124 : i32
    %dma_wait3A_23 = arith.constant 0 : i32
    %dma_wait3A_24 = tpu.memref_slice %arg6[%dma_wait3A, %dma_wait3A_23] : memref<125x80xi32, #tpu.memory_space<vmem>> -> memref<1x80xi32, #tpu.memory_space<vmem>>
    %dma_wait3A_25 = tpu.memref_squeeze %dma_wait3A_24 : memref<1x80xi32, #tpu.memory_space<vmem>> -> memref<80xi32, #tpu.memory_space<vmem>>
    %dma_wait3A_26 = arith.constant 0 : i32
    %dma_wait3A_27 = arith.constant 0 : i32
    %dma_wait3A_28 = tpu.memref_slice %arg2[%dma_wait3A_26, %dma_wait3A_27] : memref<10000x128xf32, #tpu.memory_space<hbm>> -> memref<10000x128xf32, #tpu.memory_space<hbm>>
    tpu.wait_indirect_dma semaphore(%arg10 : memref<!tpu.dma_semaphore, #tpu.memory_space<semaphore_mem>>) src(%dma_wait3A_28 : memref<10000x128xf32, #tpu.memory_space<hbm>>) dst(%arg7 : memref<80x128xf32, #tpu.memory_space<vmem>>)
    %add3A_29 = arith.constant 9920 : i32
    %add3A_30 = arith.addi %mul3A_4, %add3A_29 : i32
    "tpu.region"() ({
      %run_scoped3A = tpu.sem_alloc : memref<!tpu.dma_semaphore, #tpu.memory_space<semaphore_mem>>
      %dma_start3A_31 = arith.constant 0 : i32
      %dma_start3A_32 = tpu.memref_slice %arg5[%add3A_30, %dma_start3A_31] : memref<320000x128xf32, #tpu.memory_space<hbm>> -> memref<80x128xf32, #tpu.memory_space<hbm>>
      %dma_start3A_33 = arith.constant 0 : i32
      %dma_start3A_34 = tpu.memref_slice %arg5[%add3A_30, %dma_start3A_33] : memref<320000x128xf32, #tpu.memory_space<hbm>> -> memref<80x128xf32, #tpu.memory_space<hbm>>
      tpu.enqueue_dma source(%arg7 : memref<80x128xf32, #tpu.memory_space<vmem>>) target(%dma_start3A_34 : memref<80x128xf32, #tpu.memory_space<hbm>>) target_semaphore(%run_scoped3A : memref<!tpu.dma_semaphore, #tpu.memory_space<semaphore_mem>>)
      %dma_wait3A_35 = arith.constant 0 : i32
      %dma_wait3A_36 = tpu.memref_slice %arg5[%add3A_30, %dma_wait3A_35] : memref<320000x128xf32, #tpu.memory_space<hbm>> -> memref<80x128xf32, #tpu.memory_space<hbm>>
      %dma_wait3A_37 = arith.constant 0 : i32
      %dma_wait3A_38 = tpu.memref_slice %arg5[%add3A_30, %dma_wait3A_37] : memref<320000x128xf32, #tpu.memory_space<hbm>> -> memref<80x128xf32, #tpu.memory_space<hbm>>
      tpu.wait_dma2 semaphore(%run_scoped3A : memref<!tpu.dma_semaphore, #tpu.memory_space<semaphore_mem>>) src(%arg7 : memref<80x128xf32, #tpu.memory_space<vmem>>) dst(%dma_wait3A_38 : memref<80x128xf32, #tpu.memory_space<hbm>>)
      tpu.yield
    }) : () -> ()
    return
  }
}

#map = affine_map<(d0, d1) -> (0, 0)>
#map1 = affine_map<(d0, d1) -> (0, 0, 0)>
module attributes {stable_mosaic.version = 14 : i64} {
  func.func @_sc_gather_b_body(%arg0: i32, %arg1: i32, %arg2: memref<10000x128xf32, #tpu.memory_space<hbm>>, %arg3: memref<32x125x80xi32, #tpu.memory_space<hbm>>, %arg4: memref<320000x128xf32, #tpu.memory_space<hbm>>, %arg5: memref<320000x128xf32, #tpu.memory_space<hbm>>, %arg6: memref<125x80xi32, #tpu.memory_space<vmem>>, %arg7: memref<80x128xf32, #tpu.memory_space<vmem>>, %arg8: memref<80x128xf32, #tpu.memory_space<vmem>>, %arg9: memref<8x128xf32, #tpu.memory_space<vmem>>, %arg10: memref<!tpu.dma_semaphore, #tpu.memory_space<semaphore_mem>>, %arg11: memref<!tpu.dma_semaphore, #tpu.memory_space<semaphore_mem>>, %arg12: memref<!tpu.dma_semaphore, #tpu.memory_space<semaphore_mem>>, %arg13: memref<!tpu.dma_semaphore, #tpu.memory_space<semaphore_mem>>) attributes {dimension_semantics = [#tpu.dimension_semantics<core_parallel>, #tpu.dimension_semantics<subcore_parallel>], iteration_bounds = array<i64: 2, 16>, scalar_prefetch = 0 : i64, scratch_operands = 8 : i64, tpu.core_type = #tpu.core_type<sc_vector_subcore>, window_params = [{transform_indices = #map}, {transform_indices = #map1}, {transform_indices = #map}, {transform_indices = #map}]} {
    "tpu.region"() ({
      %run_scoped3A = tpu.sem_alloc : memref<!tpu.dma_semaphore, #tpu.memory_space<semaphore_mem>>
      %dma_start3A_31 = arith.constant 0 : i32
      %dma_start3A_32 = arith.constant 0 : i32
      %dma_start3A_33 = tpu.memref_slice %arg4[%dma_start3A_31, %dma_start3A_32] : memref<320000x128xf32, #tpu.memory_space<hbm>> -> memref<8x128xf32, #tpu.memory_space<hbm>>
      %dma_start3A_34 = arith.constant 0 : i32
      %dma_start3A_35 = arith.constant 0 : i32
      %dma_start3A_36 = tpu.memref_slice %arg4[%dma_start3A_34, %dma_start3A_35] : memref<320000x128xf32, #tpu.memory_space<hbm>> -> memref<8x128xf32, #tpu.memory_space<hbm>>
      tpu.enqueue_dma source(%dma_start3A_36 : memref<8x128xf32, #tpu.memory_space<hbm>>) target(%arg9 : memref<8x128xf32, #tpu.memory_space<vmem>>) target_semaphore(%run_scoped3A : memref<!tpu.dma_semaphore, #tpu.memory_space<semaphore_mem>>)
      %dma_wait3A_37 = arith.constant 0 : i32
      %dma_wait3A_38 = arith.constant 0 : i32
      %dma_wait3A_39 = tpu.memref_slice %arg4[%dma_wait3A_37, %dma_wait3A_38] : memref<320000x128xf32, #tpu.memory_space<hbm>> -> memref<8x128xf32, #tpu.memory_space<hbm>>
      %dma_wait3A_40 = arith.constant 0 : i32
      %dma_wait3A_41 = arith.constant 0 : i32
      %dma_wait3A_42 = tpu.memref_slice %arg4[%dma_wait3A_40, %dma_wait3A_41] : memref<320000x128xf32, #tpu.memory_space<hbm>> -> memref<8x128xf32, #tpu.memory_space<hbm>>
      tpu.wait_dma2 semaphore(%run_scoped3A : memref<!tpu.dma_semaphore, #tpu.memory_space<semaphore_mem>>) src(%dma_wait3A_42 : memref<8x128xf32, #tpu.memory_space<hbm>>) dst(%arg9 : memref<8x128xf32, #tpu.memory_space<vmem>>)
      tpu.yield
    }) : () -> ()
    %mul3A = arith.constant 2 : i32
    %mul3A_0 = arith.muli %arg1, %mul3A : i32
    %add3A = arith.addi %mul3A_0, %arg0 : i32
    %mul3A_1 = arith.constant 125 : i32
    %mul3A_2 = arith.muli %add3A, %mul3A_1 : i32
    %mul3A_3 = arith.constant 80 : i32
    %mul3A_4 = arith.muli %mul3A_2, %mul3A_3 : i32
    "tpu.region"() ({
      %run_scoped3A = tpu.sem_alloc : memref<!tpu.dma_semaphore, #tpu.memory_space<semaphore_mem>>
      %dma_start3A_31 = arith.constant 0 : i32
      %dma_start3A_32 = arith.constant 0 : i32
      %dma_start3A_33 = tpu.memref_slice %arg3[%add3A, %dma_start3A_31, %dma_start3A_32] : memref<32x125x80xi32, #tpu.memory_space<hbm>> -> memref<1x125x80xi32, #tpu.memory_space<hbm>>
      %dma_start3A_34 = tpu.memref_squeeze %dma_start3A_33 : memref<1x125x80xi32, #tpu.memory_space<hbm>> -> memref<125x80xi32, #tpu.memory_space<hbm>>
      %dma_start3A_35 = arith.constant 0 : i32
      %dma_start3A_36 = arith.constant 0 : i32
      %dma_start3A_37 = tpu.memref_slice %arg3[%add3A, %dma_start3A_35, %dma_start3A_36] : memref<32x125x80xi32, #tpu.memory_space<hbm>> -> memref<1x125x80xi32, #tpu.memory_space<hbm>>
      %dma_start3A_38 = tpu.memref_squeeze %dma_start3A_37 : memref<1x125x80xi32, #tpu.memory_space<hbm>> -> memref<125x80xi32, #tpu.memory_space<hbm>>
      tpu.enqueue_dma source(%dma_start3A_38 : memref<125x80xi32, #tpu.memory_space<hbm>>) target(%arg6 : memref<125x80xi32, #tpu.memory_space<vmem>>) target_semaphore(%run_scoped3A : memref<!tpu.dma_semaphore, #tpu.memory_space<semaphore_mem>>)
      %dma_wait3A_39 = arith.constant 0 : i32
      %dma_wait3A_40 = arith.constant 0 : i32
      %dma_wait3A_41 = tpu.memref_slice %arg3[%add3A, %dma_wait3A_39, %dma_wait3A_40] : memref<32x125x80xi32, #tpu.memory_space<hbm>> -> memref<1x125x80xi32, #tpu.memory_space<hbm>>
      %dma_wait3A_42 = tpu.memref_squeeze %dma_wait3A_41 : memref<1x125x80xi32, #tpu.memory_space<hbm>> -> memref<125x80xi32, #tpu.memory_space<hbm>>
      %dma_wait3A_43 = arith.constant 0 : i32
      %dma_wait3A_44 = arith.constant 0 : i32
      %dma_wait3A_45 = tpu.memref_slice %arg3[%add3A, %dma_wait3A_43, %dma_wait3A_44] : memref<32x125x80xi32, #tpu.memory_space<hbm>> -> memref<1x125x80xi32, #tpu.memory_space<hbm>>
      %dma_wait3A_46 = tpu.memref_squeeze %dma_wait3A_45 : memref<1x125x80xi32, #tpu.memory_space<hbm>> -> memref<125x80xi32, #tpu.memory_space<hbm>>
      tpu.wait_dma2 semaphore(%run_scoped3A : memref<!tpu.dma_semaphore, #tpu.memory_space<semaphore_mem>>) src(%dma_wait3A_46 : memref<125x80xi32, #tpu.memory_space<hbm>>) dst(%arg6 : memref<125x80xi32, #tpu.memory_space<vmem>>)
      tpu.yield
    }) : () -> ()
    %dma_start3A = arith.constant 0 : i32
    %dma_start3A_5 = arith.constant 0 : i32
    %dma_start3A_6 = tpu.memref_slice %arg6[%dma_start3A, %dma_start3A_5] : memref<125x80xi32, #tpu.memory_space<vmem>> -> memref<1x80xi32, #tpu.memory_space<vmem>>
    %dma_start3A_7 = tpu.memref_squeeze %dma_start3A_6 : memref<1x80xi32, #tpu.memory_space<vmem>> -> memref<80xi32, #tpu.memory_space<vmem>>
    %dma_start3A_8 = arith.constant 0 : i32
    %dma_start3A_9 = arith.constant 0 : i32
    %dma_start3A_10 = tpu.memref_slice %arg2[%dma_start3A_8, %dma_start3A_9] : memref<10000x128xf32, #tpu.memory_space<hbm>> -> memref<10000x128xf32, #tpu.memory_space<hbm>>
    tpu.enqueue_indirect_dma source(%dma_start3A_10 : memref<10000x128xf32, #tpu.memory_space<hbm>>) target(%arg7 : memref<80x128xf32, #tpu.memory_space<vmem>>) offsets(%dma_start3A_7 : memref<80xi32, #tpu.memory_space<vmem>>) semaphore(%arg10 : memref<!tpu.dma_semaphore, #tpu.memory_space<semaphore_mem>>)
    %dma_start3A_11 = arith.constant 1 : i32
    %dma_start3A_12 = arith.constant 0 : i32
    %dma_start3A_13 = tpu.memref_slice %arg6[%dma_start3A_11, %dma_start3A_12] : memref<125x80xi32, #tpu.memory_space<vmem>> -> memref<1x80xi32, #tpu.memory_space<vmem>>
    %dma_start3A_14 = tpu.memref_squeeze %dma_start3A_13 : memref<1x80xi32, #tpu.memory_space<vmem>> -> memref<80xi32, #tpu.memory_space<vmem>>
    %dma_start3A_15 = arith.constant 0 : i32
    %dma_start3A_16 = arith.constant 0 : i32
    %dma_start3A_17 = tpu.memref_slice %arg2[%dma_start3A_15, %dma_start3A_16] : memref<10000x128xf32, #tpu.memory_space<hbm>> -> memref<10000x128xf32, #tpu.memory_space<hbm>>
    tpu.enqueue_indirect_dma source(%dma_start3A_17 : memref<10000x128xf32, #tpu.memory_space<hbm>>) target(%arg8 : memref<80x128xf32, #tpu.memory_space<vmem>>) offsets(%dma_start3A_14 : memref<80xi32, #tpu.memory_space<vmem>>) semaphore(%arg11 : memref<!tpu.dma_semaphore, #tpu.memory_space<semaphore_mem>>)
    %scan3A = arith.constant 0 : i32
    %scan3A_18 = arith.constant 0 : i32
    %scan3A_19 = arith.constant 62 : i32
    %scan3A_20 = arith.addi %scan3A_18, %scan3A_19 : i32
    %scan3A_21 = arith.constant 1 : i32
    scf.for %scan3A_31 = %scan3A_18 to %scan3A_20 step %scan3A_21  : i32 {
      %mul3A_32 = arith.constant 2 : i32
      %mul3A_33 = arith.muli %scan3A_31, %mul3A_32 : i32
      %add3A_34 = arith.constant 0 : i32
      %add3A_35 = arith.addi %mul3A_33, %add3A_34 : i32
      %dma_wait3A_36 = arith.constant 0 : i32
      %dma_wait3A_37 = tpu.memref_slice %arg6[%add3A_35, %dma_wait3A_36] : memref<125x80xi32, #tpu.memory_space<vmem>> -> memref<1x80xi32, #tpu.memory_space<vmem>>
      %dma_wait3A_38 = tpu.memref_squeeze %dma_wait3A_37 : memref<1x80xi32, #tpu.memory_space<vmem>> -> memref<80xi32, #tpu.memory_space<vmem>>
      %dma_wait3A_39 = arith.constant 0 : i32
      %dma_wait3A_40 = arith.constant 0 : i32
      %dma_wait3A_41 = tpu.memref_slice %arg2[%dma_wait3A_39, %dma_wait3A_40] : memref<10000x128xf32, #tpu.memory_space<hbm>> -> memref<10000x128xf32, #tpu.memory_space<hbm>>
      tpu.wait_indirect_dma semaphore(%arg10 : memref<!tpu.dma_semaphore, #tpu.memory_space<semaphore_mem>>) src(%dma_wait3A_41 : memref<10000x128xf32, #tpu.memory_space<hbm>>) dst(%arg7 : memref<80x128xf32, #tpu.memory_space<vmem>>)
      %mul3A_42 = arith.constant 80 : i32
      %mul3A_43 = arith.muli %add3A_35, %mul3A_42 : i32
      %add3A_44 = arith.addi %mul3A_4, %mul3A_43 : i32
      %dma_start3A_45 = arith.constant 0 : i32
      %dma_start3A_46 = tpu.memref_slice %arg5[%add3A_44, %dma_start3A_45] : memref<320000x128xf32, #tpu.memory_space<hbm>> -> memref<80x128xf32, #tpu.memory_space<hbm>>
      %dma_start3A_47 = arith.constant 0 : i32
      %dma_start3A_48 = tpu.memref_slice %arg5[%add3A_44, %dma_start3A_47] : memref<320000x128xf32, #tpu.memory_space<hbm>> -> memref<80x128xf32, #tpu.memory_space<hbm>>
      tpu.enqueue_dma source(%arg7 : memref<80x128xf32, #tpu.memory_space<vmem>>) target(%dma_start3A_48 : memref<80x128xf32, #tpu.memory_space<hbm>>) target_semaphore(%arg12 : memref<!tpu.dma_semaphore, #tpu.memory_space<semaphore_mem>>)
      %add3A_49 = arith.constant 1 : i32
      %add3A_50 = arith.addi %mul3A_33, %add3A_49 : i32
      %dma_wait3A_51 = arith.constant 0 : i32
      %dma_wait3A_52 = tpu.memref_slice %arg6[%add3A_50, %dma_wait3A_51] : memref<125x80xi32, #tpu.memory_space<vmem>> -> memref<1x80xi32, #tpu.memory_space<vmem>>
      %dma_wait3A_53 = tpu.memref_squeeze %dma_wait3A_52 : memref<1x80xi32, #tpu.memory_space<vmem>> -> memref<80xi32, #tpu.memory_space<vmem>>
      %dma_wait3A_54 = arith.constant 0 : i32
      %dma_wait3A_55 = arith.constant 0 : i32
      %dma_wait3A_56 = tpu.memref_slice %arg2[%dma_wait3A_54, %dma_wait3A_55] : memref<10000x128xf32, #tpu.memory_space<hbm>> -> memref<10000x128xf32, #tpu.memory_space<hbm>>
      tpu.wait_indirect_dma semaphore(%arg11 : memref<!tpu.dma_semaphore, #tpu.memory_space<semaphore_mem>>) src(%dma_wait3A_56 : memref<10000x128xf32, #tpu.memory_space<hbm>>) dst(%arg8 : memref<80x128xf32, #tpu.memory_space<vmem>>)
      %mul3A_57 = arith.constant 80 : i32
      %mul3A_58 = arith.muli %add3A_50, %mul3A_57 : i32
      %add3A_59 = arith.addi %mul3A_4, %mul3A_58 : i32
      %dma_start3A_60 = arith.constant 0 : i32
      %dma_start3A_61 = tpu.memref_slice %arg5[%add3A_59, %dma_start3A_60] : memref<320000x128xf32, #tpu.memory_space<hbm>> -> memref<80x128xf32, #tpu.memory_space<hbm>>
      %dma_start3A_62 = arith.constant 0 : i32
      %dma_start3A_63 = tpu.memref_slice %arg5[%add3A_59, %dma_start3A_62] : memref<320000x128xf32, #tpu.memory_space<hbm>> -> memref<80x128xf32, #tpu.memory_space<hbm>>
      tpu.enqueue_dma source(%arg8 : memref<80x128xf32, #tpu.memory_space<vmem>>) target(%dma_start3A_63 : memref<80x128xf32, #tpu.memory_space<hbm>>) target_semaphore(%arg13 : memref<!tpu.dma_semaphore, #tpu.memory_space<semaphore_mem>>)
      %add3A_64 = arith.constant 0 : i32
      %add3A_65 = arith.addi %mul3A_33, %add3A_64 : i32
      %mul3A_66 = arith.constant 80 : i32
      %mul3A_67 = arith.muli %add3A_65, %mul3A_66 : i32
      %add3A_68 = arith.addi %mul3A_4, %mul3A_67 : i32
      %dma_wait3A_69 = arith.constant 0 : i32
      %dma_wait3A_70 = tpu.memref_slice %arg5[%add3A_68, %dma_wait3A_69] : memref<320000x128xf32, #tpu.memory_space<hbm>> -> memref<80x128xf32, #tpu.memory_space<hbm>>
      %dma_wait3A_71 = arith.constant 0 : i32
      %dma_wait3A_72 = tpu.memref_slice %arg5[%add3A_68, %dma_wait3A_71] : memref<320000x128xf32, #tpu.memory_space<hbm>> -> memref<80x128xf32, #tpu.memory_space<hbm>>
      tpu.wait_dma2 semaphore(%arg12 : memref<!tpu.dma_semaphore, #tpu.memory_space<semaphore_mem>>) src(%arg7 : memref<80x128xf32, #tpu.memory_space<vmem>>) dst(%dma_wait3A_72 : memref<80x128xf32, #tpu.memory_space<hbm>>)
      %add3A_73 = arith.constant 2 : i32
      %add3A_74 = arith.addi %add3A_65, %add3A_73 : i32
      %lt3A = arith.constant 125 : i32
      %lt3A_75 = arith.cmpi slt, %add3A_74, %lt3A : i32
      %convert_element_type3A = arith.extui %lt3A_75 : i1 to i32
      %cond3A = arith.constant 0 : i32
      %cond3A_76 = arith.cmpi ne, %convert_element_type3A, %cond3A : i32
      scf.if %cond3A_76 {
        %dma_start3A_93 = arith.constant 0 : i32
        %dma_start3A_94 = tpu.memref_slice %arg6[%add3A_74, %dma_start3A_93] : memref<125x80xi32, #tpu.memory_space<vmem>> -> memref<1x80xi32, #tpu.memory_space<vmem>>
        %dma_start3A_95 = tpu.memref_squeeze %dma_start3A_94 : memref<1x80xi32, #tpu.memory_space<vmem>> -> memref<80xi32, #tpu.memory_space<vmem>>
        %dma_start3A_96 = arith.constant 0 : i32
        %dma_start3A_97 = arith.constant 0 : i32
        %dma_start3A_98 = tpu.memref_slice %arg2[%dma_start3A_96, %dma_start3A_97] : memref<10000x128xf32, #tpu.memory_space<hbm>> -> memref<10000x128xf32, #tpu.memory_space<hbm>>
        tpu.enqueue_indirect_dma source(%dma_start3A_98 : memref<10000x128xf32, #tpu.memory_space<hbm>>) target(%arg7 : memref<80x128xf32, #tpu.memory_space<vmem>>) offsets(%dma_start3A_95 : memref<80xi32, #tpu.memory_space<vmem>>) semaphore(%arg10 : memref<!tpu.dma_semaphore, #tpu.memory_space<semaphore_mem>>)
      } else {
      }
      %add3A_77 = arith.constant 1 : i32
      %add3A_78 = arith.addi %mul3A_33, %add3A_77 : i32
      %mul3A_79 = arith.constant 80 : i32
      %mul3A_80 = arith.muli %add3A_78, %mul3A_79 : i32
      %add3A_81 = arith.addi %mul3A_4, %mul3A_80 : i32
      %dma_wait3A_82 = arith.constant 0 : i32
      %dma_wait3A_83 = tpu.memref_slice %arg5[%add3A_81, %dma_wait3A_82] : memref<320000x128xf32, #tpu.memory_space<hbm>> -> memref<80x128xf32, #tpu.memory_space<hbm>>
      %dma_wait3A_84 = arith.constant 0 : i32
      %dma_wait3A_85 = tpu.memref_slice %arg5[%add3A_81, %dma_wait3A_84] : memref<320000x128xf32, #tpu.memory_space<hbm>> -> memref<80x128xf32, #tpu.memory_space<hbm>>
      tpu.wait_dma2 semaphore(%arg13 : memref<!tpu.dma_semaphore, #tpu.memory_space<semaphore_mem>>) src(%arg8 : memref<80x128xf32, #tpu.memory_space<vmem>>) dst(%dma_wait3A_85 : memref<80x128xf32, #tpu.memory_space<hbm>>)
      %add3A_86 = arith.constant 2 : i32
      %add3A_87 = arith.addi %add3A_78, %add3A_86 : i32
      %lt3A_88 = arith.constant 125 : i32
      %lt3A_89 = arith.cmpi slt, %add3A_87, %lt3A_88 : i32
      %convert_element_type3A_90 = arith.extui %lt3A_89 : i1 to i32
      %cond3A_91 = arith.constant 0 : i32
      %cond3A_92 = arith.cmpi ne, %convert_element_type3A_90, %cond3A_91 : i32
      scf.if %cond3A_92 {
        %dma_start3A_93 = arith.constant 0 : i32
        %dma_start3A_94 = tpu.memref_slice %arg6[%add3A_87, %dma_start3A_93] : memref<125x80xi32, #tpu.memory_space<vmem>> -> memref<1x80xi32, #tpu.memory_space<vmem>>
        %dma_start3A_95 = tpu.memref_squeeze %dma_start3A_94 : memref<1x80xi32, #tpu.memory_space<vmem>> -> memref<80xi32, #tpu.memory_space<vmem>>
        %dma_start3A_96 = arith.constant 0 : i32
        %dma_start3A_97 = arith.constant 0 : i32
        %dma_start3A_98 = tpu.memref_slice %arg2[%dma_start3A_96, %dma_start3A_97] : memref<10000x128xf32, #tpu.memory_space<hbm>> -> memref<10000x128xf32, #tpu.memory_space<hbm>>
        tpu.enqueue_indirect_dma source(%dma_start3A_98 : memref<10000x128xf32, #tpu.memory_space<hbm>>) target(%arg8 : memref<80x128xf32, #tpu.memory_space<vmem>>) offsets(%dma_start3A_95 : memref<80xi32, #tpu.memory_space<vmem>>) semaphore(%arg11 : memref<!tpu.dma_semaphore, #tpu.memory_space<semaphore_mem>>)
      } else {
      }
    }
    %scan3A_22 = arith.constant 62 : i32
    %dma_wait3A = arith.constant 124 : i32
    %dma_wait3A_23 = arith.constant 0 : i32
    %dma_wait3A_24 = tpu.memref_slice %arg6[%dma_wait3A, %dma_wait3A_23] : memref<125x80xi32, #tpu.memory_space<vmem>> -> memref<1x80xi32, #tpu.memory_space<vmem>>
    %dma_wait3A_25 = tpu.memref_squeeze %dma_wait3A_24 : memref<1x80xi32, #tpu.memory_space<vmem>> -> memref<80xi32, #tpu.memory_space<vmem>>
    %dma_wait3A_26 = arith.constant 0 : i32
    %dma_wait3A_27 = arith.constant 0 : i32
    %dma_wait3A_28 = tpu.memref_slice %arg2[%dma_wait3A_26, %dma_wait3A_27] : memref<10000x128xf32, #tpu.memory_space<hbm>> -> memref<10000x128xf32, #tpu.memory_space<hbm>>
    tpu.wait_indirect_dma semaphore(%arg10 : memref<!tpu.dma_semaphore, #tpu.memory_space<semaphore_mem>>) src(%dma_wait3A_28 : memref<10000x128xf32, #tpu.memory_space<hbm>>) dst(%arg7 : memref<80x128xf32, #tpu.memory_space<vmem>>)
    %add3A_29 = arith.constant 9920 : i32
    %add3A_30 = arith.addi %mul3A_4, %add3A_29 : i32
    "tpu.region"() ({
      %run_scoped3A = tpu.sem_alloc : memref<!tpu.dma_semaphore, #tpu.memory_space<semaphore_mem>>
      %dma_start3A_31 = arith.constant 0 : i32
      %dma_start3A_32 = tpu.memref_slice %arg5[%add3A_30, %dma_start3A_31] : memref<320000x128xf32, #tpu.memory_space<hbm>> -> memref<80x128xf32, #tpu.memory_space<hbm>>
      %dma_start3A_33 = arith.constant 0 : i32
      %dma_start3A_34 = tpu.memref_slice %arg5[%add3A_30, %dma_start3A_33] : memref<320000x128xf32, #tpu.memory_space<hbm>> -> memref<80x128xf32, #tpu.memory_space<hbm>>
      tpu.enqueue_dma source(%arg7 : memref<80x128xf32, #tpu.memory_space<vmem>>) target(%dma_start3A_34 : memref<80x128xf32, #tpu.memory_space<hbm>>) target_semaphore(%run_scoped3A : memref<!tpu.dma_semaphore, #tpu.memory_space<semaphore_mem>>)
      %dma_wait3A_35 = arith.constant 0 : i32
      %dma_wait3A_36 = tpu.memref_slice %arg5[%add3A_30, %dma_wait3A_35] : memref<320000x128xf32, #tpu.memory_space<hbm>> -> memref<80x128xf32, #tpu.memory_space<hbm>>
      %dma_wait3A_37 = arith.constant 0 : i32
      %dma_wait3A_38 = tpu.memref_slice %arg5[%add3A_30, %dma_wait3A_37] : memref<320000x128xf32, #tpu.memory_space<hbm>> -> memref<80x128xf32, #tpu.memory_space<hbm>>
      tpu.wait_dma2 semaphore(%run_scoped3A : memref<!tpu.dma_semaphore, #tpu.memory_space<semaphore_mem>>) src(%arg7 : memref<80x128xf32, #tpu.memory_space<vmem>>) dst(%dma_wait3A_38 : memref<80x128xf32, #tpu.memory_space<hbm>>)
      tpu.yield
    }) : () -> ()
    return
  }
}

#map = affine_map<(d0, d1) -> (0, 0)>
#map1 = affine_map<(d0, d1) -> (0, 0, 0)>
module attributes {stable_mosaic.version = 14 : i64} {
  func.func @_sc_cd_body(%arg0: i32, %arg1: i32, %arg2: memref<79x128xf32, #tpu.memory_space<hbm>>, %arg3: memref<79x128xf32, #tpu.memory_space<hbm>>, %arg4: memref<79x128xf32, #tpu.memory_space<hbm>>, %arg5: memref<32x125x80xi32, #tpu.memory_space<hbm>>, %arg6: memref<32x125x80xi32, #tpu.memory_space<hbm>>, %arg7: memref<320000x16xf32, #tpu.memory_space<hbm>>, %arg8: memref<125x80xi32, #tpu.memory_space<vmem>>, %arg9: memref<125x80xi32, #tpu.memory_space<vmem>>, %arg10: memref<80x16xf32, #tpu.memory_space<vmem>>, %arg11: memref<79x128xf32, #tpu.memory_space<vmem>>, %arg12: memref<79x128xf32, #tpu.memory_space<vmem>>, %arg13: memref<79x128xf32, #tpu.memory_space<vmem>>) attributes {dimension_semantics = [#tpu.dimension_semantics<core_parallel>, #tpu.dimension_semantics<subcore_parallel>], iteration_bounds = array<i64: 2, 16>, scalar_prefetch = 0 : i64, scratch_operands = 6 : i64, tpu.core_type = #tpu.core_type<sc_vector_subcore>, window_params = [{transform_indices = #map}, {transform_indices = #map}, {transform_indices = #map}, {transform_indices = #map1}, {transform_indices = #map1}, {transform_indices = #map}]} {
    %mul3A = arith.constant 2 : i32
    %mul3A_0 = arith.muli %arg1, %mul3A : i32
    %add3A = arith.addi %mul3A_0, %arg0 : i32
    %mul3A_1 = arith.constant 125 : i32
    %mul3A_2 = arith.muli %add3A, %mul3A_1 : i32
    %mul3A_3 = arith.constant 80 : i32
    %mul3A_4 = arith.muli %mul3A_2, %mul3A_3 : i32
    "tpu.region"() ({
      %run_scoped3A = tpu.sem_alloc : memref<!tpu.dma_semaphore, #tpu.memory_space<semaphore_mem>>
      %dma_start3A = arith.constant 0 : i32
      %dma_start3A_10 = arith.constant 0 : i32
      %dma_start3A_11 = tpu.memref_slice %arg5[%add3A, %dma_start3A, %dma_start3A_10] : memref<32x125x80xi32, #tpu.memory_space<hbm>> -> memref<1x125x80xi32, #tpu.memory_space<hbm>>
      %dma_start3A_12 = tpu.memref_squeeze %dma_start3A_11 : memref<1x125x80xi32, #tpu.memory_space<hbm>> -> memref<125x80xi32, #tpu.memory_space<hbm>>
      %dma_start3A_13 = arith.constant 0 : i32
      %dma_start3A_14 = arith.constant 0 : i32
      %dma_start3A_15 = tpu.memref_slice %arg5[%add3A, %dma_start3A_13, %dma_start3A_14] : memref<32x125x80xi32, #tpu.memory_space<hbm>> -> memref<1x125x80xi32, #tpu.memory_space<hbm>>
      %dma_start3A_16 = tpu.memref_squeeze %dma_start3A_15 : memref<1x125x80xi32, #tpu.memory_space<hbm>> -> memref<125x80xi32, #tpu.memory_space<hbm>>
      tpu.enqueue_dma source(%dma_start3A_16 : memref<125x80xi32, #tpu.memory_space<hbm>>) target(%arg8 : memref<125x80xi32, #tpu.memory_space<vmem>>) target_semaphore(%run_scoped3A : memref<!tpu.dma_semaphore, #tpu.memory_space<semaphore_mem>>)
      %dma_wait3A = arith.constant 0 : i32
      %dma_wait3A_17 = arith.constant 0 : i32
      %dma_wait3A_18 = tpu.memref_slice %arg5[%add3A, %dma_wait3A, %dma_wait3A_17] : memref<32x125x80xi32, #tpu.memory_space<hbm>> -> memref<1x125x80xi32, #tpu.memory_space<hbm>>
      %dma_wait3A_19 = tpu.memref_squeeze %dma_wait3A_18 : memref<1x125x80xi32, #tpu.memory_space<hbm>> -> memref<125x80xi32, #tpu.memory_space<hbm>>
      %dma_wait3A_20 = arith.constant 0 : i32
      %dma_wait3A_21 = arith.constant 0 : i32
      %dma_wait3A_22 = tpu.memref_slice %arg5[%add3A, %dma_wait3A_20, %dma_wait3A_21] : memref<32x125x80xi32, #tpu.memory_space<hbm>> -> memref<1x125x80xi32, #tpu.memory_space<hbm>>
      %dma_wait3A_23 = tpu.memref_squeeze %dma_wait3A_22 : memref<1x125x80xi32, #tpu.memory_space<hbm>> -> memref<125x80xi32, #tpu.memory_space<hbm>>
      tpu.wait_dma2 semaphore(%run_scoped3A : memref<!tpu.dma_semaphore, #tpu.memory_space<semaphore_mem>>) src(%dma_wait3A_23 : memref<125x80xi32, #tpu.memory_space<hbm>>) dst(%arg8 : memref<125x80xi32, #tpu.memory_space<vmem>>)
      tpu.yield
    }) : () -> ()
    "tpu.region"() ({
      %run_scoped3A = tpu.sem_alloc : memref<!tpu.dma_semaphore, #tpu.memory_space<semaphore_mem>>
      %dma_start3A = arith.constant 0 : i32
      %dma_start3A_10 = arith.constant 0 : i32
      %dma_start3A_11 = tpu.memref_slice %arg6[%add3A, %dma_start3A, %dma_start3A_10] : memref<32x125x80xi32, #tpu.memory_space<hbm>> -> memref<1x125x80xi32, #tpu.memory_space<hbm>>
      %dma_start3A_12 = tpu.memref_squeeze %dma_start3A_11 : memref<1x125x80xi32, #tpu.memory_space<hbm>> -> memref<125x80xi32, #tpu.memory_space<hbm>>
      %dma_start3A_13 = arith.constant 0 : i32
      %dma_start3A_14 = arith.constant 0 : i32
      %dma_start3A_15 = tpu.memref_slice %arg6[%add3A, %dma_start3A_13, %dma_start3A_14] : memref<32x125x80xi32, #tpu.memory_space<hbm>> -> memref<1x125x80xi32, #tpu.memory_space<hbm>>
      %dma_start3A_16 = tpu.memref_squeeze %dma_start3A_15 : memref<1x125x80xi32, #tpu.memory_space<hbm>> -> memref<125x80xi32, #tpu.memory_space<hbm>>
      tpu.enqueue_dma source(%dma_start3A_16 : memref<125x80xi32, #tpu.memory_space<hbm>>) target(%arg9 : memref<125x80xi32, #tpu.memory_space<vmem>>) target_semaphore(%run_scoped3A : memref<!tpu.dma_semaphore, #tpu.memory_space<semaphore_mem>>)
      %dma_wait3A = arith.constant 0 : i32
      %dma_wait3A_17 = arith.constant 0 : i32
      %dma_wait3A_18 = tpu.memref_slice %arg6[%add3A, %dma_wait3A, %dma_wait3A_17] : memref<32x125x80xi32, #tpu.memory_space<hbm>> -> memref<1x125x80xi32, #tpu.memory_space<hbm>>
      %dma_wait3A_19 = tpu.memref_squeeze %dma_wait3A_18 : memref<1x125x80xi32, #tpu.memory_space<hbm>> -> memref<125x80xi32, #tpu.memory_space<hbm>>
      %dma_wait3A_20 = arith.constant 0 : i32
      %dma_wait3A_21 = arith.constant 0 : i32
      %dma_wait3A_22 = tpu.memref_slice %arg6[%add3A, %dma_wait3A_20, %dma_wait3A_21] : memref<32x125x80xi32, #tpu.memory_space<hbm>> -> memref<1x125x80xi32, #tpu.memory_space<hbm>>
      %dma_wait3A_23 = tpu.memref_squeeze %dma_wait3A_22 : memref<1x125x80xi32, #tpu.memory_space<hbm>> -> memref<125x80xi32, #tpu.memory_space<hbm>>
      tpu.wait_dma2 semaphore(%run_scoped3A : memref<!tpu.dma_semaphore, #tpu.memory_space<semaphore_mem>>) src(%dma_wait3A_23 : memref<125x80xi32, #tpu.memory_space<hbm>>) dst(%arg9 : memref<125x80xi32, #tpu.memory_space<vmem>>)
      tpu.yield
    }) : () -> ()
    "tpu.region"() ({
      %run_scoped3A = tpu.sem_alloc : memref<!tpu.dma_semaphore, #tpu.memory_space<semaphore_mem>>
      tpu.enqueue_dma source(%arg2 : memref<79x128xf32, #tpu.memory_space<hbm>>) target(%arg11 : memref<79x128xf32, #tpu.memory_space<vmem>>) target_semaphore(%run_scoped3A : memref<!tpu.dma_semaphore, #tpu.memory_space<semaphore_mem>>)
      tpu.wait_dma2 semaphore(%run_scoped3A : memref<!tpu.dma_semaphore, #tpu.memory_space<semaphore_mem>>) src(%arg2 : memref<79x128xf32, #tpu.memory_space<hbm>>) dst(%arg11 : memref<79x128xf32, #tpu.memory_space<vmem>>)
      tpu.yield
    }) : () -> ()
    "tpu.region"() ({
      %run_scoped3A = tpu.sem_alloc : memref<!tpu.dma_semaphore, #tpu.memory_space<semaphore_mem>>
      tpu.enqueue_dma source(%arg3 : memref<79x128xf32, #tpu.memory_space<hbm>>) target(%arg12 : memref<79x128xf32, #tpu.memory_space<vmem>>) target_semaphore(%run_scoped3A : memref<!tpu.dma_semaphore, #tpu.memory_space<semaphore_mem>>)
      tpu.wait_dma2 semaphore(%run_scoped3A : memref<!tpu.dma_semaphore, #tpu.memory_space<semaphore_mem>>) src(%arg3 : memref<79x128xf32, #tpu.memory_space<hbm>>) dst(%arg12 : memref<79x128xf32, #tpu.memory_space<vmem>>)
      tpu.yield
    }) : () -> ()
    "tpu.region"() ({
      %run_scoped3A = tpu.sem_alloc : memref<!tpu.dma_semaphore, #tpu.memory_space<semaphore_mem>>
      tpu.enqueue_dma source(%arg4 : memref<79x128xf32, #tpu.memory_space<hbm>>) target(%arg13 : memref<79x128xf32, #tpu.memory_space<vmem>>) target_semaphore(%run_scoped3A : memref<!tpu.dma_semaphore, #tpu.memory_space<semaphore_mem>>)
      tpu.wait_dma2 semaphore(%run_scoped3A : memref<!tpu.dma_semaphore, #tpu.memory_space<semaphore_mem>>) src(%arg4 : memref<79x128xf32, #tpu.memory_space<hbm>>) dst(%arg13 : memref<79x128xf32, #tpu.memory_space<vmem>>)
      tpu.yield
    }) : () -> ()
    %scan3A = arith.constant 0 : i32
    %scan3A_5 = arith.constant 0 : i32
    %scan3A_6 = arith.constant 125 : i32
    %scan3A_7 = arith.addi %scan3A_5, %scan3A_6 : i32
    %scan3A_8 = arith.constant 1 : i32
    scf.for %scan3A_10 = %scan3A_5 to %scan3A_7 step %scan3A_8  : i32 {
      %get3A = arith.index_cast %scan3A_10 : i32 to index
      %get3A_11 = arith.constant 0 : index
      %get3A_12 = tpu.vector_load %arg8[%get3A, %get3A_11] {strides = array<i32>} : memref<125x80xi32, #tpu.memory_space<vmem>>, vector<16xi32>,
      %get3A_13 = arith.index_cast %scan3A_10 : i32 to index
      %get3A_14 = arith.constant 0 : index
      %get3A_15 = tpu.vector_load %arg9[%get3A_13, %get3A_14] {strides = array<i32>} : memref<125x80xi32, #tpu.memory_space<vmem>>, vector<16xi32>,
      %shift_right_arithmetic3A = arith.constant 7 : i32
      %shift_right_arithmetic3A_16 = vector.broadcast %shift_right_arithmetic3A : i32 to vector<16xi32>
      %shift_right_arithmetic3A_17 = arith.shrsi %get3A_12, %shift_right_arithmetic3A_16 : vector<16xi32>
      %and3A = arith.constant 127 : i32
      %and3A_18 = vector.broadcast %and3A : i32 to vector<16xi32>
      %and3A_19 = arith.andi %get3A_12, %and3A_18 : vector<16xi32>
      %shift_right_arithmetic3A_20 = arith.constant 7 : i32
      %shift_right_arithmetic3A_21 = vector.broadcast %shift_right_arithmetic3A_20 : i32 to vector<16xi32>
      %shift_right_arithmetic3A_22 = arith.shrsi %get3A_15, %shift_right_arithmetic3A_21 : vector<16xi32>
      %and3A_23 = arith.constant 127 : i32
      %and3A_24 = vector.broadcast %and3A_23 : i32 to vector<16xi32>
      %and3A_25 = arith.andi %get3A_15, %and3A_24 : vector<16xi32>
      %gather3A = tpu.vector_load_idx %arg11[%shift_right_arithmetic3A_17, %and3A_19] : memref<79x128xf32, #tpu.memory_space<vmem>>[vector<16xi32>, vector<16xi32>], vector<16xf32>,
      %gather3A_26 = tpu.vector_load_idx %arg11[%shift_right_arithmetic3A_22, %and3A_25] : memref<79x128xf32, #tpu.memory_space<vmem>>[vector<16xi32>, vector<16xi32>], vector<16xf32>,
      %sub3A = arith.subf %gather3A, %gather3A_26 : vector<16xf32>
      %gather3A_27 = tpu.vector_load_idx %arg12[%shift_right_arithmetic3A_17, %and3A_19] : memref<79x128xf32, #tpu.memory_space<vmem>>[vector<16xi32>, vector<16xi32>], vector<16xf32>,
      %gather3A_28 = tpu.vector_load_idx %arg12[%shift_right_arithmetic3A_22, %and3A_25] : memref<79x128xf32, #tpu.memory_space<vmem>>[vector<16xi32>, vector<16xi32>], vector<16xf32>,
      %sub3A_29 = arith.subf %gather3A_27, %gather3A_28 : vector<16xf32>
      %gather3A_30 = tpu.vector_load_idx %arg13[%shift_right_arithmetic3A_17, %and3A_19] : memref<79x128xf32, #tpu.memory_space<vmem>>[vector<16xi32>, vector<16xi32>], vector<16xf32>,
      %gather3A_31 = tpu.vector_load_idx %arg13[%shift_right_arithmetic3A_22, %and3A_25] : memref<79x128xf32, #tpu.memory_space<vmem>>[vector<16xi32>, vector<16xi32>], vector<16xf32>,
      %sub3A_32 = arith.subf %gather3A_30, %gather3A_31 : vector<16xf32>
      %mul3A_33 = arith.mulf %sub3A, %sub3A : vector<16xf32>
      %mul3A_34 = arith.mulf %sub3A_29, %sub3A_29 : vector<16xf32>
      %add3A_35 = arith.addf %mul3A_33, %mul3A_34 : vector<16xf32>
      %mul3A_36 = arith.mulf %sub3A_32, %sub3A_32 : vector<16xf32>
      %add3A_37 = arith.addf %add3A_35, %mul3A_36 : vector<16xf32>
      %iota3A = tpu.iota {dimensions = array<i32: 0>} : vector<16xi32>
      %add3A_38 = arith.constant 0 : i32
      %add3A_39 = vector.broadcast %add3A_38 : i32 to vector<16xi32>
      %add3A_40 = arith.addi %add3A_39, %iota3A : vector<16xi32>
      %broadcast_in_dim3A = arith.constant 0 : i32
      %broadcast_in_dim3A_41 = vector.broadcast %broadcast_in_dim3A : i32 to vector<16xi32>
      tpu.vector_store_idx %arg10[%add3A_40, %broadcast_in_dim3A_41], %sub3A : memref<80x16xf32, #tpu.memory_space<vmem>>[vector<16xi32>, vector<16xi32>], vector<16xf32>,
      %broadcast_in_dim3A_42 = arith.constant 1 : i32
      %broadcast_in_dim3A_43 = vector.broadcast %broadcast_in_dim3A_42 : i32 to vector<16xi32>
      tpu.vector_store_idx %arg10[%add3A_40, %broadcast_in_dim3A_43], %sub3A_29 : memref<80x16xf32, #tpu.memory_space<vmem>>[vector<16xi32>, vector<16xi32>], vector<16xf32>,
      %broadcast_in_dim3A_44 = arith.constant 2 : i32
      %broadcast_in_dim3A_45 = vector.broadcast %broadcast_in_dim3A_44 : i32 to vector<16xi32>
      tpu.vector_store_idx %arg10[%add3A_40, %broadcast_in_dim3A_45], %sub3A_32 : memref<80x16xf32, #tpu.memory_space<vmem>>[vector<16xi32>, vector<16xi32>], vector<16xf32>,
      %broadcast_in_dim3A_46 = arith.constant 3 : i32
      %broadcast_in_dim3A_47 = vector.broadcast %broadcast_in_dim3A_46 : i32 to vector<16xi32>
      tpu.vector_store_idx %arg10[%add3A_40, %broadcast_in_dim3A_47], %add3A_37 : memref<80x16xf32, #tpu.memory_space<vmem>>[vector<16xi32>, vector<16xi32>], vector<16xf32>,
      %get3A_48 = arith.index_cast %scan3A_10 : i32 to index
      %get3A_49 = arith.constant 16 : index
      %get3A_50 = tpu.vector_load %arg8[%get3A_48, %get3A_49] {strides = array<i32>} : memref<125x80xi32, #tpu.memory_space<vmem>>, vector<16xi32>,
      %get3A_51 = arith.index_cast %scan3A_10 : i32 to index
      %get3A_52 = arith.constant 16 : index
      %get3A_53 = tpu.vector_load %arg9[%get3A_51, %get3A_52] {strides = array<i32>} : memref<125x80xi32, #tpu.memory_space<vmem>>, vector<16xi32>,
      %shift_right_arithmetic3A_54 = arith.constant 7 : i32
      %shift_right_arithmetic3A_55 = vector.broadcast %shift_right_arithmetic3A_54 : i32 to vector<16xi32>
      %shift_right_arithmetic3A_56 = arith.shrsi %get3A_50, %shift_right_arithmetic3A_55 : vector<16xi32>
      %and3A_57 = arith.constant 127 : i32
      %and3A_58 = vector.broadcast %and3A_57 : i32 to vector<16xi32>
      %and3A_59 = arith.andi %get3A_50, %and3A_58 : vector<16xi32>
      %shift_right_arithmetic3A_60 = arith.constant 7 : i32
      %shift_right_arithmetic3A_61 = vector.broadcast %shift_right_arithmetic3A_60 : i32 to vector<16xi32>
      %shift_right_arithmetic3A_62 = arith.shrsi %get3A_53, %shift_right_arithmetic3A_61 : vector<16xi32>
      %and3A_63 = arith.constant 127 : i32
      %and3A_64 = vector.broadcast %and3A_63 : i32 to vector<16xi32>
      %and3A_65 = arith.andi %get3A_53, %and3A_64 : vector<16xi32>
      %gather3A_66 = tpu.vector_load_idx %arg11[%shift_right_arithmetic3A_56, %and3A_59] : memref<79x128xf32, #tpu.memory_space<vmem>>[vector<16xi32>, vector<16xi32>], vector<16xf32>,
      %gather3A_67 = tpu.vector_load_idx %arg11[%shift_right_arithmetic3A_62, %and3A_65] : memref<79x128xf32, #tpu.memory_space<vmem>>[vector<16xi32>, vector<16xi32>], vector<16xf32>,
      %sub3A_68 = arith.subf %gather3A_66, %gather3A_67 : vector<16xf32>
      %gather3A_69 = tpu.vector_load_idx %arg12[%shift_right_arithmetic3A_56, %and3A_59] : memref<79x128xf32, #tpu.memory_space<vmem>>[vector<16xi32>, vector<16xi32>], vector<16xf32>,
      %gather3A_70 = tpu.vector_load_idx %arg12[%shift_right_arithmetic3A_62, %and3A_65] : memref<79x128xf32, #tpu.memory_space<vmem>>[vector<16xi32>, vector<16xi32>], vector<16xf32>,
      %sub3A_71 = arith.subf %gather3A_69, %gather3A_70 : vector<16xf32>
      %gather3A_72 = tpu.vector_load_idx %arg13[%shift_right_arithmetic3A_56, %and3A_59] : memref<79x128xf32, #tpu.memory_space<vmem>>[vector<16xi32>, vector<16xi32>], vector<16xf32>,
      %gather3A_73 = tpu.vector_load_idx %arg13[%shift_right_arithmetic3A_62, %and3A_65] : memref<79x128xf32, #tpu.memory_space<vmem>>[vector<16xi32>, vector<16xi32>], vector<16xf32>,
      %sub3A_74 = arith.subf %gather3A_72, %gather3A_73 : vector<16xf32>
      %mul3A_75 = arith.mulf %sub3A_68, %sub3A_68 : vector<16xf32>
      %mul3A_76 = arith.mulf %sub3A_71, %sub3A_71 : vector<16xf32>
      %add3A_77 = arith.addf %mul3A_75, %mul3A_76 : vector<16xf32>
      %mul3A_78 = arith.mulf %sub3A_74, %sub3A_74 : vector<16xf32>
      %add3A_79 = arith.addf %add3A_77, %mul3A_78 : vector<16xf32>
      %iota3A_80 = tpu.iota {dimensions = array<i32: 0>} : vector<16xi32>
      %add3A_81 = arith.constant 16 : i32
      %add3A_82 = vector.broadcast %add3A_81 : i32 to vector<16xi32>
      %add3A_83 = arith.addi %add3A_82, %iota3A_80 : vector<16xi32>
      %broadcast_in_dim3A_84 = arith.constant 0 : i32
      %broadcast_in_dim3A_85 = vector.broadcast %broadcast_in_dim3A_84 : i32 to vector<16xi32>
      tpu.vector_store_idx %arg10[%add3A_83, %broadcast_in_dim3A_85], %sub3A_68 : memref<80x16xf32, #tpu.memory_space<vmem>>[vector<16xi32>, vector<16xi32>], vector<16xf32>,
      %broadcast_in_dim3A_86 = arith.constant 1 : i32
      %broadcast_in_dim3A_87 = vector.broadcast %broadcast_in_dim3A_86 : i32 to vector<16xi32>
      tpu.vector_store_idx %arg10[%add3A_83, %broadcast_in_dim3A_87], %sub3A_71 : memref<80x16xf32, #tpu.memory_space<vmem>>[vector<16xi32>, vector<16xi32>], vector<16xf32>,
      %broadcast_in_dim3A_88 = arith.constant 2 : i32
      %broadcast_in_dim3A_89 = vector.broadcast %broadcast_in_dim3A_88 : i32 to vector<16xi32>
      tpu.vector_store_idx %arg10[%add3A_83, %broadcast_in_dim3A_89], %sub3A_74 : memref<80x16xf32, #tpu.memory_space<vmem>>[vector<16xi32>, vector<16xi32>], vector<16xf32>,
      %broadcast_in_dim3A_90 = arith.constant 3 : i32
      %broadcast_in_dim3A_91 = vector.broadcast %broadcast_in_dim3A_90 : i32 to vector<16xi32>
      tpu.vector_store_idx %arg10[%add3A_83, %broadcast_in_dim3A_91], %add3A_79 : memref<80x16xf32, #tpu.memory_space<vmem>>[vector<16xi32>, vector<16xi32>], vector<16xf32>,
      %get3A_92 = arith.index_cast %scan3A_10 : i32 to index
      %get3A_93 = arith.constant 32 : index
      %get3A_94 = tpu.vector_load %arg8[%get3A_92, %get3A_93] {strides = array<i32>} : memref<125x80xi32, #tpu.memory_space<vmem>>, vector<16xi32>,
      %get3A_95 = arith.index_cast %scan3A_10 : i32 to index
      %get3A_96 = arith.constant 32 : index
      %get3A_97 = tpu.vector_load %arg9[%get3A_95, %get3A_96] {strides = array<i32>} : memref<125x80xi32, #tpu.memory_space<vmem>>, vector<16xi32>,
      %shift_right_arithmetic3A_98 = arith.constant 7 : i32
      %shift_right_arithmetic3A_99 = vector.broadcast %shift_right_arithmetic3A_98 : i32 to vector<16xi32>
      %shift_right_arithmetic3A_100 = arith.shrsi %get3A_94, %shift_right_arithmetic3A_99 : vector<16xi32>
      %and3A_101 = arith.constant 127 : i32
      %and3A_102 = vector.broadcast %and3A_101 : i32 to vector<16xi32>
      %and3A_103 = arith.andi %get3A_94, %and3A_102 : vector<16xi32>
      %shift_right_arithmetic3A_104 = arith.constant 7 : i32
      %shift_right_arithmetic3A_105 = vector.broadcast %shift_right_arithmetic3A_104 : i32 to vector<16xi32>
      %shift_right_arithmetic3A_106 = arith.shrsi %get3A_97, %shift_right_arithmetic3A_105 : vector<16xi32>
      %and3A_107 = arith.constant 127 : i32
      %and3A_108 = vector.broadcast %and3A_107 : i32 to vector<16xi32>
      %and3A_109 = arith.andi %get3A_97, %and3A_108 : vector<16xi32>
      %gather3A_110 = tpu.vector_load_idx %arg11[%shift_right_arithmetic3A_100, %and3A_103] : memref<79x128xf32, #tpu.memory_space<vmem>>[vector<16xi32>, vector<16xi32>], vector<16xf32>,
      %gather3A_111 = tpu.vector_load_idx %arg11[%shift_right_arithmetic3A_106, %and3A_109] : memref<79x128xf32, #tpu.memory_space<vmem>>[vector<16xi32>, vector<16xi32>], vector<16xf32>,
      %sub3A_112 = arith.subf %gather3A_110, %gather3A_111 : vector<16xf32>
      %gather3A_113 = tpu.vector_load_idx %arg12[%shift_right_arithmetic3A_100, %and3A_103] : memref<79x128xf32, #tpu.memory_space<vmem>>[vector<16xi32>, vector<16xi32>], vector<16xf32>,
      %gather3A_114 = tpu.vector_load_idx %arg12[%shift_right_arithmetic3A_106, %and3A_109] : memref<79x128xf32, #tpu.memory_space<vmem>>[vector<16xi32>, vector<16xi32>], vector<16xf32>,
      %sub3A_115 = arith.subf %gather3A_113, %gather3A_114 : vector<16xf32>
      %gather3A_116 = tpu.vector_load_idx %arg13[%shift_right_arithmetic3A_100, %and3A_103] : memref<79x128xf32, #tpu.memory_space<vmem>>[vector<16xi32>, vector<16xi32>], vector<16xf32>,
      %gather3A_117 = tpu.vector_load_idx %arg13[%shift_right_arithmetic3A_106, %and3A_109] : memref<79x128xf32, #tpu.memory_space<vmem>>[vector<16xi32>, vector<16xi32>], vector<16xf32>,
      %sub3A_118 = arith.subf %gather3A_116, %gather3A_117 : vector<16xf32>
      %mul3A_119 = arith.mulf %sub3A_112, %sub3A_112 : vector<16xf32>
      %mul3A_120 = arith.mulf %sub3A_115, %sub3A_115 : vector<16xf32>
      %add3A_121 = arith.addf %mul3A_119, %mul3A_120 : vector<16xf32>
      %mul3A_122 = arith.mulf %sub3A_118, %sub3A_118 : vector<16xf32>
      %add3A_123 = arith.addf %add3A_121, %mul3A_122 : vector<16xf32>
      %iota3A_124 = tpu.iota {dimensions = array<i32: 0>} : vector<16xi32>
      %add3A_125 = arith.constant 32 : i32
      %add3A_126 = vector.broadcast %add3A_125 : i32 to vector<16xi32>
      %add3A_127 = arith.addi %add3A_126, %iota3A_124 : vector<16xi32>
      %broadcast_in_dim3A_128 = arith.constant 0 : i32
      %broadcast_in_dim3A_129 = vector.broadcast %broadcast_in_dim3A_128 : i32 to vector<16xi32>
      tpu.vector_store_idx %arg10[%add3A_127, %broadcast_in_dim3A_129], %sub3A_112 : memref<80x16xf32, #tpu.memory_space<vmem>>[vector<16xi32>, vector<16xi32>], vector<16xf32>,
      %broadcast_in_dim3A_130 = arith.constant 1 : i32
      %broadcast_in_dim3A_131 = vector.broadcast %broadcast_in_dim3A_130 : i32 to vector<16xi32>
      tpu.vector_store_idx %arg10[%add3A_127, %broadcast_in_dim3A_131], %sub3A_115 : memref<80x16xf32, #tpu.memory_space<vmem>>[vector<16xi32>, vector<16xi32>], vector<16xf32>,
      %broadcast_in_dim3A_132 = arith.constant 2 : i32
      %broadcast_in_dim3A_133 = vector.broadcast %broadcast_in_dim3A_132 : i32 to vector<16xi32>
      tpu.vector_store_idx %arg10[%add3A_127, %broadcast_in_dim3A_133], %sub3A_118 : memref<80x16xf32, #tpu.memory_space<vmem>>[vector<16xi32>, vector<16xi32>], vector<16xf32>,
      %broadcast_in_dim3A_134 = arith.constant 3 : i32
      %broadcast_in_dim3A_135 = vector.broadcast %broadcast_in_dim3A_134 : i32 to vector<16xi32>
      tpu.vector_store_idx %arg10[%add3A_127, %broadcast_in_dim3A_135], %add3A_123 : memref<80x16xf32, #tpu.memory_space<vmem>>[vector<16xi32>, vector<16xi32>], vector<16xf32>,
      %get3A_136 = arith.index_cast %scan3A_10 : i32 to index
      %get3A_137 = arith.constant 48 : index
      %get3A_138 = tpu.vector_load %arg8[%get3A_136, %get3A_137] {strides = array<i32>} : memref<125x80xi32, #tpu.memory_space<vmem>>, vector<16xi32>,
      %get3A_139 = arith.index_cast %scan3A_10 : i32 to index
      %get3A_140 = arith.constant 48 : index
      %get3A_141 = tpu.vector_load %arg9[%get3A_139, %get3A_140] {strides = array<i32>} : memref<125x80xi32, #tpu.memory_space<vmem>>, vector<16xi32>,
      %shift_right_arithmetic3A_142 = arith.constant 7 : i32
      %shift_right_arithmetic3A_143 = vector.broadcast %shift_right_arithmetic3A_142 : i32 to vector<16xi32>
      %shift_right_arithmetic3A_144 = arith.shrsi %get3A_138, %shift_right_arithmetic3A_143 : vector<16xi32>
      %and3A_145 = arith.constant 127 : i32
      %and3A_146 = vector.broadcast %and3A_145 : i32 to vector<16xi32>
      %and3A_147 = arith.andi %get3A_138, %and3A_146 : vector<16xi32>
      %shift_right_arithmetic3A_148 = arith.constant 7 : i32
      %shift_right_arithmetic3A_149 = vector.broadcast %shift_right_arithmetic3A_148 : i32 to vector<16xi32>
      %shift_right_arithmetic3A_150 = arith.shrsi %get3A_141, %shift_right_arithmetic3A_149 : vector<16xi32>
      %and3A_151 = arith.constant 127 : i32
      %and3A_152 = vector.broadcast %and3A_151 : i32 to vector<16xi32>
      %and3A_153 = arith.andi %get3A_141, %and3A_152 : vector<16xi32>
      %gather3A_154 = tpu.vector_load_idx %arg11[%shift_right_arithmetic3A_144, %and3A_147] : memref<79x128xf32, #tpu.memory_space<vmem>>[vector<16xi32>, vector<16xi32>], vector<16xf32>,
      %gather3A_155 = tpu.vector_load_idx %arg11[%shift_right_arithmetic3A_150, %and3A_153] : memref<79x128xf32, #tpu.memory_space<vmem>>[vector<16xi32>, vector<16xi32>], vector<16xf32>,
      %sub3A_156 = arith.subf %gather3A_154, %gather3A_155 : vector<16xf32>
      %gather3A_157 = tpu.vector_load_idx %arg12[%shift_right_arithmetic3A_144, %and3A_147] : memref<79x128xf32, #tpu.memory_space<vmem>>[vector<16xi32>, vector<16xi32>], vector<16xf32>,
      %gather3A_158 = tpu.vector_load_idx %arg12[%shift_right_arithmetic3A_150, %and3A_153] : memref<79x128xf32, #tpu.memory_space<vmem>>[vector<16xi32>, vector<16xi32>], vector<16xf32>,
      %sub3A_159 = arith.subf %gather3A_157, %gather3A_158 : vector<16xf32>
      %gather3A_160 = tpu.vector_load_idx %arg13[%shift_right_arithmetic3A_144, %and3A_147] : memref<79x128xf32, #tpu.memory_space<vmem>>[vector<16xi32>, vector<16xi32>], vector<16xf32>,
      %gather3A_161 = tpu.vector_load_idx %arg13[%shift_right_arithmetic3A_150, %and3A_153] : memref<79x128xf32, #tpu.memory_space<vmem>>[vector<16xi32>, vector<16xi32>], vector<16xf32>,
      %sub3A_162 = arith.subf %gather3A_160, %gather3A_161 : vector<16xf32>
      %mul3A_163 = arith.mulf %sub3A_156, %sub3A_156 : vector<16xf32>
      %mul3A_164 = arith.mulf %sub3A_159, %sub3A_159 : vector<16xf32>
      %add3A_165 = arith.addf %mul3A_163, %mul3A_164 : vector<16xf32>
      %mul3A_166 = arith.mulf %sub3A_162, %sub3A_162 : vector<16xf32>
      %add3A_167 = arith.addf %add3A_165, %mul3A_166 : vector<16xf32>
      %iota3A_168 = tpu.iota {dimensions = array<i32: 0>} : vector<16xi32>
      %add3A_169 = arith.constant 48 : i32
      %add3A_170 = vector.broadcast %add3A_169 : i32 to vector<16xi32>
      %add3A_171 = arith.addi %add3A_170, %iota3A_168 : vector<16xi32>
      %broadcast_in_dim3A_172 = arith.constant 0 : i32
      %broadcast_in_dim3A_173 = vector.broadcast %broadcast_in_dim3A_172 : i32 to vector<16xi32>
      tpu.vector_store_idx %arg10[%add3A_171, %broadcast_in_dim3A_173], %sub3A_156 : memref<80x16xf32, #tpu.memory_space<vmem>>[vector<16xi32>, vector<16xi32>], vector<16xf32>,
      %broadcast_in_dim3A_174 = arith.constant 1 : i32
      %broadcast_in_dim3A_175 = vector.broadcast %broadcast_in_dim3A_174 : i32 to vector<16xi32>
      tpu.vector_store_idx %arg10[%add3A_171, %broadcast_in_dim3A_175], %sub3A_159 : memref<80x16xf32, #tpu.memory_space<vmem>>[vector<16xi32>, vector<16xi32>], vector<16xf32>,
      %broadcast_in_dim3A_176 = arith.constant 2 : i32
      %broadcast_in_dim3A_177 = vector.broadcast %broadcast_in_dim3A_176 : i32 to vector<16xi32>
      tpu.vector_store_idx %arg10[%add3A_171, %broadcast_in_dim3A_177], %sub3A_162 : memref<80x16xf32, #tpu.memory_space<vmem>>[vector<16xi32>, vector<16xi32>], vector<16xf32>,
      %broadcast_in_dim3A_178 = arith.constant 3 : i32
      %broadcast_in_dim3A_179 = vector.broadcast %broadcast_in_dim3A_178 : i32 to vector<16xi32>
      tpu.vector_store_idx %arg10[%add3A_171, %broadcast_in_dim3A_179], %add3A_167 : memref<80x16xf32, #tpu.memory_space<vmem>>[vector<16xi32>, vector<16xi32>], vector<16xf32>,
      %get3A_180 = arith.index_cast %scan3A_10 : i32 to index
      %get3A_181 = arith.constant 64 : index
      %get3A_182 = tpu.vector_load %arg8[%get3A_180, %get3A_181] {strides = array<i32>} : memref<125x80xi32, #tpu.memory_space<vmem>>, vector<16xi32>,
      %get3A_183 = arith.index_cast %scan3A_10 : i32 to index
      %get3A_184 = arith.constant 64 : index
      %get3A_185 = tpu.vector_load %arg9[%get3A_183, %get3A_184] {strides = array<i32>} : memref<125x80xi32, #tpu.memory_space<vmem>>, vector<16xi32>,
      %shift_right_arithmetic3A_186 = arith.constant 7 : i32
      %shift_right_arithmetic3A_187 = vector.broadcast %shift_right_arithmetic3A_186 : i32 to vector<16xi32>
      %shift_right_arithmetic3A_188 = arith.shrsi %get3A_182, %shift_right_arithmetic3A_187 : vector<16xi32>
      %and3A_189 = arith.constant 127 : i32
      %and3A_190 = vector.broadcast %and3A_189 : i32 to vector<16xi32>
      %and3A_191 = arith.andi %get3A_182, %and3A_190 : vector<16xi32>
      %shift_right_arithmetic3A_192 = arith.constant 7 : i32
      %shift_right_arithmetic3A_193 = vector.broadcast %shift_right_arithmetic3A_192 : i32 to vector<16xi32>
      %shift_right_arithmetic3A_194 = arith.shrsi %get3A_185, %shift_right_arithmetic3A_193 : vector<16xi32>
      %and3A_195 = arith.constant 127 : i32
      %and3A_196 = vector.broadcast %and3A_195 : i32 to vector<16xi32>
      %and3A_197 = arith.andi %get3A_185, %and3A_196 : vector<16xi32>
      %gather3A_198 = tpu.vector_load_idx %arg11[%shift_right_arithmetic3A_188, %and3A_191] : memref<79x128xf32, #tpu.memory_space<vmem>>[vector<16xi32>, vector<16xi32>], vector<16xf32>,
      %gather3A_199 = tpu.vector_load_idx %arg11[%shift_right_arithmetic3A_194, %and3A_197] : memref<79x128xf32, #tpu.memory_space<vmem>>[vector<16xi32>, vector<16xi32>], vector<16xf32>,
      %sub3A_200 = arith.subf %gather3A_198, %gather3A_199 : vector<16xf32>
      %gather3A_201 = tpu.vector_load_idx %arg12[%shift_right_arithmetic3A_188, %and3A_191] : memref<79x128xf32, #tpu.memory_space<vmem>>[vector<16xi32>, vector<16xi32>], vector<16xf32>,
      %gather3A_202 = tpu.vector_load_idx %arg12[%shift_right_arithmetic3A_194, %and3A_197] : memref<79x128xf32, #tpu.memory_space<vmem>>[vector<16xi32>, vector<16xi32>], vector<16xf32>,
      %sub3A_203 = arith.subf %gather3A_201, %gather3A_202 : vector<16xf32>
      %gather3A_204 = tpu.vector_load_idx %arg13[%shift_right_arithmetic3A_188, %and3A_191] : memref<79x128xf32, #tpu.memory_space<vmem>>[vector<16xi32>, vector<16xi32>], vector<16xf32>,
      %gather3A_205 = tpu.vector_load_idx %arg13[%shift_right_arithmetic3A_194, %and3A_197] : memref<79x128xf32, #tpu.memory_space<vmem>>[vector<16xi32>, vector<16xi32>], vector<16xf32>,
      %sub3A_206 = arith.subf %gather3A_204, %gather3A_205 : vector<16xf32>
      %mul3A_207 = arith.mulf %sub3A_200, %sub3A_200 : vector<16xf32>
      %mul3A_208 = arith.mulf %sub3A_203, %sub3A_203 : vector<16xf32>
      %add3A_209 = arith.addf %mul3A_207, %mul3A_208 : vector<16xf32>
      %mul3A_210 = arith.mulf %sub3A_206, %sub3A_206 : vector<16xf32>
      %add3A_211 = arith.addf %add3A_209, %mul3A_210 : vector<16xf32>
      %iota3A_212 = tpu.iota {dimensions = array<i32: 0>} : vector<16xi32>
      %add3A_213 = arith.constant 64 : i32
      %add3A_214 = vector.broadcast %add3A_213 : i32 to vector<16xi32>
      %add3A_215 = arith.addi %add3A_214, %iota3A_212 : vector<16xi32>
      %broadcast_in_dim3A_216 = arith.constant 0 : i32
      %broadcast_in_dim3A_217 = vector.broadcast %broadcast_in_dim3A_216 : i32 to vector<16xi32>
      tpu.vector_store_idx %arg10[%add3A_215, %broadcast_in_dim3A_217], %sub3A_200 : memref<80x16xf32, #tpu.memory_space<vmem>>[vector<16xi32>, vector<16xi32>], vector<16xf32>,
      %broadcast_in_dim3A_218 = arith.constant 1 : i32
      %broadcast_in_dim3A_219 = vector.broadcast %broadcast_in_dim3A_218 : i32 to vector<16xi32>
      tpu.vector_store_idx %arg10[%add3A_215, %broadcast_in_dim3A_219], %sub3A_203 : memref<80x16xf32, #tpu.memory_space<vmem>>[vector<16xi32>, vector<16xi32>], vector<16xf32>,
      %broadcast_in_dim3A_220 = arith.constant 2 : i32
      %broadcast_in_dim3A_221 = vector.broadcast %broadcast_in_dim3A_220 : i32 to vector<16xi32>
      tpu.vector_store_idx %arg10[%add3A_215, %broadcast_in_dim3A_221], %sub3A_206 : memref<80x16xf32, #tpu.memory_space<vmem>>[vector<16xi32>, vector<16xi32>], vector<16xf32>,
      %broadcast_in_dim3A_222 = arith.constant 3 : i32
      %broadcast_in_dim3A_223 = vector.broadcast %broadcast_in_dim3A_222 : i32 to vector<16xi32>
      tpu.vector_store_idx %arg10[%add3A_215, %broadcast_in_dim3A_223], %add3A_211 : memref<80x16xf32, #tpu.memory_space<vmem>>[vector<16xi32>, vector<16xi32>], vector<16xf32>,
      %mul3A_224 = arith.constant 80 : i32
      %mul3A_225 = arith.muli %scan3A_10, %mul3A_224 : i32
      %add3A_226 = arith.addi %mul3A_4, %mul3A_225 : i32
      "tpu.region"() ({
        %run_scoped3A = tpu.sem_alloc : memref<!tpu.dma_semaphore, #tpu.memory_space<semaphore_mem>>
        %dma_start3A = arith.constant 0 : i32
        %dma_start3A_227 = tpu.memref_slice %arg7[%add3A_226, %dma_start3A] : memref<320000x16xf32, #tpu.memory_space<hbm>> -> memref<80x16xf32, #tpu.memory_space<hbm>>
        %dma_start3A_228 = arith.constant 0 : i32
        %dma_start3A_229 = tpu.memref_slice %arg7[%add3A_226, %dma_start3A_228] : memref<320000x16xf32, #tpu.memory_space<hbm>> -> memref<80x16xf32, #tpu.memory_space<hbm>>
        tpu.enqueue_dma source(%arg10 : memref<80x16xf32, #tpu.memory_space<vmem>>) target(%dma_start3A_229 : memref<80x16xf32, #tpu.memory_space<hbm>>) target_semaphore(%run_scoped3A : memref<!tpu.dma_semaphore, #tpu.memory_space<semaphore_mem>>)
        %dma_wait3A = arith.constant 0 : i32
        %dma_wait3A_230 = tpu.memref_slice %arg7[%add3A_226, %dma_wait3A] : memref<320000x16xf32, #tpu.memory_space<hbm>> -> memref<80x16xf32, #tpu.memory_space<hbm>>
        %dma_wait3A_231 = arith.constant 0 : i32
        %dma_wait3A_232 = tpu.memref_slice %arg7[%add3A_226, %dma_wait3A_231] : memref<320000x16xf32, #tpu.memory_space<hbm>> -> memref<80x16xf32, #tpu.memory_space<hbm>>
        tpu.wait_dma2 semaphore(%run_scoped3A : memref<!tpu.dma_semaphore, #tpu.memory_space<semaphore_mem>>) src(%arg10 : memref<80x16xf32, #tpu.memory_space<vmem>>) dst(%dma_wait3A_232 : memref<80x16xf32, #tpu.memory_space<hbm>>)
        tpu.yield
      }) : () -> ()
    }
    %scan3A_9 = arith.constant 125 : i32
    return
  }
}

module attributes {stable_mosaic.version = 14 : i64} {
  func.func @_prep_body(%arg0: i32, %arg1: memref<2000x128xf32, #tpu.memory_space<vmem>>, %arg2: memref<128x128xf32, #tpu.memory_space<vmem>>, %arg3: memref<128x128xf32, #tpu.memory_space<vmem>>, %arg4: memref<2000x128xf32, #tpu.memory_space<vmem>>, %arg5: memref<2000x128xf32, #tpu.memory_space<vmem>>) attributes {dimension_semantics = [#tpu.dimension_semantics<arbitrary>], iteration_bounds = array<i64: 5>, scalar_prefetch = 0 : i64, scratch_operands = 0 : i64, tpu.core_type = #tpu.core_type<tc>, window_params = [{transform_indices = @transform_0, window_bounds = array<i64: 2000, 128>}, {pipeline_mode = #tpu.pipeline_mode<synchronous>, transform_indices = @transform_1, window_bounds = array<i64: 128, 128>}, {pipeline_mode = #tpu.pipeline_mode<synchronous>, transform_indices = @transform_2, window_bounds = array<i64: 128, 128>}, {transform_indices = @transform_3, window_bounds = array<i64: 2000, 128>}, {transform_indices = @transform_4, window_bounds = array<i64: 2000, 128>}]} {
    %get3A = arith.constant 0 : index
    %get3A_0 = arith.constant 0 : index
    %get3A_1 = vector.load %arg1[%get3A, %get3A_0] : memref<2000x128xf32, #tpu.memory_space<vmem>>, vector<2000x128xf32>
    %get3A_2 = arith.constant 0 : index
    %get3A_3 = arith.constant 0 : index
    %get3A_4 = vector.load %arg2[%get3A_2, %get3A_3] : memref<128x128xf32, #tpu.memory_space<vmem>>, vector<128x128xf32>
    %dot_general3A = arith.constant dense<0.000000e+00> : vector<2000x128xf32>
    %dot_general3A_5 = tpu.matmul %get3A_1, %get3A_4, %dot_general3A {dimension_numbers = #tpu.dot_dimension_numbers<[1], [0], [0], [1], [0, 0, 1, 1], [], []>, transpose_lhs_hint = false} : vector<2000x128xf32>, vector<128x128xf32>, vector<2000x128xf32> -> vector<2000x128xf32>
    %swap3A = arith.constant 0 : index
    %swap3A_6 = arith.constant 0 : index
    %swap3A_7 = vector.load %arg4[%swap3A, %swap3A_6] : memref<2000x128xf32, #tpu.memory_space<vmem>>, vector<2000x128xf32>
    tpu.vector_store %arg4[%swap3A, %swap3A_6], %dot_general3A_5 {strides = array<i32>} : memref<2000x128xf32, #tpu.memory_space<vmem>>, vector<2000x128xf32>,
    %get3A_8 = arith.constant 0 : index
    %get3A_9 = arith.constant 0 : index
    %get3A_10 = vector.load %arg3[%get3A_8, %get3A_9] : memref<128x128xf32, #tpu.memory_space<vmem>>, vector<128x128xf32>
    %dot_general3A_11 = arith.constant dense<0.000000e+00> : vector<2000x128xf32>
    %dot_general3A_12 = tpu.matmul %get3A_1, %get3A_10, %dot_general3A_11 {dimension_numbers = #tpu.dot_dimension_numbers<[1], [0], [0], [1], [0, 0, 1, 1], [], []>, transpose_lhs_hint = false} : vector<2000x128xf32>, vector<128x128xf32>, vector<2000x128xf32> -> vector<2000x128xf32>
    %swap3A_13 = arith.constant 0 : index
    %swap3A_14 = arith.constant 0 : index
    %swap3A_15 = vector.load %arg5[%swap3A_13, %swap3A_14] : memref<2000x128xf32, #tpu.memory_space<vmem>>, vector<2000x128xf32>
    tpu.vector_store %arg5[%swap3A_13, %swap3A_14], %dot_general3A_12 {strides = array<i32>} : memref<2000x128xf32, #tpu.memory_space<vmem>>, vector<2000x128xf32>,
    return
  }
  func.func @transform_0(%arg0: i32) -> (i32, i32) {
    %c0_i32 = arith.constant 0 : i32
    %c0_i32_0 = arith.constant 0 : i32
    return %arg0, %c0_i32 : i32, i32
  }
  func.func @transform_1(%arg0: i32) -> (i32, i32) {
    %c0_i32 = arith.constant 0 : i32
    %c0_i32_0 = arith.constant 0 : i32
    %c0_i32_1 = arith.constant 0 : i32
    return %c0_i32, %c0_i32_0 : i32, i32
  }
  func.func @transform_2(%arg0: i32) -> (i32, i32) {
    %c0_i32 = arith.constant 0 : i32
    %c0_i32_0 = arith.constant 0 : i32
    %c0_i32_1 = arith.constant 0 : i32
    return %c0_i32, %c0_i32_0 : i32, i32
  }
  func.func @transform_3(%arg0: i32) -> (i32, i32) {
    %c0_i32 = arith.constant 0 : i32
    %c0_i32_0 = arith.constant 0 : i32
    return %arg0, %c0_i32 : i32, i32
  }
  func.func @transform_4(%arg0: i32) -> (i32, i32) {
    %c0_i32 = arith.constant 0 : i32
    %c0_i32_0 = arith.constant 0 : i32
    return %arg0, %c0_i32 : i32, i32
  }
}

module attributes {stable_mosaic.version = 14 : i64} {
  func.func @_edge_body(%arg0: i32, %arg1: memref<2560x128xf32, #tpu.memory_space<vmem>>, %arg2: memref<2560x128xf32, #tpu.memory_space<vmem>>, %arg3: memref<2560x16xf32, #tpu.memory_space<vmem>>, %arg4: memref<2560x16xf32, #tpu.memory_space<vmem>>, %arg5: memref<16x128xf32, #tpu.memory_space<vmem>>, %arg6: memref<1x128xf32, #tpu.memory_space<vmem>>, %arg7: memref<1x128xf32, #tpu.memory_space<vmem>>, %arg8: memref<128x128xf32, #tpu.memory_space<vmem>>, %arg9: memref<1x128xf32, #tpu.memory_space<vmem>>, %arg10: memref<128x128xf32, #tpu.memory_space<vmem>>, %arg11: memref<1x128xf32, #tpu.memory_space<vmem>>, %arg12: memref<1x128xf32, #tpu.memory_space<vmem>>, %arg13: memref<2560x128xf32, #tpu.memory_space<vmem>>, %arg14: memref<2560x16xf32, #tpu.memory_space<vmem>>) attributes {dimension_semantics = [#tpu.dimension_semantics<arbitrary>], iteration_bounds = array<i64: 125>, scalar_prefetch = 0 : i64, scratch_operands = 0 : i64, tpu.core_type = #tpu.core_type<tc>, window_params = [{transform_indices = @transform_0, window_bounds = array<i64: 2560, 128>}, {transform_indices = @transform_1, window_bounds = array<i64: 2560, 128>}, {transform_indices = @transform_2, window_bounds = array<i64: 2560, 16>}, {transform_indices = @transform_3, window_bounds = array<i64: 2560, 16>}, {pipeline_mode = #tpu.pipeline_mode<synchronous>, transform_indices = @transform_4, window_bounds = array<i64: 16, 128>}, {pipeline_mode = #tpu.pipeline_mode<synchronous>, transform_indices = @transform_5, window_bounds = array<i64: 1, 128>}, {pipeline_mode = #tpu.pipeline_mode<synchronous>, transform_indices = @transform_6, window_bounds = array<i64: 1, 128>}, {pipeline_mode = #tpu.pipeline_mode<synchronous>, transform_indices = @transform_7, window_bounds = array<i64: 128, 128>}, {pipeline_mode = #tpu.pipeline_mode<synchronous>, transform_indices = @transform_8, window_bounds = array<i64: 1, 128>}, {pipeline_mode = #tpu.pipeline_mode<synchronous>, transform_indices = @transform_9, window_bounds = array<i64: 128, 128>}, {pipeline_mode = #tpu.pipeline_mode<synchronous>, transform_indices = @transform_10, window_bounds = array<i64: 1, 128>}, {pipeline_mode = #tpu.pipeline_mode<synchronous>, transform_indices = @transform_11, window_bounds = array<i64: 1, 128>}, {transform_indices = @transform_12, window_bounds = array<i64: 2560, 128>}, {transform_indices = @transform_13, window_bounds = array<i64: 2560, 16>}]} {
    %get3A = arith.constant 0 : index
    %get3A_0 = arith.constant 0 : index
    %get3A_1 = vector.load %arg1[%get3A, %get3A_0] : memref<2560x128xf32, #tpu.memory_space<vmem>>, vector<2560x128xf32>
    %get3A_2 = arith.constant 0 : index
    %get3A_3 = arith.constant 0 : index
    %get3A_4 = vector.load %arg2[%get3A_2, %get3A_3] : memref<2560x128xf32, #tpu.memory_space<vmem>>, vector<2560x128xf32>
    %add3A = arith.addf %get3A_1, %get3A_4 : vector<2560x128xf32>
    %get3A_5 = arith.constant 0 : index
    %get3A_6 = arith.constant 0 : index
    %get3A_7 = vector.load %arg3[%get3A_5, %get3A_6] : memref<2560x16xf32, #tpu.memory_space<vmem>>, vector<2560x16xf32>
    %slice3A = vector.extract_strided_slice %get3A_7 {offsets = [0, 3], sizes = [2560, 1], strides = [1, 1]} : vector<2560x16xf32> to vector<2560x1xf32>
    %get3A_8 = arith.constant 0 : index
    %get3A_9 = arith.constant 0 : index
    %get3A_10 = vector.load %arg7[%get3A_8, %get3A_9] : memref<1x128xf32, #tpu.memory_space<vmem>>, vector<1x128xf32>
    %mul3A = vector.broadcast %slice3A : vector<2560x1xf32> to vector<2560x128xf32>
    %mul3A_11 = vector.broadcast %get3A_10 : vector<1x128xf32> to vector<2560x128xf32>
    %mul3A_12 = arith.mulf %mul3A, %mul3A_11 : vector<2560x128xf32>
    %add3A_13 = arith.addf %add3A, %mul3A_12 : vector<2560x128xf32>
    %get3A_14 = arith.constant 0 : index
    %get3A_15 = arith.constant 0 : index
    %get3A_16 = vector.load %arg6[%get3A_14, %get3A_15] : memref<1x128xf32, #tpu.memory_space<vmem>>, vector<1x128xf32>
    %add3A_17 = vector.broadcast %get3A_16 : vector<1x128xf32> to vector<2560x128xf32>
    %add3A_18 = arith.addf %add3A_13, %add3A_17 : vector<2560x128xf32>
    %get3A_19 = arith.constant 0 : index
    %get3A_20 = arith.constant 0 : index
    %get3A_21 = vector.load %arg4[%get3A_19, %get3A_20] : memref<2560x16xf32, #tpu.memory_space<vmem>>, vector<2560x16xf32>
    %get3A_22 = arith.constant 0 : index
    %get3A_23 = arith.constant 0 : index
    %get3A_24 = vector.load %arg5[%get3A_22, %get3A_23] : memref<16x128xf32, #tpu.memory_space<vmem>>, vector<16x128xf32>
    %dot_general3A = arith.constant dense<0.000000e+00> : vector<2560x128xf32>
    %dot_general3A_25 = tpu.matmul %get3A_21, %get3A_24, %dot_general3A {dimension_numbers = #tpu.dot_dimension_numbers<[1], [0], [0], [1], [0, 0, 1, 1], [], []>, transpose_lhs_hint = false} : vector<2560x16xf32>, vector<16x128xf32>, vector<2560x128xf32> -> vector<2560x128xf32>
    %add3A_26 = arith.addf %add3A_18, %dot_general3A_25 : vector<2560x128xf32>
    %logistic3A = arith.negf %add3A_26 : vector<2560x128xf32>
    %logistic3A_27 = math.exp %logistic3A : vector<2560x128xf32>
    %logistic3A_28 = arith.constant 1.000000e+00 : f32
    %logistic3A_29 = vector.broadcast %logistic3A_28 : f32 to vector<2560x128xf32>
    %logistic3A_30 = arith.addf %logistic3A_29, %logistic3A_27 : vector<2560x128xf32>
    %logistic3A_31 = arith.divf %logistic3A_29, %logistic3A_30 : vector<2560x128xf32>
    %mul3A_32 = arith.mulf %add3A_26, %logistic3A_31 : vector<2560x128xf32>
    %get3A_33 = arith.constant 0 : index
    %get3A_34 = arith.constant 0 : index
    %get3A_35 = vector.load %arg8[%get3A_33, %get3A_34] : memref<128x128xf32, #tpu.memory_space<vmem>>, vector<128x128xf32>
    %dot_general3A_36 = arith.constant dense<0.000000e+00> : vector<2560x128xf32>
    %dot_general3A_37 = tpu.matmul %mul3A_32, %get3A_35, %dot_general3A_36 {dimension_numbers = #tpu.dot_dimension_numbers<[1], [0], [0], [1], [0, 0, 1, 1], [], []>, transpose_lhs_hint = false} : vector<2560x128xf32>, vector<128x128xf32>, vector<2560x128xf32> -> vector<2560x128xf32>
    %get3A_38 = arith.constant 0 : index
    %get3A_39 = arith.constant 0 : index
    %get3A_40 = vector.load %arg9[%get3A_38, %get3A_39] : memref<1x128xf32, #tpu.memory_space<vmem>>, vector<1x128xf32>
    %add3A_41 = vector.broadcast %get3A_40 : vector<1x128xf32> to vector<2560x128xf32>
    %add3A_42 = arith.addf %dot_general3A_37, %add3A_41 : vector<2560x128xf32>
    %logistic3A_43 = arith.negf %add3A_42 : vector<2560x128xf32>
    %logistic3A_44 = math.exp %logistic3A_43 : vector<2560x128xf32>
    %logistic3A_45 = arith.constant 1.000000e+00 : f32
    %logistic3A_46 = vector.broadcast %logistic3A_45 : f32 to vector<2560x128xf32>
    %logistic3A_47 = arith.addf %logistic3A_46, %logistic3A_44 : vector<2560x128xf32>
    %logistic3A_48 = arith.divf %logistic3A_46, %logistic3A_47 : vector<2560x128xf32>
    %mul3A_49 = arith.mulf %add3A_42, %logistic3A_48 : vector<2560x128xf32>
    %swap3A = arith.constant 0 : index
    %swap3A_50 = arith.constant 0 : index
    %swap3A_51 = vector.load %arg13[%swap3A, %swap3A_50] : memref<2560x128xf32, #tpu.memory_space<vmem>>, vector<2560x128xf32>
    tpu.vector_store %arg13[%swap3A, %swap3A_50], %mul3A_49 {strides = array<i32>} : memref<2560x128xf32, #tpu.memory_space<vmem>>, vector<2560x128xf32>,
    %get3A_52 = arith.constant 0 : index
    %get3A_53 = arith.constant 0 : index
    %get3A_54 = vector.load %arg10[%get3A_52, %get3A_53] : memref<128x128xf32, #tpu.memory_space<vmem>>, vector<128x128xf32>
    %dot_general3A_55 = arith.constant dense<0.000000e+00> : vector<2560x128xf32>
    %dot_general3A_56 = tpu.matmul %mul3A_49, %get3A_54, %dot_general3A_55 {dimension_numbers = #tpu.dot_dimension_numbers<[1], [0], [0], [1], [0, 0, 1, 1], [], []>, transpose_lhs_hint = false} : vector<2560x128xf32>, vector<128x128xf32>, vector<2560x128xf32> -> vector<2560x128xf32>
    %get3A_57 = arith.constant 0 : index
    %get3A_58 = arith.constant 0 : index
    %get3A_59 = vector.load %arg11[%get3A_57, %get3A_58] : memref<1x128xf32, #tpu.memory_space<vmem>>, vector<1x128xf32>
    %add3A_60 = vector.broadcast %get3A_59 : vector<1x128xf32> to vector<2560x128xf32>
    %add3A_61 = arith.addf %dot_general3A_56, %add3A_60 : vector<2560x128xf32>
    %logistic3A_62 = arith.negf %add3A_61 : vector<2560x128xf32>
    %logistic3A_63 = math.exp %logistic3A_62 : vector<2560x128xf32>
    %logistic3A_64 = arith.constant 1.000000e+00 : f32
    %logistic3A_65 = vector.broadcast %logistic3A_64 : f32 to vector<2560x128xf32>
    %logistic3A_66 = arith.addf %logistic3A_65, %logistic3A_63 : vector<2560x128xf32>
    %logistic3A_67 = arith.divf %logistic3A_65, %logistic3A_66 : vector<2560x128xf32>
    %mul3A_68 = arith.mulf %add3A_61, %logistic3A_67 : vector<2560x128xf32>
    %get3A_69 = arith.constant 0 : index
    %get3A_70 = arith.constant 0 : index
    %get3A_71 = vector.load %arg12[%get3A_69, %get3A_70] : memref<1x128xf32, #tpu.memory_space<vmem>>, vector<1x128xf32>
    %mul3A_72 = vector.broadcast %get3A_71 : vector<1x128xf32> to vector<2560x128xf32>
    %mul3A_73 = arith.mulf %mul3A_68, %mul3A_72 : vector<2560x128xf32>
    %reduce_sum3A = arith.constant dense<0.000000e+00> : vector<2560xf32>
    %reduce_sum3A_74 = vector.multi_reduction <add>, %mul3A_73, %reduce_sum3A [1] : vector<2560x128xf32> to vector<2560xf32>
    %broadcast_in_dim3A = vector.shape_cast %reduce_sum3A_74 : vector<2560xf32> to vector<2560x1xf32>
    %tanh3A = math.tanh %broadcast_in_dim3A : vector<2560x1xf32>
    %add3A_75 = arith.constant 9.99999993E-9 : f32
    %add3A_76 = vector.broadcast %add3A_75 : f32 to vector<2560x1xf32>
    %add3A_77 = arith.addf %slice3A, %add3A_76 : vector<2560x1xf32>
    %rsqrt3A = math.rsqrt %add3A_77 : vector<2560x1xf32>
    %iota3A = tpu.iota {dimensions = array<i32: 1>} : vector<1x16xi32>
    %eq3A = arith.constant 3 : i32
    %eq3A_78 = vector.broadcast %eq3A : i32 to vector<1x16xi32>
    %eq3A_79 = arith.cmpi eq, %iota3A, %eq3A_78 : vector<1x16xi32>
    %jit3A = arith.constant 1.000000e+00 : f32
    %jit3A_80 = arith.constant 0.000000e+00 : f32
    %broadcast_in_dim3A_81 = vector.broadcast %jit3A : f32 to vector<1x16xf32>
    %broadcast_in_dim3A_82 = vector.broadcast %jit3A_80 : f32 to vector<1x16xf32>
    %select_n3A = arith.select %eq3A_79, %broadcast_in_dim3A_81, %broadcast_in_dim3A_82 : vector<1x16xi1>, vector<1x16xf32>
    %lt3A = arith.constant 3 : i32
    %lt3A_83 = vector.broadcast %lt3A : i32 to vector<1x16xi32>
    %lt3A_84 = arith.cmpi slt, %iota3A, %lt3A_83 : vector<1x16xi32>
    %jit3A_85 = arith.constant 0.000000e+00 : f32
    %broadcast_in_dim3A_86 = vector.shape_cast %lt3A_84 : vector<1x16xi1> to vector<1x16xi1>
    %broadcast_in_dim3A_87 = vector.broadcast %broadcast_in_dim3A_86 : vector<1x16xi1> to vector<2560x16xi1>
    %broadcast_in_dim3A_88 = vector.broadcast %jit3A_85 : f32 to vector<2560x16xf32>
    %select_n3A_89 = arith.select %broadcast_in_dim3A_87, %get3A_7, %broadcast_in_dim3A_88 : vector<2560x16xi1>, vector<2560x16xf32>
    %mul3A_90 = arith.mulf %tanh3A, %rsqrt3A : vector<2560x1xf32>
    %mul3A_91 = vector.broadcast %mul3A_90 : vector<2560x1xf32> to vector<2560x16xf32>
    %mul3A_92 = arith.mulf %select_n3A_89, %mul3A_91 : vector<2560x16xf32>
    %add3A_93 = vector.broadcast %select_n3A : vector<1x16xf32> to vector<2560x16xf32>
    %add3A_94 = arith.addf %mul3A_92, %add3A_93 : vector<2560x16xf32>
    %swap3A_95 = arith.constant 0 : index
    %swap3A_96 = arith.constant 0 : index
    %swap3A_97 = vector.load %arg14[%swap3A_95, %swap3A_96] : memref<2560x16xf32, #tpu.memory_space<vmem>>, vector<2560x16xf32>
    tpu.vector_store %arg14[%swap3A_95, %swap3A_96], %add3A_94 {strides = array<i32>} : memref<2560x16xf32, #tpu.memory_space<vmem>>, vector<2560x16xf32>,
    return
  }
  func.func @transform_0(%arg0: i32) -> (i32, i32) {
    %c0_i32 = arith.constant 0 : i32
    %c0_i32_0 = arith.constant 0 : i32
    return %arg0, %c0_i32 : i32, i32
  }
  func.func @transform_1(%arg0: i32) -> (i32, i32) {
    %c0_i32 = arith.constant 0 : i32
    %c0_i32_0 = arith.constant 0 : i32
    return %arg0, %c0_i32 : i32, i32
  }
  func.func @transform_2(%arg0: i32) -> (i32, i32) {
    %c0_i32 = arith.constant 0 : i32
    %c0_i32_0 = arith.constant 0 : i32
    return %arg0, %c0_i32 : i32, i32
  }
  func.func @transform_3(%arg0: i32) -> (i32, i32) {
    %c0_i32 = arith.constant 0 : i32
    %c0_i32_0 = arith.constant 0 : i32
    return %arg0, %c0_i32 : i32, i32
  }
  func.func @transform_4(%arg0: i32) -> (i32, i32) {
    %c0_i32 = arith.constant 0 : i32
    %c0_i32_0 = arith.constant 0 : i32
    %c0_i32_1 = arith.constant 0 : i32
    return %c0_i32, %c0_i32_0 : i32, i32
  }
  func.func @transform_5(%arg0: i32) -> (i32, i32) {
    %c0_i32 = arith.constant 0 : i32
    %c0_i32_0 = arith.constant 0 : i32
    %c0_i32_1 = arith.constant 0 : i32
    return %c0_i32, %c0_i32_0 : i32, i32
  }
  func.func @transform_6(%arg0: i32) -> (i32, i32) {
    %c0_i32 = arith.constant 0 : i32
    %c0_i32_0 = arith.constant 0 : i32
    %c0_i32_1 = arith.constant 0 : i32
    return %c0_i32, %c0_i32_0 : i32, i32
  }
  func.func @transform_7(%arg0: i32) -> (i32, i32) {
    %c0_i32 = arith.constant 0 : i32
    %c0_i32_0 = arith.constant 0 : i32
    %c0_i32_1 = arith.constant 0 : i32
    return %c0_i32, %c0_i32_0 : i32, i32
  }
  func.func @transform_8(%arg0: i32) -> (i32, i32) {
    %c0_i32 = arith.constant 0 : i32
    %c0_i32_0 = arith.constant 0 : i32
    %c0_i32_1 = arith.constant 0 : i32
    return %c0_i32, %c0_i32_0 : i32, i32
  }
  func.func @transform_9(%arg0: i32) -> (i32, i32) {
    %c0_i32 = arith.constant 0 : i32
    %c0_i32_0 = arith.constant 0 : i32
    %c0_i32_1 = arith.constant 0 : i32
    return %c0_i32, %c0_i32_0 : i32, i32
  }
  func.func @transform_10(%arg0: i32) -> (i32, i32) {
    %c0_i32 = arith.constant 0 : i32
    %c0_i32_0 = arith.constant 0 : i32
    %c0_i32_1 = arith.constant 0 : i32
    return %c0_i32, %c0_i32_0 : i32, i32
  }
  func.func @transform_11(%arg0: i32) -> (i32, i32) {
    %c0_i32 = arith.constant 0 : i32
    %c0_i32_0 = arith.constant 0 : i32
    %c0_i32_1 = arith.constant 0 : i32
    return %c0_i32, %c0_i32_0 : i32, i32
  }
  func.func @transform_12(%arg0: i32) -> (i32, i32) {
    %c0_i32 = arith.constant 0 : i32
    %c0_i32_0 = arith.constant 0 : i32
    return %arg0, %c0_i32 : i32, i32
  }
  func.func @transform_13(%arg0: i32) -> (i32, i32) {
    %c0_i32 = arith.constant 0 : i32
    %c0_i32_0 = arith.constant 0 : i32
    return %arg0, %c0_i32 : i32, i32
  }
}

module attributes {stable_mosaic.version = 14 : i64} {
  func.func @_node_body(%arg0: i32, %arg1: memref<2000x128xf32, #tpu.memory_space<vmem>>, %arg2: memref<2x2000x128xf32, #tpu.memory_space<vmem>>, %arg3: memref<2x2000x128xf32, #tpu.memory_space<vmem>>, %arg4: memref<2000x16xf32, #tpu.memory_space<vmem>>, %arg5: memref<128x128xf32, #tpu.memory_space<vmem>>, %arg6: memref<128x128xf32, #tpu.memory_space<vmem>>, %arg7: memref<1x128xf32, #tpu.memory_space<vmem>>, %arg8: memref<128x128xf32, #tpu.memory_space<vmem>>, %arg9: memref<1x128xf32, #tpu.memory_space<vmem>>, %arg10: memref<1x128xf32, #tpu.memory_space<vmem>>, %arg11: memref<1x128xf32, #tpu.memory_space<vmem>>, %arg12: memref<2000x128xf32, #tpu.memory_space<vmem>>, %arg13: memref<2000x16xf32, #tpu.memory_space<vmem>>) attributes {dimension_semantics = [#tpu.dimension_semantics<arbitrary>], iteration_bounds = array<i64: 5>, scalar_prefetch = 0 : i64, scratch_operands = 0 : i64, tpu.core_type = #tpu.core_type<tc>, window_params = [{transform_indices = @transform_0, window_bounds = array<i64: 2000, 128>}, {transform_indices = @transform_1, window_bounds = array<i64: 2, 2000, 128>}, {transform_indices = @transform_2, window_bounds = array<i64: 2, 2000, 128>}, {transform_indices = @transform_3, window_bounds = array<i64: 2000, 16>}, {pipeline_mode = #tpu.pipeline_mode<synchronous>, transform_indices = @transform_4, window_bounds = array<i64: 128, 128>}, {pipeline_mode = #tpu.pipeline_mode<synchronous>, transform_indices = @transform_5, window_bounds = array<i64: 128, 128>}, {pipeline_mode = #tpu.pipeline_mode<synchronous>, transform_indices = @transform_6, window_bounds = array<i64: 1, 128>}, {pipeline_mode = #tpu.pipeline_mode<synchronous>, transform_indices = @transform_7, window_bounds = array<i64: 128, 128>}, {pipeline_mode = #tpu.pipeline_mode<synchronous>, transform_indices = @transform_8, window_bounds = array<i64: 1, 128>}, {pipeline_mode = #tpu.pipeline_mode<synchronous>, transform_indices = @transform_9, window_bounds = array<i64: 1, 128>}, {pipeline_mode = #tpu.pipeline_mode<synchronous>, transform_indices = @transform_10, window_bounds = array<i64: 1, 128>}, {transform_indices = @transform_11, window_bounds = array<i64: 2000, 128>}, {transform_indices = @transform_12, window_bounds = array<i64: 2000, 16>}]} {
    %get3A = arith.constant 0 : index
    %get3A_0 = arith.constant 0 : index
    %get3A_1 = vector.load %arg1[%get3A, %get3A_0] : memref<2000x128xf32, #tpu.memory_space<vmem>>, vector<2000x128xf32>
    %get3A_2 = arith.constant 0 : index
    %get3A_3 = arith.constant 0 : index
    %get3A_4 = arith.constant 0 : index
    %get3A_5 = vector.load %arg2[%get3A_2, %get3A_3, %get3A_4] : memref<2x2000x128xf32, #tpu.memory_space<vmem>>, vector<1x2000x128xf32>
    %get3A_6 = vector.shape_cast %get3A_5 : vector<1x2000x128xf32> to vector<2000x128xf32>
    %get3A_7 = arith.constant 1 : index
    %get3A_8 = arith.constant 0 : index
    %get3A_9 = arith.constant 0 : index
    %get3A_10 = vector.load %arg2[%get3A_7, %get3A_8, %get3A_9] : memref<2x2000x128xf32, #tpu.memory_space<vmem>>, vector<1x2000x128xf32>
    %get3A_11 = vector.shape_cast %get3A_10 : vector<1x2000x128xf32> to vector<2000x128xf32>
    %add3A = arith.addf %get3A_6, %get3A_11 : vector<2000x128xf32>
    %get3A_12 = arith.constant 0 : index
    %get3A_13 = arith.constant 0 : index
    %get3A_14 = vector.load %arg5[%get3A_12, %get3A_13] : memref<128x128xf32, #tpu.memory_space<vmem>>, vector<128x128xf32>
    %dot_general3A = arith.constant dense<0.000000e+00> : vector<2000x128xf32>
    %dot_general3A_15 = tpu.matmul %get3A_1, %get3A_14, %dot_general3A {dimension_numbers = #tpu.dot_dimension_numbers<[1], [0], [0], [1], [0, 0, 1, 1], [], []>, transpose_lhs_hint = false} : vector<2000x128xf32>, vector<128x128xf32>, vector<2000x128xf32> -> vector<2000x128xf32>
    %get3A_16 = arith.constant 0 : index
    %get3A_17 = arith.constant 0 : index
    %get3A_18 = vector.load %arg6[%get3A_16, %get3A_17] : memref<128x128xf32, #tpu.memory_space<vmem>>, vector<128x128xf32>
    %dot_general3A_19 = arith.constant dense<0.000000e+00> : vector<2000x128xf32>
    %dot_general3A_20 = tpu.matmul %add3A, %get3A_18, %dot_general3A_19 {dimension_numbers = #tpu.dot_dimension_numbers<[1], [0], [0], [1], [0, 0, 1, 1], [], []>, transpose_lhs_hint = false} : vector<2000x128xf32>, vector<128x128xf32>, vector<2000x128xf32> -> vector<2000x128xf32>
    %add3A_21 = arith.addf %dot_general3A_15, %dot_general3A_20 : vector<2000x128xf32>
    %get3A_22 = arith.constant 0 : index
    %get3A_23 = arith.constant 0 : index
    %get3A_24 = vector.load %arg7[%get3A_22, %get3A_23] : memref<1x128xf32, #tpu.memory_space<vmem>>, vector<1x128xf32>
    %add3A_25 = vector.broadcast %get3A_24 : vector<1x128xf32> to vector<2000x128xf32>
    %add3A_26 = arith.addf %add3A_21, %add3A_25 : vector<2000x128xf32>
    %logistic3A = arith.negf %add3A_26 : vector<2000x128xf32>
    %logistic3A_27 = math.exp %logistic3A : vector<2000x128xf32>
    %logistic3A_28 = arith.constant 1.000000e+00 : f32
    %logistic3A_29 = vector.broadcast %logistic3A_28 : f32 to vector<2000x128xf32>
    %logistic3A_30 = arith.addf %logistic3A_29, %logistic3A_27 : vector<2000x128xf32>
    %logistic3A_31 = arith.divf %logistic3A_29, %logistic3A_30 : vector<2000x128xf32>
    %mul3A = arith.mulf %add3A_26, %logistic3A_31 : vector<2000x128xf32>
    %get3A_32 = arith.constant 0 : index
    %get3A_33 = arith.constant 0 : index
    %get3A_34 = vector.load %arg8[%get3A_32, %get3A_33] : memref<128x128xf32, #tpu.memory_space<vmem>>, vector<128x128xf32>
    %dot_general3A_35 = arith.constant dense<0.000000e+00> : vector<2000x128xf32>
    %dot_general3A_36 = tpu.matmul %mul3A, %get3A_34, %dot_general3A_35 {dimension_numbers = #tpu.dot_dimension_numbers<[1], [0], [0], [1], [0, 0, 1, 1], [], []>, transpose_lhs_hint = false} : vector<2000x128xf32>, vector<128x128xf32>, vector<2000x128xf32> -> vector<2000x128xf32>
    %add3A_37 = arith.addf %get3A_1, %dot_general3A_36 : vector<2000x128xf32>
    %get3A_38 = arith.constant 0 : index
    %get3A_39 = arith.constant 0 : index
    %get3A_40 = vector.load %arg9[%get3A_38, %get3A_39] : memref<1x128xf32, #tpu.memory_space<vmem>>, vector<1x128xf32>
    %add3A_41 = vector.broadcast %get3A_40 : vector<1x128xf32> to vector<2000x128xf32>
    %add3A_42 = arith.addf %add3A_37, %add3A_41 : vector<2000x128xf32>
    %reduce_sum3A = arith.constant dense<0.000000e+00> : vector<2000xf32>
    %reduce_sum3A_43 = vector.multi_reduction <add>, %add3A_42, %reduce_sum3A [1] : vector<2000x128xf32> to vector<2000xf32>
    %broadcast_in_dim3A = vector.shape_cast %reduce_sum3A_43 : vector<2000xf32> to vector<2000x1xf32>
    %div3A = arith.constant 1.280000e+02 : f32
    %div3A_44 = vector.broadcast %div3A : f32 to vector<2000x1xf32>
    %div3A_45 = arith.divf %broadcast_in_dim3A, %div3A_44 : vector<2000x1xf32>
    %sub3A = vector.broadcast %div3A_45 : vector<2000x1xf32> to vector<2000x128xf32>
    %sub3A_46 = arith.subf %add3A_42, %sub3A : vector<2000x128xf32>
    %sub3A_47 = vector.broadcast %div3A_45 : vector<2000x1xf32> to vector<2000x128xf32>
    %sub3A_48 = arith.subf %add3A_42, %sub3A_47 : vector<2000x128xf32>
    %mul3A_49 = arith.mulf %sub3A_46, %sub3A_48 : vector<2000x128xf32>
    %reduce_sum3A_50 = arith.constant dense<0.000000e+00> : vector<2000xf32>
    %reduce_sum3A_51 = vector.multi_reduction <add>, %mul3A_49, %reduce_sum3A_50 [1] : vector<2000x128xf32> to vector<2000xf32>
    %broadcast_in_dim3A_52 = vector.shape_cast %reduce_sum3A_51 : vector<2000xf32> to vector<2000x1xf32>
    %div3A_53 = arith.constant 1.280000e+02 : f32
    %div3A_54 = vector.broadcast %div3A_53 : f32 to vector<2000x1xf32>
    %div3A_55 = arith.divf %broadcast_in_dim3A_52, %div3A_54 : vector<2000x1xf32>
    %sub3A_56 = vector.broadcast %div3A_45 : vector<2000x1xf32> to vector<2000x128xf32>
    %sub3A_57 = arith.subf %add3A_42, %sub3A_56 : vector<2000x128xf32>
    %add3A_58 = arith.constant 9.99999974E-6 : f32
    %add3A_59 = vector.broadcast %add3A_58 : f32 to vector<2000x1xf32>
    %add3A_60 = arith.addf %div3A_55, %add3A_59 : vector<2000x1xf32>
    %rsqrt3A = math.rsqrt %add3A_60 : vector<2000x1xf32>
    %mul3A_61 = vector.broadcast %rsqrt3A : vector<2000x1xf32> to vector<2000x128xf32>
    %mul3A_62 = arith.mulf %sub3A_57, %mul3A_61 : vector<2000x128xf32>
    %get3A_63 = arith.constant 0 : index
    %get3A_64 = arith.constant 0 : index
    %get3A_65 = vector.load %arg10[%get3A_63, %get3A_64] : memref<1x128xf32, #tpu.memory_space<vmem>>, vector<1x128xf32>
    %mul3A_66 = vector.broadcast %get3A_65 : vector<1x128xf32> to vector<2000x128xf32>
    %mul3A_67 = arith.mulf %mul3A_62, %mul3A_66 : vector<2000x128xf32>
    %get3A_68 = arith.constant 0 : index
    %get3A_69 = arith.constant 0 : index
    %get3A_70 = vector.load %arg11[%get3A_68, %get3A_69] : memref<1x128xf32, #tpu.memory_space<vmem>>, vector<1x128xf32>
    %add3A_71 = vector.broadcast %get3A_70 : vector<1x128xf32> to vector<2000x128xf32>
    %add3A_72 = arith.addf %mul3A_67, %add3A_71 : vector<2000x128xf32>
    %swap3A = arith.constant 0 : index
    %swap3A_73 = arith.constant 0 : index
    %swap3A_74 = vector.load %arg12[%swap3A, %swap3A_73] : memref<2000x128xf32, #tpu.memory_space<vmem>>, vector<2000x128xf32>
    tpu.vector_store %arg12[%swap3A, %swap3A_73], %add3A_72 {strides = array<i32>} : memref<2000x128xf32, #tpu.memory_space<vmem>>, vector<2000x128xf32>,
    %get3A_75 = arith.constant 0 : index
    %get3A_76 = arith.constant 0 : index
    %get3A_77 = arith.constant 0 : index
    %get3A_78 = vector.load %arg3[%get3A_75, %get3A_76, %get3A_77] : memref<2x2000x128xf32, #tpu.memory_space<vmem>>, vector<1x2000x16xf32>
    %get3A_79 = vector.shape_cast %get3A_78 : vector<1x2000x16xf32> to vector<2000x16xf32>
    %get3A_80 = arith.constant 1 : index
    %get3A_81 = arith.constant 0 : index
    %get3A_82 = arith.constant 0 : index
    %get3A_83 = vector.load %arg3[%get3A_80, %get3A_81, %get3A_82] : memref<2x2000x128xf32, #tpu.memory_space<vmem>>, vector<1x2000x16xf32>
    %get3A_84 = vector.shape_cast %get3A_83 : vector<1x2000x16xf32> to vector<2000x16xf32>
    %add3A_85 = arith.addf %get3A_79, %get3A_84 : vector<2000x16xf32>
    %slice3A = vector.extract_strided_slice %add3A_85 {offsets = [0, 3], sizes = [2000, 1], strides = [1, 1]} : vector<2000x16xf32> to vector<2000x1xf32>
    %max3A = arith.constant 1.000000e+00 : f32
    %max3A_86 = vector.broadcast %max3A : f32 to vector<2000x1xf32>
    %max3A_87 = arith.maximumf %slice3A, %max3A_86 : vector<2000x1xf32>
    %get3A_88 = arith.constant 0 : index
    %get3A_89 = arith.constant 0 : index
    %get3A_90 = vector.load %arg4[%get3A_88, %get3A_89] : memref<2000x16xf32, #tpu.memory_space<vmem>>, vector<2000x16xf32>
    %div3A_91 = vector.broadcast %max3A_87 : vector<2000x1xf32> to vector<2000x16xf32>
    %div3A_92 = arith.divf %add3A_85, %div3A_91 : vector<2000x16xf32>
    %add3A_93 = arith.addf %get3A_90, %div3A_92 : vector<2000x16xf32>
    %swap3A_94 = arith.constant 0 : index
    %swap3A_95 = arith.constant 0 : index
    %swap3A_96 = vector.load %arg13[%swap3A_94, %swap3A_95] : memref<2000x16xf32, #tpu.memory_space<vmem>>, vector<2000x16xf32>
    tpu.vector_store %arg13[%swap3A_94, %swap3A_95], %add3A_93 {strides = array<i32>} : memref<2000x16xf32, #tpu.memory_space<vmem>>, vector<2000x16xf32>,
    return
  }
  func.func @transform_0(%arg0: i32) -> (i32, i32) {
    %c0_i32 = arith.constant 0 : i32
    %c0_i32_0 = arith.constant 0 : i32
    return %arg0, %c0_i32 : i32, i32
  }
  func.func @transform_1(%arg0: i32) -> (i32, i32, i32) {
    %c0_i32 = arith.constant 0 : i32
    %c0_i32_0 = arith.constant 0 : i32
    %c0_i32_1 = arith.constant 0 : i32
    return %c0_i32, %arg0, %c0_i32_0 : i32, i32, i32
  }
  func.func @transform_2(%arg0: i32) -> (i32, i32, i32) {
    %c0_i32 = arith.constant 0 : i32
    %c0_i32_0 = arith.constant 0 : i32
    %c0_i32_1 = arith.constant 0 : i32
    return %c0_i32, %arg0, %c0_i32_0 : i32, i32, i32
  }
  func.func @transform_3(%arg0: i32) -> (i32, i32) {
    %c0_i32 = arith.constant 0 : i32
    %c0_i32_0 = arith.constant 0 : i32
    return %arg0, %c0_i32 : i32, i32
  }
  func.func @transform_4(%arg0: i32) -> (i32, i32) {
    %c0_i32 = arith.constant 0 : i32
    %c0_i32_0 = arith.constant 0 : i32
    %c0_i32_1 = arith.constant 0 : i32
    return %c0_i32, %c0_i32_0 : i32, i32
  }
  func.func @transform_5(%arg0: i32) -> (i32, i32) {
    %c0_i32 = arith.constant 0 : i32
    %c0_i32_0 = arith.constant 0 : i32
    %c0_i32_1 = arith.constant 0 : i32
    return %c0_i32, %c0_i32_0 : i32, i32
  }
  func.func @transform_6(%arg0: i32) -> (i32, i32) {
    %c0_i32 = arith.constant 0 : i32
    %c0_i32_0 = arith.constant 0 : i32
    %c0_i32_1 = arith.constant 0 : i32
    return %c0_i32, %c0_i32_0 : i32, i32
  }
  func.func @transform_7(%arg0: i32) -> (i32, i32) {
    %c0_i32 = arith.constant 0 : i32
    %c0_i32_0 = arith.constant 0 : i32
    %c0_i32_1 = arith.constant 0 : i32
    return %c0_i32, %c0_i32_0 : i32, i32
  }
  func.func @transform_8(%arg0: i32) -> (i32, i32) {
    %c0_i32 = arith.constant 0 : i32
    %c0_i32_0 = arith.constant 0 : i32
    %c0_i32_1 = arith.constant 0 : i32
    return %c0_i32, %c0_i32_0 : i32, i32
  }
  func.func @transform_9(%arg0: i32) -> (i32, i32) {
    %c0_i32 = arith.constant 0 : i32
    %c0_i32_0 = arith.constant 0 : i32
    %c0_i32_1 = arith.constant 0 : i32
    return %c0_i32, %c0_i32_0 : i32, i32
  }
  func.func @transform_10(%arg0: i32) -> (i32, i32) {
    %c0_i32 = arith.constant 0 : i32
    %c0_i32_0 = arith.constant 0 : i32
    %c0_i32_1 = arith.constant 0 : i32
    return %c0_i32, %c0_i32_0 : i32, i32
  }
  func.func @transform_11(%arg0: i32) -> (i32, i32) {
    %c0_i32 = arith.constant 0 : i32
    %c0_i32_0 = arith.constant 0 : i32
    return %arg0, %c0_i32 : i32, i32
  }
  func.func @transform_12(%arg0: i32) -> (i32, i32) {
    %c0_i32 = arith.constant 0 : i32
    %c0_i32_0 = arith.constant 0 : i32
    return %arg0, %c0_i32 : i32, i32
  }
}

</mosaic_0001>

<sc_bundles>
// kernel: kernel.12.cloned.1.call-start
scs
__scs_entry_jumppad:
0x0: {  	(pc) =	sbr.rel $0x88, $3  }
0x1: {  	(tag) =	ssettag $0x0;
	lr =	simm.s32 $0x1  }
0x2: {  	[smem:$0x3F90] =	sst lr;
	_ =	strace $0xD0000000  }
0x3: {  	_ = 	snop  }
0x4: {  	_ = 	snop  }
0x5: {  	_ = 	snop  }
0x6: {  	_ = 	snop  }
0x7: {  	_ = 	snop  }
__scs_overlays_trampoline_lowered:
0x8: {  	[smem:$0x3F9F] =	sst s0  }
0x9: {  	[smem:$0x3FA0] =	sst s1  }
0xa: {  	[smem:$0x3FA1] =	sst s2  }
0xb: {  	[smem:$0x3FA2] =	sst s3  }
0xc: {  	[smem:$0x3FA3] =	sst s4  }
0xd: {  	[smem:$0x3FA4] =	sst s5  }
0xe: {  	[smem:$0x3FA5] =	sst s6  }
0xf: {  	[smem:$0x3FA6] =	sst s7  }
0x10: {  	[smem:$0x3FA7] =	sst s8  }
0x11: {  	[smem:$0x3FA8] =	sst s9;
	s0 =	simm.s32 @!p0 $0x0  }
0x12: {  	s1 =	sld [smem:$0x3F8E];
	s0 =	simm.s32 @p0 $0x1  }
0x13: {  	[smem:$0x3FA9] =	sst s0;
	s0 =	simm.s32 @!p1 $0x0  }
0x14: {  	s2 =	sld [smem:$0x3F8D];
	s0 =	simm.s32 @p1 $0x1  }
0x15: {  	[smem:$0x3FAA] =	sst s0;
	s0 =	simm.s32 @!p2 $0x0  }
0x16: {  	s3 =	sld [smem:$0x3FDB];
	s0 =	simm.s32 @p2 $0x1  }
0x17: {  	s4 =	simm.s32 $0x1BF5;
	[smem:$0x3FAC] =	sst s0  }
0x18: {  	s0 =	sld [smem:$0x3F8F];
	_ =	swait.ge [sflag:s4], $0x0  }
0x19: {  	s7 =	sld [smem:$0x3F90]  }
0x1a: {  	s8 =	sadd.s32 $0xFFFFE003, lr  }
0x1b: {  	s9 =	sadd.s32 $0xFFFFFEF7, lr;
	s5 =	simm.s32 $0xFFFFFFFF;
	p2 =	slt.u32 s8, $0xFFFFF086  }
0x1c: {  	p1 =	slt.u32 s9, $0xF7A;
	s5 =	simm.s32 @!p2 $0x0  }
0x1d: {  	s5 =	simm.s32 @p1 $0x1;
	p0 =	seq.s32 s7, s2  }
0x1e: {  	s7 =	smul.u32 @!p0 $0xF7A, s2;
	p2 =	seq.s32 @!p0 s5, $0x0  }
0x1f: {  	s9 =	smul.u32 $0xF7A, s1;
	s8 =	simm.s32 @!p0 $0x1BF5;
	p2 =	por !p2, p0  }
0x20: {  	[sflag:s8] =	ssyncset.s32 @!p0 $0xFFFFF086;
	s6 =	sadd.s32 @!p0 s3, s7;
	s7 =	simm.s32 @!p0 $0x108  }
0x21: {  	s3 =	sadd.s32 s3, s9;
	s6 =	sadd.s32 @!p0 $0x88, s6;
	s7 =	simm.s32 @p2 $0x1082  }
0x22: {  	[simem:s7], [sflag:s8] =	dma.local @!p0 [hbm:s6], $0xF7A  }
0x23: {  	s9 =	sor.u32 $0xD0000000, s2;
	s6 =	simm.s32 $0x108;
	_ =	swait.ge @!p0 [sflag:s8], $0x0  }
0x24: {  	s3 =	sadd.s32 $0x88, s3;
	s6 =	simm.s32 @!p1 $0x1082;
	[sflag:s4] =	ssyncset.s32 $0xFFFFF086  }
0x25: {  	[simem:s6], [sflag:s4] =	dma.local [hbm:s3], $0xF7A  }
0x26: {  	[smem:$0x3F90] =	sst s1;
	(tag) =	ssettag s2;
	_ =	strace s9  }
0x27: {  	s1 =	sld [smem:$0x3FA0]  }
0x28: {  	s2 =	sld [smem:$0x3FA1]  }
0x29: {  	s4 =	sld [smem:$0x3FA3]  }
0x2a: {  	p0 =	seq.s32 s5, $0x0;
	s5 =	sld [smem:$0x3FA4]  }
0x2b: {  	s6 =	sld [smem:$0x3FA5]  }
0x2c: {  	s7 =	sld [smem:$0x3FA6]  }
0x2d: {  	s3 =	simm.s32 $0x108;
	s8 =	sld [smem:$0x3FA7]  }
0x2e: {  	s3 =	simm.s32 @!p0 $0x1082;
	s9 =	sld [smem:$0x3FA8]  }
0x2f: {  	lr =	sadd.s32 s0, s3;
	s0 =	sld [smem:$0x3F9F]  }
0x30: {  	s3 =	sld [smem:$0x3FA2]  }
0x31: {  	[smem:$0x3FAB] =	sst s10  }
0x32: {  	s10 =	sld [smem:$0x3FA9];
	_ =	sdelay $0x3  }
0x33: {  	p0 =	seq.s32 s10, $0x1;
	s10 =	sld [smem:$0x3FAB];
	_ =	sdelay $0x3  }
0x34: {  	[smem:$0x3FAB] =	sst s10  }
0x35: {  	s10 =	sld [smem:$0x3FAA];
	_ =	sdelay $0x3  }
0x36: {  	p1 =	seq.s32 s10, $0x1;
	s10 =	sld [smem:$0x3FAB];
	_ =	sdelay $0x3  }
0x37: {  	[smem:$0x3FAB] =	sst s10  }
0x38: {  	s10 =	sld [smem:$0x3FAC]  }
0x39: {  	_ = 	snop;
	(pc) =	sbr.ind lr, $3  }
0x3a: {  	_ = 	snop  }
0x3b: {  	_ = 	snop  }
0x3c: {  	p2 =	seq.s32 s10, $0x1;
	s10 =	sld [smem:$0x3FAB]  }
0x3d: {  	_ =	shalt  }
0x3e: {  	_ =	shalt  }
0x3f: {  	_ =	shalt  }
0x40: {  	_ =	shalt  }
0x41: {  	_ =	shalt  }
0x42: {  	_ =	shalt  }
0x43: {  	_ =	shalt  }
0x44: {  	_ =	shalt  }
0x45: {  	_ =	shalt  }
0x46: {  	_ =	shalt  }
0x47: {  	_ =	shalt  }
0x48: {  	_ =	shalt  }
0x49: {  	_ =	shalt  }
0x4a: {  	_ =	shalt  }
0x4b: {  	_ =	shalt  }
0x4c: {  	_ =	shalt  }
0x4d: {  	_ =	shalt  }
0x4e: {  	_ =	shalt  }
0x4f: {  	_ =	shalt  }
0x50: {  	_ =	shalt  }
0x51: {  	_ =	shalt  }
0x52: {  	_ =	shalt  }
0x53: {  	_ =	shalt  }
0x54: {  	_ =	shalt  }
0x55: {  	_ =	shalt  }
0x56: {  	_ =	shalt  }
0x57: {  	_ =	shalt  }
0x58: {  	_ =	shalt  }
0x59: {  	_ =	shalt  }
0x5a: {  	_ =	shalt  }
0x5b: {  	_ =	shalt  }
0x5c: {  	_ =	shalt  }
0x5d: {  	_ =	shalt  }
0x5e: {  	_ =	shalt  }
0x5f: {  	_ =	shalt  }
0x60: {  	_ =	shalt  }
0x61: {  	_ =	shalt  }
0x62: {  	_ =	shalt  }
0x63: {  	_ =	shalt  }
0x64: {  	_ =	shalt  }
0x65: {  	_ =	shalt  }
0x66: {  	_ =	shalt  }
0x67: {  	_ =	shalt  }
0x68: {  	_ =	shalt  }
0x69: {  	_ =	shalt  }
0x6a: {  	_ =	shalt  }
0x6b: {  	_ =	shalt  }
0x6c: {  	_ =	shalt  }
0x6d: {  	_ =	shalt  }
0x6e: {  	_ =	shalt  }
0x6f: {  	_ =	shalt  }
0x70: {  	_ =	shalt  }
0x71: {  	_ =	shalt  }
0x72: {  	_ =	shalt  }
0x73: {  	_ =	shalt  }
0x74: {  	_ =	shalt  }
0x75: {  	_ =	shalt  }
0x76: {  	_ =	shalt  }
0x77: {  	_ =	shalt  }
0x78: {  	_ =	shalt  }
0x79: {  	_ =	shalt  }
0x7a: {  	_ =	shalt  }
0x7b: {  	_ =	shalt  }
0x7c: {  	_ =	shalt  }
0x7d: {  	_ =	shalt  }
0x7e: {  	_ =	shalt  }
0x7f: {  	_ =	shalt  }
0x80: {  	_ =	shalt  }
0x81: {  	_ =	shalt  }
0x82: {  	_ =	shalt  }
0x83: {  	_ =	shalt  }
0x84: {  	_ =	shalt  }
0x85: {  	_ =	shalt  }
0x86: {  	_ =	shalt  }
0x87: {  	_ =	shalt  }
.Lfunc_end0:
.L_simem_size_0:
called_computation.1_lowered:
.L_overlay_start_0:
0x88: {  	s2 =	sld [smem:$0x3FD9]  }
0x89: {  	s3 =	sld [smem:$0x3FFE];
	_ =	sdelay $0x1  }
0x8a: {  	s1 =	srdreg.scid  }
0x8b: {  	s0 =	sand.u32 $0x1, s1  }
0x8c: {  	s14 =	sshll.u32 s0, $0xA;
	s2 =	sadd.s32 s3, s2  }
0x8d: {  	s2 =	sadd.s32 s2, s14  }
0x8e: {  	[smem:$0x3FB7] =	sst s2  }
0x8f: {  	_ = 	snop  }
0x90: {  	s2 =	sld [smem:$0x3FD0];
	_ =	sdelay $0x2  }
0x91: {  	s15 =	simm.s32 $0xA;
	s4 =	simm.s32 $0x10  }
0x92: {  	[smem:s4], [sflag:s15] =	dma.local [hbm:s2], $0x1  }
0x93: {  	_ =	swait.eq [sflag:s15], $0x1  }
0x94: {  	[sflag:s15] =	ssyncset.done $0x0  }
0x95: {  	[sflag:s15] =	ssyncadd.s32 $0xFFFFFFFF  }
0x96: {  	s16 =	sld [smem:$0x10];
	(tm) =	ssettm $0x1  }
0x97: {  	s17 =	sld [smem:$0x3FFB];
	_ =	sdelay $0x3  }
0x98: {  	_ =	strace s17  }
0x99: {  	s3 =	sld [smem:$0x3FFC];
	_ =	sdelay $0x3  }
0x9a: {  	_ =	strace s3  }
0x9b: {  	s3 =	sld [smem:$0x3FFD];
	_ =	sdelay $0x3  }
0x9c: {  	_ =	strace s3  }
0x9d: {  	_ =	strace $0x8FFFFFFF  }
0x9e: {  	s18 =	sld [smem:$0x3FDB];
	_ =	sdelay $0x1  }
0x9f: {  	s19 =	simm.s32 $_scs_section_size  }
0xa0: {  	s5 =	simm.s32 $_size__tile_overlayer_lowered;
	s6 =	simm.s32 $_tile_overlayer_lowered  }
0xa1: {  	s22 =	simm.s32 $0x1BFF;
	s21 =	sshll.u32 s6, $0x1;
	s3 =	sadd.s32 s19, s18  }
0xa2: {  	s7 =	simm.s32 $0x0;
	s20 =	sshll.u32 s5, $0x1;
	s5 =	sadd.s32 s21, s3  }
0xa3: {  	[timem:s7], [sflag:s22] =	dma.local [hbm:s5], s20  }
0xa4: {  	_ =	swait.ge [sflag:s22], s20  }
0xa5: {  	s4 =	ssub.s32 $0x0, s20;
	[sflag:s22] =	ssyncset.done $0x0  }
0xa6: {  	[sflag:s22] =	ssyncadd.s32 s4;
	_ =	sdelay $0x1  }
0xa7: {  	s23 =	simm.s32 $0x1B8B  }
0xa8: {  	_ =	swait.ge [sflag:s23], $0x1  }
0xa9: {  	[sflag:s23] =	ssyncset.done $0x0  }
0xaa: {  	s25 =	simm.s32 $0x1B8E;
	s24 =	sld [smem:$0x3FFE];
	[sflag:s23] =	ssyncadd.s32 $0xFFFFFFFF  }
0xab: {  	s26 =	simm.s32 $execute0_lowered;
	[smem:$0x3FD2] =	sst s25  }
0xac: {  	s5 =	sshll.u32 s26, $0x1;
	_ =	strace $0x80000049;
	[dreg:$0x1] =	wrdreg $0xFFFFFFFF  }
0xad: {  	s28 =	simm.s32 $_size_execute0_lowered;
	s3 =	sadd.s32 s3, s5;
	[dreg:$0x0] =	wrdreg $0x0  }
0xae: {  	s5 =	sshll.u32 s28, $0x1;
	[dreg:$0x2] =	wrdreg s3  }
0xaf: {  	[dreg:$0x3] =	wrdreg s5  }
0xb0: {  	[dreg:$0x4] =	wrdreg $0xC0  }
0xb1: {  	_ =	task [dreg:s7], $0x5FFFF  }
0xb2: {  	[dreg:$0x1] =	wrdreg $0xFFFFFFFF  }
0xb3: {  	[dreg:$0x0] =	wrdreg $0x60  }
0xb4: {  	[dreg:$0x2] =	wrdreg s16  }
0xb5: {  	[dreg:$0x3] =	wrdreg s24  }
0xb6: {  	[dreg:$0x4] =	wrdreg $0x9  }
0xb7: {  	_ =	task.clear_ibuf [dreg:s7], $0x5FFFF;
	_ =	strace $0x90000049  }
0xb8: {  	s29 =	simm.s32 $0x9;
	_ =	strace $0x8000004B  }
0xb9: {  	_ =	swait.ge [sflag:s29], $0x1  }
0xba: {  	[sflag:s29] =	ssyncadd.s32 $0xFFFFFFFF  }
0xbb: {  	_ =	strace $0x9000004B  }
0xbc: {  	_ =	sfence  }
0xbd: {  	s30 =	sld [smem:$0x0];
	_ =	sdelay $0x2  }
0xbe: {  	s31 =	sshll.u32 s1, $0xD;
	s1 =	sshrl.u32 s1, $0x2  }
0xbf: {  	s3 =	sand.u32 $0x4000, s31;
	s1 =	sadd.s32 s1, s30  }
0xc0: {  	s0 =	sor.u32 s3, s0;
	s1 =	sshll.u32 s1, $0x11  }
0xc1: {  	s0 =	sor.u32 s1, s0  }
0xc2: {  	s0 =	sadd.s32 $0x8F2B, s0  }
0xc3: {  	[sflag:s0] =	ssyncadd.remote.s32 $0x1  }
0xc4: {  	_ =	sfence.sel $0xFFFF  }
0xc5: {  	[dreg:$0x0] =	wrdreg $0xFFFFFFFF;
	(pc) =	sbr.abs _section_cstart, $3  }
0xc6: {  	[dreg:$0x1] =	wrdreg $0xFFFFFFFF  }
0xc7: {  	_ =	task.clear_ibuf [dreg:s7], $0x2FFFF;
	_ =	strace $0x9FFFFFFF  }
0xc8: {  	(tm) =	ssettm $0x7FFFFFFF  }
0xc9: {  	_ =	shalt  }
tec
execute0_lowered:
.L_overlay_start_1:
0x0: {  	(tag) =	ssettag $0x1  }
0x1: {  	s2 =	rddreg [dreg:$0x0];
	s1 =	srdreg.scid  }
0x2: {  	s0 =	stileid.u32;
	s5 =	rddreg [dreg:$0x1];
	s3 =	simm.s32 $0x0  }
0x3: {  	s14 =	simm.s32 $0x4000;
	s15 =	simm.s32 $0x80;
	s16 =	simm.s32 $0x6800  }
0x4: {  	s17 =	simm.s32 $0x1;
	s18 =	simm.s32 $0x2;
	s19 =	simm.s32 $0x3  }
0x5: {  	s20 =	simm.s32 $0x4;
	s21 =	simm.s32 $0x3E00;
	s22 =	simm.s32 $0x0  }
0x6: {  	s7 =	sand.u32 $0x1, s1;
	s4 =	sshll.u32 s0, $0x1;
	s1 =	rddreg [dreg:$0x2]  }
0x7: {  	[smem:$0x7FF] =	sst s3;
	s10 =	sadd.s32 $0x52D200, s5;
	s30 =	smul.u32 $0x4E200, s0  }
0x8: {  	s6 =	sor.u32 s7, s4;
	_ =	strace $0x8000004A;
	s13 =	smul.u32 $0x27100, s7  }
0x9: {  	s28 =	ssub.s32 $0x2, s7;
	s4 =	sshll.u32 s6, $0xB;
	s9 =	smul.u32 $0x138800, s6  }
0xa: {  	s11 =	sshrl.u32 s28, $0x1;
	s12 =	smul.u32 $0x27100, s6;
	s8 =	sadd.s32 s4, s5  }
0xb: {  	s4 =	sadd.s32 $0x24000, s5;
	s11 =	ssub.s32 s28, s11;
	s9 =	sshrl.u32 s9, $0x3  }
0xc: {  	s5 =	sadd.s32 $0x3400, s8;
	s7 =	smax.u32 s11, $0x1;
	s31 =	sadd.s32 s10, s12  }
0xd: {  	s11 =	simm.s32 $0x9000;
	s12 =	simm.s32 $0x5;
	s29 =	sadd.s32 s10, s9  }
0xe: {  	s10 =	sadd.s32 s30, s10;
	s8 =	sadd.s32 $0x26200, s31;
	s9 =	sadd.s32 $0x26700, s31  }
0xf: {  	s6 =	sadd.s32 $0x26C00, s29;
	s10 =	sadd.s32 s13, s10;
	s13 =	simm.s32 $0x50  }
.LBB2_1:
0x10: {  	[tilespmem:s11], [sflag:$0x5] =	stream.linear.gather [hbm4b:s4+s3], $0x400, $0x38;
	[tilespmem:$0x9400] =	vst v63  }
0x11: {  	_ =	swait.ge [sflag:s12], $0x400  }
0x12: {  	[sflag:s12] =	ssyncset.done $0x0  }
0x13: {  	[sflag:s12] =	ssyncadd.s32 $0xFFFFFC00  }
0x14: {  	[tilespmem:s3], [sflag:$0x5] =	stream.linear.gather [hbm4b:s5+s3], $0x3E80, $0x38;
	[tilespmem:$0x9400] =	vst v63  }
0x15: {  	_ =	swait.ge [sflag:s12], $0x3E80  }
0x16: {  	[sflag:s12] =	ssyncset.done $0x0  }
0x17: {  	[sflag:s12] =	ssyncadd.s32 $0xFFFFC180  }
0x18: {  	[tilespmem:s14], [sflag:$0x1] =	stream.indirect.gather [hbm4b:s2+s13], $0x80, s3, s13, $0xb8;
	[tilespmem:$0x9400] =	vst v63  }
0x19: {  	_ = 	snop  }
0x1a: {  	[tilespmem:s16], [sflag:$0x2] =	stream.indirect.gather [hbm4b:s2+s13], $0x80, s15, s13, $0xb8;
	[tilespmem:$0x9400] =	vst v63  }
0x1b: {  	_ =	swait.ge [sflag:s17], $0x2800  }
0x1c: {  	[sflag:s17] =	ssyncset.done $0x0  }
0x1d: {  	s23 =	sadd.s32 $0x0, s10;
	[sflag:s17] =	ssyncadd.s32 $0xFFFFD800  }
0x1e: {  	[hbm4b:s23+s3] =	stream.linear.scatter [tilespmem:s14], [sflag:$0x3], $0x2800, $0x38;
	[tilespmem:$0x9400] =	vst v63  }
0x1f: {  	_ =	swait.ge [sflag:s18], $0x2800  }
0x20: {  	[sflag:s18] =	ssyncset.done $0x0  }
0x21: {  	s23 =	sadd.s32 $0x500, s23;
	[sflag:s18] =	ssyncadd.s32 $0xFFFFD800  }
0x22: {  	[hbm4b:s23+s3] =	stream.linear.scatter [tilespmem:s16], [sflag:$0x4], $0x2800, $0x38;
	[tilespmem:$0x9400] =	vst v63  }
0x23: {  	_ =	swait.ge [sflag:s19], $0x2800  }
0x24: {  	[sflag:s19] =	ssyncset.done $0x0  }
0x25: {  	s31 =	simm.s32 $0x100;
	[sflag:s19] =	ssyncadd.s32 $0xFFFFD800  }
0x26: {  	[tilespmem:s14], [sflag:$0x1] =	stream.indirect.gather [hbm4b:s2+s13], $0x80, s31, s13, $0xb8;
	[tilespmem:$0x9400] =	vst v63  }
0x27: {  	_ =	swait.ge [sflag:s20], $0x2800  }
0x28: {  	s24 =	simm.s32 $0xA00;
	[sflag:s20] =	ssyncset.done $0x0  }
0x29: {  	s25 =	simm.s32 $0x280;
	s23 =	simm.s32 $0x180;
	[sflag:s20] =	ssyncadd.s32 $0xFFFFD800  }
.LBB2_2:
0x2a: {  	[tilespmem:s16], [sflag:$0x2] =	stream.indirect.gather [hbm4b:s2+s13], $0x80, s23, s13, $0xb8;
	[tilespmem:$0x9400] =	vst v63  }
0x2b: {  	s26 =	smov.u32 s24;
	s23 =	smov.u32 s25  }
0x2c: {  	p0 =	sne.s32 s24, $0x25800;
	s24 =	sadd.s32 $0xA00, s24;
	_ =	swait.ge [sflag:s17], $0x2800  }
0x2d: {  	[sflag:s17] =	ssyncset.done $0x0  }
0x2e: {  	s26 =	sadd.s32 s26, s10;
	[sflag:s17] =	ssyncadd.s32 $0xFFFFD800  }
0x2f: {  	[hbm4b:s26+s3] =	stream.linear.scatter [tilespmem:s14], [sflag:$0x3], $0x2800, $0x38;
	[tilespmem:$0x9400] =	vst v63  }
0x30: {  	_ =	swait.ge [sflag:s18], $0x2800  }
0x31: {  	[sflag:s18] =	ssyncset.done $0x0  }
0x32: {  	s26 =	sadd.s32 $0x500, s26;
	[sflag:s18] =	ssyncadd.s32 $0xFFFFD800  }
0x33: {  	[hbm4b:s26+s3] =	stream.linear.scatter [tilespmem:s16], [sflag:$0x4], $0x2800, $0x38;
	[tilespmem:$0x9400] =	vst v63  }
0x34: {  	_ =	swait.ge [sflag:s19], $0x2800  }
0x35: {  	[sflag:s19] =	ssyncset.done $0x0  }
.Ltmp0:
0x36: {  	s26 =	sadd.s32 $0xFFFFFF80, s25;
	[sflag:s19] =	ssyncadd.s32 $0xFFFFD800;
	(pc) =	sbr.rel @p0 .LBB2_2-.Ltmp0, $4  }
0x37: {  	[tilespmem:s14], [sflag:$0x1] =	stream.indirect.gather [hbm4b:s2+s13], $0x80, s26, s13, $0xb8;
	[tilespmem:$0x9400] =	vst v63  }
0x38: {  	_ =	swait.ge [sflag:s20], $0x2800  }
0x39: {  	[sflag:s20] =	ssyncset.done $0x0  }
0x3a: {  	s25 =	sadd.s32 $0x100, s25;
	[sflag:s20] =	ssyncadd.s32 $0xFFFFD800  }
0x3b: {  	[tilespmem:s16], [sflag:$0x2] =	stream.indirect.gather [hbm4b:s2+s13], $0x80, s23, s13, $0xb8;
	[tilespmem:$0x9400] =	vst v63  }
0x3c: {  	_ =	swait.ge [sflag:s17], $0x2800  }
0x3d: {  	[sflag:s17] =	ssyncset.done $0x0  }
0x3e: {  	[sflag:s17] =	ssyncadd.s32 $0xFFFFD800  }
0x3f: {  	[hbm4b:s8+s3] =	stream.linear.scatter [tilespmem:s14], [sflag:$0x3], $0x2800, $0x38;
	[tilespmem:$0x9400] =	vst v63  }
0x40: {  	_ =	swait.ge [sflag:s18], $0x2800  }
0x41: {  	[sflag:s18] =	ssyncset.done $0x0  }
0x42: {  	[sflag:s18] =	ssyncadd.s32 $0xFFFFD800  }
0x43: {  	[hbm4b:s9+s3] =	stream.linear.scatter [tilespmem:s16], [sflag:$0x4], $0x2800, $0x38;
	[tilespmem:$0x9400] =	vst v63  }
0x44: {  	_ =	swait.ge [sflag:s19], $0x2800  }
0x45: {  	[sflag:s19] =	ssyncset.done $0x0  }
0x46: {  	[sflag:s19] =	ssyncadd.s32 $0xFFFFD800  }
0x47: {  	[tilespmem:s14], [sflag:$0x1] =	stream.indirect.gather [hbm4b:s2+s13], $0x80, s21, s13, $0xb8;
	[tilespmem:$0x9400] =	vst v63  }
0x48: {  	_ =	swait.ge [sflag:s20], $0x2800  }
0x49: {  	[sflag:s20] =	ssyncset.done $0x0  }
0x4a: {  	[sflag:s20] =	ssyncadd.s32 $0xFFFFD800  }
0x4b: {  	s22 =	sadd.s32 $0x1, s22;
	_ =	swait.ge [sflag:s17], $0x2800  }
0x4c: {  	p0 =	sne.s32 s22, s7;
	[sflag:s17] =	ssyncset.done $0x0  }
.Ltmp1:
0x4d: {  	[sflag:s17] =	ssyncadd.s32 $0xFFFFD800;
	(pc) =	sbr.rel @p0 .LBB2_1-.Ltmp1, $4  }
0x4e: {  	[hbm4b:s6+s3] =	stream.linear.scatter [tilespmem:s14], [sflag:$0x5], $0x2800, $0x38;
	[tilespmem:$0x9400] =	vst v63  }
0x4f: {  	_ =	swait.ge [sflag:s12], $0x2800  }
0x50: {  	[sflag:s12] =	ssyncset.done $0x0  }
0x51: {  	[sflag:s12] =	ssyncadd.s32 $0xFFFFD800  }
0x52: {  	_ =	sfence.sel $0x180000  }
0x53: {  	[bflag:$0x0] =	sbarrier.arrive $0xFFFF  }
0x54: {  	p0 =	sne.s32 s0, $0x0;
	_ =	strace $0x9000004A  }
0x55: {  	s0 =	sadd.s32 @!p0 $0x100000, s1;
	[bflag:$0x2] =	sbarrier.arrive $0xFFFF  }
0x56: {  	[sflag:s0] =	ssyncadd.tile.s32 @!p0 $0x1;
	_ =	shalt  }
.Lfunc_end2:
_tile_overlayer_lowered:
.L_overlay_start_2:
0x57: {  	(tag) =	ssettag $0x2  }
0x58: {  	s0 =	rddreg [dreg:$0x0];
	s2 =	stileid.u32  }
0x59: {  	s1 =	rddreg [dreg:$0x1];
	p0 =	sne.s32 s2, $0x0  }
0x5a: {  	s3 =	rddreg [dreg:$0x2];
	[bflag:$0x3] =	sbarrier.arrive $0xFFFF;
	s2 =	simm.s32 @!p0 $0x1C05  }
0x5b: {  	[timem:s3], [sflag:s2] =	dma.local @!p0 [hbm:s0], s1  }
0x5c: {  	s0 =	simm.s32 @!p0 $0x5  }
0x5d: {  	_ =	swait.ge @!p0 [sflag:s0], s1  }
0x5e: {  	s1 =	ssub.s32 @!p0 $0x0, s1;
	[sflag:s0] =	ssyncset.done @!p0 $0x0  }
0x5f: {  	[sflag:s0] =	ssyncadd.s32 @!p0 s1  }
0x60: {  	[bflag:$0x3] =	sbarrier.arrive $0xFFFF  }
0x61: {  	_ =	shalt  }

// kernel: kernel.15.cloned.1.call-start
scs
__scs_entry_jumppad:
0x0: {  	(pc) =	sbr.rel $0x88, $3  }
0x1: {  	(tag) =	ssettag $0x0;
	lr =	simm.s32 $0x1  }
0x2: {  	[smem:$0x3F90] =	sst lr;
	_ =	strace $0xD0000000  }
0x3: {  	_ = 	snop  }
0x4: {  	_ = 	snop  }
0x5: {  	_ = 	snop  }
0x6: {  	_ = 	snop  }
0x7: {  	_ = 	snop  }
__scs_overlays_trampoline_lowered:
0x8: {  	[smem:$0x3F9F] =	sst s0  }
0x9: {  	[smem:$0x3FA0] =	sst s1  }
0xa: {  	[smem:$0x3FA1] =	sst s2  }
0xb: {  	[smem:$0x3FA2] =	sst s3  }
0xc: {  	[smem:$0x3FA3] =	sst s4  }
0xd: {  	[smem:$0x3FA4] =	sst s5  }
0xe: {  	[smem:$0x3FA5] =	sst s6  }
0xf: {  	[smem:$0x3FA6] =	sst s7  }
0x10: {  	[smem:$0x3FA7] =	sst s8  }
0x11: {  	[smem:$0x3FA8] =	sst s9;
	s0 =	simm.s32 @!p0 $0x0  }
0x12: {  	s1 =	sld [smem:$0x3F8E];
	s0 =	simm.s32 @p0 $0x1  }
0x13: {  	[smem:$0x3FA9] =	sst s0;
	s0 =	simm.s32 @!p1 $0x0  }
0x14: {  	s2 =	sld [smem:$0x3F8D];
	s0 =	simm.s32 @p1 $0x1  }
0x15: {  	[smem:$0x3FAA] =	sst s0;
	s0 =	simm.s32 @!p2 $0x0  }
0x16: {  	s3 =	sld [smem:$0x3FDB];
	s0 =	simm.s32 @p2 $0x1  }
0x17: {  	s4 =	simm.s32 $0x1BF5;
	[smem:$0x3FAC] =	sst s0  }
0x18: {  	s0 =	sld [smem:$0x3F8F];
	_ =	swait.ge [sflag:s4], $0x0  }
0x19: {  	s7 =	sld [smem:$0x3F90]  }
0x1a: {  	s8 =	sadd.s32 $0xFFFFE003, lr  }
0x1b: {  	s9 =	sadd.s32 $0xFFFFFEF7, lr;
	s5 =	simm.s32 $0xFFFFFFFF;
	p2 =	slt.u32 s8, $0xFFFFF086  }
0x1c: {  	p1 =	slt.u32 s9, $0xF7A;
	s5 =	simm.s32 @!p2 $0x0  }
0x1d: {  	s5 =	simm.s32 @p1 $0x1;
	p0 =	seq.s32 s7, s2  }
0x1e: {  	s7 =	smul.u32 @!p0 $0xF7A, s2;
	p2 =	seq.s32 @!p0 s5, $0x0  }
0x1f: {  	s9 =	smul.u32 $0xF7A, s1;
	s8 =	simm.s32 @!p0 $0x1BF5;
	p2 =	por !p2, p0  }
0x20: {  	[sflag:s8] =	ssyncset.s32 @!p0 $0xFFFFF086;
	s6 =	sadd.s32 @!p0 s3, s7;
	s7 =	simm.s32 @!p0 $0x108  }
0x21: {  	s3 =	sadd.s32 s3, s9;
	s6 =	sadd.s32 @!p0 $0x88, s6;
	s7 =	simm.s32 @p2 $0x1082  }
0x22: {  	[simem:s7], [sflag:s8] =	dma.local @!p0 [hbm:s6], $0xF7A  }
0x23: {  	s9 =	sor.u32 $0xD0000000, s2;
	s6 =	simm.s32 $0x108;
	_ =	swait.ge @!p0 [sflag:s8], $0x0  }
0x24: {  	s3 =	sadd.s32 $0x88, s3;
	s6 =	simm.s32 @!p1 $0x1082;
	[sflag:s4] =	ssyncset.s32 $0xFFFFF086  }
0x25: {  	[simem:s6], [sflag:s4] =	dma.local [hbm:s3], $0xF7A  }
0x26: {  	[smem:$0x3F90] =	sst s1;
	(tag) =	ssettag s2;
	_ =	strace s9  }
0x27: {  	s1 =	sld [smem:$0x3FA0]  }
0x28: {  	s2 =	sld [smem:$0x3FA1]  }
0x29: {  	s4 =	sld [smem:$0x3FA3]  }
0x2a: {  	p0 =	seq.s32 s5, $0x0;
	s5 =	sld [smem:$0x3FA4]  }
0x2b: {  	s6 =	sld [smem:$0x3FA5]  }
0x2c: {  	s7 =	sld [smem:$0x3FA6]  }
0x2d: {  	s3 =	simm.s32 $0x108;
	s8 =	sld [smem:$0x3FA7]  }
0x2e: {  	s3 =	simm.s32 @!p0 $0x1082;
	s9 =	sld [smem:$0x3FA8]  }
0x2f: {  	lr =	sadd.s32 s0, s3;
	s0 =	sld [smem:$0x3F9F]  }
0x30: {  	s3 =	sld [smem:$0x3FA2]  }
0x31: {  	[smem:$0x3FAB] =	sst s10  }
0x32: {  	s10 =	sld [smem:$0x3FA9];
	_ =	sdelay $0x3  }
0x33: {  	p0 =	seq.s32 s10, $0x1;
	s10 =	sld [smem:$0x3FAB];
	_ =	sdelay $0x3  }
0x34: {  	[smem:$0x3FAB] =	sst s10  }
0x35: {  	s10 =	sld [smem:$0x3FAA];
	_ =	sdelay $0x3  }
0x36: {  	p1 =	seq.s32 s10, $0x1;
	s10 =	sld [smem:$0x3FAB];
	_ =	sdelay $0x3  }
0x37: {  	[smem:$0x3FAB] =	sst s10  }
0x38: {  	s10 =	sld [smem:$0x3FAC]  }
0x39: {  	_ = 	snop;
	(pc) =	sbr.ind lr, $3  }
0x3a: {  	_ = 	snop  }
0x3b: {  	_ = 	snop  }
0x3c: {  	p2 =	seq.s32 s10, $0x1;
	s10 =	sld [smem:$0x3FAB]  }
0x3d: {  	_ =	shalt  }
0x3e: {  	_ =	shalt  }
0x3f: {  	_ =	shalt  }
0x40: {  	_ =	shalt  }
0x41: {  	_ =	shalt  }
0x42: {  	_ =	shalt  }
0x43: {  	_ =	shalt  }
0x44: {  	_ =	shalt  }
0x45: {  	_ =	shalt  }
0x46: {  	_ =	shalt  }
0x47: {  	_ =	shalt  }
0x48: {  	_ =	shalt  }
0x49: {  	_ =	shalt  }
0x4a: {  	_ =	shalt  }
0x4b: {  	_ =	shalt  }
0x4c: {  	_ =	shalt  }
0x4d: {  	_ =	shalt  }
0x4e: {  	_ =	shalt  }
0x4f: {  	_ =	shalt  }
0x50: {  	_ =	shalt  }
0x51: {  	_ =	shalt  }
0x52: {  	_ =	shalt  }
0x53: {  	_ =	shalt  }
0x54: {  	_ =	shalt  }
0x55: {  	_ =	shalt  }
0x56: {  	_ =	shalt  }
0x57: {  	_ =	shalt  }
0x58: {  	_ =	shalt  }
0x59: {  	_ =	shalt  }
0x5a: {  	_ =	shalt  }
0x5b: {  	_ =	shalt  }
0x5c: {  	_ =	shalt  }
0x5d: {  	_ =	shalt  }
0x5e: {  	_ =	shalt  }
0x5f: {  	_ =	shalt  }
0x60: {  	_ =	shalt  }
0x61: {  	_ =	shalt  }
0x62: {  	_ =	shalt  }
0x63: {  	_ =	shalt  }
0x64: {  	_ =	shalt  }
0x65: {  	_ =	shalt  }
0x66: {  	_ =	shalt  }
0x67: {  	_ =	shalt  }
0x68: {  	_ =	shalt  }
0x69: {  	_ =	shalt  }
0x6a: {  	_ =	shalt  }
0x6b: {  	_ =	shalt  }
0x6c: {  	_ =	shalt  }
0x6d: {  	_ =	shalt  }
0x6e: {  	_ =	shalt  }
0x6f: {  	_ =	shalt  }
0x70: {  	_ =	shalt  }
0x71: {  	_ =	shalt  }
0x72: {  	_ =	shalt  }
0x73: {  	_ =	shalt  }
0x74: {  	_ =	shalt  }
0x75: {  	_ =	shalt  }
0x76: {  	_ =	shalt  }
0x77: {  	_ =	shalt  }
0x78: {  	_ =	shalt  }
0x79: {  	_ =	shalt  }
0x7a: {  	_ =	shalt  }
0x7b: {  	_ =	shalt  }
0x7c: {  	_ =	shalt  }
0x7d: {  	_ =	shalt  }
0x7e: {  	_ =	shalt  }
0x7f: {  	_ =	shalt  }
0x80: {  	_ =	shalt  }
0x81: {  	_ =	shalt  }
0x82: {  	_ =	shalt  }
0x83: {  	_ =	shalt  }
0x84: {  	_ =	shalt  }
0x85: {  	_ =	shalt  }
0x86: {  	_ =	shalt  }
0x87: {  	_ =	shalt  }
.Lfunc_end0:
.L_simem_size_0:
called_computation.2_lowered:
.L_overlay_start_0:
0x88: {  	s2 =	sld [smem:$0x3FD9]  }
0x89: {  	s3 =	sld [smem:$0x3FFE];
	_ =	sdelay $0x1  }
0x8a: {  	s1 =	srdreg.scid  }
0x8b: {  	s0 =	sand.u32 $0x1, s1  }
0x8c: {  	s16 =	sshll.u32 s0, $0xA;
	s2 =	sadd.s32 s3, s2  }
0x8d: {  	s2 =	sadd.s32 s2, s16  }
0x8e: {  	[smem:$0x3FB7] =	sst s2  }
0x8f: {  	_ = 	snop  }
0x90: {  	(tm) =	ssettm $0x1  }
0x91: {  	s17 =	sld [smem:$0x3FFB];
	_ =	sdelay $0x3  }
0x92: {  	_ =	strace s17  }
0x93: {  	s2 =	sld [smem:$0x3FFC];
	_ =	sdelay $0x3  }
0x94: {  	_ =	strace s2  }
0x95: {  	s2 =	sld [smem:$0x3FFD];
	_ =	sdelay $0x3  }
0x96: {  	_ =	strace s2  }
0x97: {  	_ =	strace $0x8FFFFFFF  }
0x98: {  	s18 =	sld [smem:$0x3FDB];
	_ =	sdelay $0x1  }
0x99: {  	s19 =	simm.s32 $_scs_section_size  }
0x9a: {  	s4 =	simm.s32 $_size__tile_overlayer_lowered;
	s5 =	simm.s32 $_tile_overlayer_lowered  }
0x9b: {  	s22 =	simm.s32 $0x1BFF;
	s21 =	sshll.u32 s5, $0x1;
	s2 =	sadd.s32 s19, s18  }
0x9c: {  	s6 =	simm.s32 $0x0;
	s20 =	sshll.u32 s4, $0x1;
	s4 =	sadd.s32 s21, s2  }
0x9d: {  	[timem:s6], [sflag:s22] =	dma.local [hbm:s4], s20  }
0x9e: {  	_ =	swait.ge [sflag:s22], s20  }
0x9f: {  	s3 =	ssub.s32 $0x0, s20;
	[sflag:s22] =	ssyncset.done $0x0  }
0xa0: {  	[sflag:s22] =	ssyncadd.s32 s3;
	_ =	sdelay $0x1  }
0xa1: {  	s23 =	simm.s32 $0x1B8B  }
0xa2: {  	_ =	swait.ge [sflag:s23], $0x1  }
0xa3: {  	[sflag:s23] =	ssyncset.done $0x0  }
0xa4: {  	s25 =	simm.s32 $0x1B8E;
	s24 =	sld [smem:$0x3FFE];
	[sflag:s23] =	ssyncadd.s32 $0xFFFFFFFF  }
0xa5: {  	s26 =	simm.s32 $execute0_lowered;
	[smem:$0x3FD2] =	sst s25  }
0xa6: {  	s4 =	sshll.u32 s26, $0x1;
	_ =	strace $0x8000004C;
	[dreg:$0x1] =	wrdreg $0xFFFFFFFF  }
0xa7: {  	s28 =	simm.s32 $_size_execute0_lowered;
	s2 =	sadd.s32 s2, s4;
	[dreg:$0x0] =	wrdreg $0x0  }
0xa8: {  	s4 =	sshll.u32 s28, $0x1;
	[dreg:$0x2] =	wrdreg s2  }
0xa9: {  	[dreg:$0x3] =	wrdreg s4  }
0xaa: {  	[dreg:$0x4] =	wrdreg $0xC0  }
0xab: {  	_ =	task [dreg:s6], $0x5FFFF  }
0xac: {  	[dreg:$0x1] =	wrdreg $0xFFFFFFFF  }
0xad: {  	[dreg:$0x0] =	wrdreg $0x60  }
0xae: {  	[dreg:$0x2] =	wrdreg s24  }
0xaf: {  	[dreg:$0x3] =	wrdreg $0x9  }
0xb0: {  	_ =	task.clear_ibuf [dreg:s6], $0x4FFFF;
	_ =	strace $0x9000004C  }
0xb1: {  	s29 =	simm.s32 $0x9;
	_ =	strace $0x8000004E  }
0xb2: {  	_ =	swait.ge [sflag:s29], $0x1  }
0xb3: {  	[sflag:s29] =	ssyncadd.s32 $0xFFFFFFFF  }
0xb4: {  	_ =	strace $0x9000004E  }
0xb5: {  	_ =	sfence  }
0xb6: {  	s30 =	sld [smem:$0x0];
	_ =	sdelay $0x2  }
0xb7: {  	s31 =	sshll.u32 s1, $0xD;
	s1 =	sshrl.u32 s1, $0x2  }
0xb8: {  	s3 =	sand.u32 $0x4000, s31;
	s1 =	sadd.s32 s1, s30  }
0xb9: {  	s0 =	sor.u32 s3, s0;
	s1 =	sshll.u32 s1, $0x11  }
0xba: {  	s0 =	sor.u32 s1, s0  }
0xbb: {  	s0 =	sadd.s32 $0x8F2B, s0  }
0xbc: {  	[sflag:s0] =	ssyncadd.remote.s32 $0x1  }
0xbd: {  	_ =	sfence.sel $0xFFFF  }
0xbe: {  	[dreg:$0x0] =	wrdreg $0xFFFFFFFF;
	(pc) =	sbr.abs _section_cstart, $3  }
0xbf: {  	[dreg:$0x1] =	wrdreg $0xFFFFFFFF  }
0xc0: {  	_ =	task.clear_ibuf [dreg:s6], $0x2FFFF;
	_ =	strace $0x9FFFFFFF  }
0xc1: {  	(tm) =	ssettm $0x7FFFFFFF  }
tec
execute0_lowered:
.L_overlay_start_1:
0x0: {  	(tag) =	ssettag $0x1  }
0x1: {  	s5 =	rddreg [dreg:$0x0]  }
0x2: {  	s0 =	rddreg [dreg:$0x1]  }
0x3: {  	s3 =	srdreg.scid;
	s1 =	stileid.u32;
	s2 =	simm.s32 $0x0  }
0x4: {  	s14 =	simm.s32 $0x4000;
	s15 =	simm.s32 $0x80;
	s16 =	simm.s32 $0x6800  }
0x5: {  	s17 =	simm.s32 $0x1;
	s18 =	simm.s32 $0x2;
	s19 =	simm.s32 $0x3  }
0x6: {  	s20 =	simm.s32 $0x4;
	s21 =	simm.s32 $0x3E00;
	s22 =	simm.s32 $0x0  }
0x7: {  	s7 =	sand.u32 $0x1, s3;
	s26 =	sshll.u32 s1, $0x1;
	[smem:$0x7FF] =	sst s2  }
0x8: {  	s3 =	sadd.s32 $0x506000, s5;
	s10 =	sadd.s32 $0xA0F200, s5;
	s30 =	smul.u32 $0x4E200, s1  }
0x9: {  	s6 =	sor.u32 s7, s26;
	_ =	strace $0x8000004D;
	s13 =	smul.u32 $0x27100, s7  }
0xa: {  	s28 =	ssub.s32 $0x2, s7;
	s4 =	sshll.u32 s6, $0xB;
	s9 =	smul.u32 $0x138800, s6  }
0xb: {  	s11 =	sshrl.u32 s28, $0x1;
	s12 =	smul.u32 $0x27100, s6;
	s8 =	sadd.s32 s4, s5  }
0xc: {  	s4 =	sadd.s32 $0x52D200, s5;
	s11 =	ssub.s32 s28, s11;
	s9 =	sshrl.u32 s9, $0x3  }
0xd: {  	s5 =	sadd.s32 $0x13400, s8;
	s7 =	smax.u32 s11, $0x1;
	s31 =	sadd.s32 s10, s12  }
0xe: {  	s11 =	simm.s32 $0x9000;
	s12 =	simm.s32 $0x5;
	s29 =	sadd.s32 s10, s9  }
0xf: {  	s10 =	sadd.s32 s30, s10;
	s8 =	sadd.s32 $0x26200, s31;
	s9 =	sadd.s32 $0x26700, s31  }
0x10: {  	s6 =	sadd.s32 $0x26C00, s29;
	s10 =	sadd.s32 s13, s10;
	s13 =	simm.s32 $0x50  }
.LBB2_1:
0x11: {  	[tilespmem:s11], [sflag:$0x5] =	stream.linear.gather [hbm4b:s4+s2], $0x400, $0x38;
	[tilespmem:$0x9400] =	vst v63  }
0x12: {  	_ =	swait.ge [sflag:s12], $0x400  }
0x13: {  	[sflag:s12] =	ssyncset.done $0x0  }
0x14: {  	[sflag:s12] =	ssyncadd.s32 $0xFFFFFC00  }
0x15: {  	[tilespmem:s2], [sflag:$0x5] =	stream.linear.gather [hbm4b:s5+s2], $0x3E80, $0x38;
	[tilespmem:$0x9400] =	vst v63  }
0x16: {  	_ =	swait.ge [sflag:s12], $0x3E80  }
0x17: {  	[sflag:s12] =	ssyncset.done $0x0  }
0x18: {  	[sflag:s12] =	ssyncadd.s32 $0xFFFFC180  }
0x19: {  	[tilespmem:s14], [sflag:$0x1] =	stream.indirect.gather [hbm4b:s3+s13], $0x80, s2, s13, $0xb8;
	[tilespmem:$0x9400] =	vst v63  }
0x1a: {  	_ = 	snop  }
0x1b: {  	[tilespmem:s16], [sflag:$0x2] =	stream.indirect.gather [hbm4b:s3+s13], $0x80, s15, s13, $0xb8;
	[tilespmem:$0x9400] =	vst v63  }
0x1c: {  	_ =	swait.ge [sflag:s17], $0x2800  }
0x1d: {  	[sflag:s17] =	ssyncset.done $0x0  }
0x1e: {  	s23 =	sadd.s32 $0x0, s10;
	[sflag:s17] =	ssyncadd.s32 $0xFFFFD800  }
0x1f: {  	[hbm4b:s23+s2] =	stream.linear.scatter [tilespmem:s14], [sflag:$0x3], $0x2800, $0x38;
	[tilespmem:$0x9400] =	vst v63  }
0x20: {  	_ =	swait.ge [sflag:s18], $0x2800  }
0x21: {  	[sflag:s18] =	ssyncset.done $0x0  }
0x22: {  	s23 =	sadd.s32 $0x500, s23;
	[sflag:s18] =	ssyncadd.s32 $0xFFFFD800  }
0x23: {  	[hbm4b:s23+s2] =	stream.linear.scatter [tilespmem:s16], [sflag:$0x4], $0x2800, $0x38;
	[tilespmem:$0x9400] =	vst v63  }
0x24: {  	_ =	swait.ge [sflag:s19], $0x2800  }
0x25: {  	[sflag:s19] =	ssyncset.done $0x0  }
0x26: {  	s31 =	simm.s32 $0x100;
	[sflag:s19] =	ssyncadd.s32 $0xFFFFD800  }
0x27: {  	[tilespmem:s14], [sflag:$0x1] =	stream.indirect.gather [hbm4b:s3+s13], $0x80, s31, s13, $0xb8;
	[tilespmem:$0x9400] =	vst v63  }
0x28: {  	_ =	swait.ge [sflag:s20], $0x2800  }
0x29: {  	s24 =	simm.s32 $0xA00;
	[sflag:s20] =	ssyncset.done $0x0  }
0x2a: {  	s25 =	simm.s32 $0x280;
	s23 =	simm.s32 $0x180;
	[sflag:s20] =	ssyncadd.s32 $0xFFFFD800  }
.LBB2_2:
0x2b: {  	[tilespmem:s16], [sflag:$0x2] =	stream.indirect.gather [hbm4b:s3+s13], $0x80, s23, s13, $0xb8;
	[tilespmem:$0x9400] =	vst v63  }
0x2c: {  	s26 =	smov.u32 s24;
	s23 =	smov.u32 s25  }
0x2d: {  	p0 =	sne.s32 s24, $0x25800;
	s24 =	sadd.s32 $0xA00, s24;
	_ =	swait.ge [sflag:s17], $0x2800  }
0x2e: {  	[sflag:s17] =	ssyncset.done $0x0  }
0x2f: {  	s26 =	sadd.s32 s26, s10;
	[sflag:s17] =	ssyncadd.s32 $0xFFFFD800  }
0x30: {  	[hbm4b:s26+s2] =	stream.linear.scatter [tilespmem:s14], [sflag:$0x3], $0x2800, $0x38;
	[tilespmem:$0x9400] =	vst v63  }
0x31: {  	_ =	swait.ge [sflag:s18], $0x2800  }
0x32: {  	[sflag:s18] =	ssyncset.done $0x0  }
0x33: {  	s26 =	sadd.s32 $0x500, s26;
	[sflag:s18] =	ssyncadd.s32 $0xFFFFD800  }
0x34: {  	[hbm4b:s26+s2] =	stream.linear.scatter [tilespmem:s16], [sflag:$0x4], $0x2800, $0x38;
	[tilespmem:$0x9400] =	vst v63  }
0x35: {  	_ =	swait.ge [sflag:s19], $0x2800  }
0x36: {  	[sflag:s19] =	ssyncset.done $0x0  }
.Ltmp0:
0x37: {  	s26 =	sadd.s32 $0xFFFFFF80, s25;
	[sflag:s19] =	ssyncadd.s32 $0xFFFFD800;
	(pc) =	sbr.rel @p0 .LBB2_2-.Ltmp0, $4  }
0x38: {  	[tilespmem:s14], [sflag:$0x1] =	stream.indirect.gather [hbm4b:s3+s13], $0x80, s26, s13, $0xb8;
	[tilespmem:$0x9400] =	vst v63  }
0x39: {  	_ =	swait.ge [sflag:s20], $0x2800  }
0x3a: {  	[sflag:s20] =	ssyncset.done $0x0  }
0x3b: {  	s25 =	sadd.s32 $0x100, s25;
	[sflag:s20] =	ssyncadd.s32 $0xFFFFD800  }
0x3c: {  	[tilespmem:s16], [sflag:$0x2] =	stream.indirect.gather [hbm4b:s3+s13], $0x80, s23, s13, $0xb8;
	[tilespmem:$0x9400] =	vst v63  }
0x3d: {  	_ =	swait.ge [sflag:s17], $0x2800  }
0x3e: {  	[sflag:s17] =	ssyncset.done $0x0  }
0x3f: {  	[sflag:s17] =	ssyncadd.s32 $0xFFFFD800  }
0x40: {  	[hbm4b:s8+s2] =	stream.linear.scatter [tilespmem:s14], [sflag:$0x3], $0x2800, $0x38;
	[tilespmem:$0x9400] =	vst v63  }
0x41: {  	_ =	swait.ge [sflag:s18], $0x2800  }
0x42: {  	[sflag:s18] =	ssyncset.done $0x0  }
0x43: {  	[sflag:s18] =	ssyncadd.s32 $0xFFFFD800  }
0x44: {  	[hbm4b:s9+s2] =	stream.linear.scatter [tilespmem:s16], [sflag:$0x4], $0x2800, $0x38;
	[tilespmem:$0x9400] =	vst v63  }
0x45: {  	_ =	swait.ge [sflag:s19], $0x2800  }
0x46: {  	[sflag:s19] =	ssyncset.done $0x0  }
0x47: {  	[sflag:s19] =	ssyncadd.s32 $0xFFFFD800  }
0x48: {  	[tilespmem:s14], [sflag:$0x1] =	stream.indirect.gather [hbm4b:s3+s13], $0x80, s21, s13, $0xb8;
	[tilespmem:$0x9400] =	vst v63  }
0x49: {  	_ =	swait.ge [sflag:s20], $0x2800  }
0x4a: {  	[sflag:s20] =	ssyncset.done $0x0  }
0x4b: {  	[sflag:s20] =	ssyncadd.s32 $0xFFFFD800  }
0x4c: {  	s22 =	sadd.s32 $0x1, s22;
	_ =	swait.ge [sflag:s17], $0x2800  }
0x4d: {  	p0 =	sne.s32 s22, s7;
	[sflag:s17] =	ssyncset.done $0x0  }
.Ltmp1:
0x4e: {  	[sflag:s17] =	ssyncadd.s32 $0xFFFFD800;
	(pc) =	sbr.rel @p0 .LBB2_1-.Ltmp1, $4  }
0x4f: {  	[hbm4b:s6+s2] =	stream.linear.scatter [tilespmem:s14], [sflag:$0x5], $0x2800, $0x38;
	[tilespmem:$0x9400] =	vst v63  }
0x50: {  	_ =	swait.ge [sflag:s12], $0x2800  }
0x51: {  	[sflag:s12] =	ssyncset.done $0x0  }
0x52: {  	[sflag:s12] =	ssyncadd.s32 $0xFFFFD800  }
0x53: {  	_ =	sfence.sel $0x180000  }
0x54: {  	[bflag:$0x0] =	sbarrier.arrive $0xFFFF  }
0x55: {  	p0 =	sne.s32 s1, $0x0;
	_ =	strace $0x9000004D  }
0x56: {  	s0 =	sadd.s32 @!p0 $0x100000, s0;
	[bflag:$0x2] =	sbarrier.arrive $0xFFFF  }
0x57: {  	[sflag:s0] =	ssyncadd.tile.s32 @!p0 $0x1;
	_ =	shalt  }
.Lfunc_end2:
_tile_overlayer_lowered:
.L_overlay_start_2:
0x58: {  	(tag) =	ssettag $0x2  }
0x59: {  	s0 =	rddreg [dreg:$0x0];
	s2 =	stileid.u32  }
0x5a: {  	s1 =	rddreg [dreg:$0x1];
	p0 =	sne.s32 s2, $0x0  }
0x5b: {  	s3 =	rddreg [dreg:$0x2];
	[bflag:$0x3] =	sbarrier.arrive $0xFFFF;
	s2 =	simm.s32 @!p0 $0x1C05  }
0x5c: {  	[timem:s3], [sflag:s2] =	dma.local @!p0 [hbm:s0], s1  }
0x5d: {  	s0 =	simm.s32 @!p0 $0x5  }
0x5e: {  	_ =	swait.ge @!p0 [sflag:s0], s1  }
0x5f: {  	s1 =	ssub.s32 @!p0 $0x0, s1;
	[sflag:s0] =	ssyncset.done @!p0 $0x0  }
0x60: {  	[sflag:s0] =	ssyncadd.s32 @!p0 s1  }
0x61: {  	[bflag:$0x3] =	sbarrier.arrive $0xFFFF  }
0x62: {  	_ =	shalt  }

// kernel: kernel.18.cloned.1.call-start
scs
__scs_entry_jumppad:
0x0: {  	(pc) =	sbr.rel $0x88, $3  }
0x1: {  	(tag) =	ssettag $0x0;
	lr =	simm.s32 $0x1  }
0x2: {  	[smem:$0x3F90] =	sst lr;
	_ =	strace $0xD0000000  }
0x3: {  	_ = 	snop  }
0x4: {  	_ = 	snop  }
0x5: {  	_ = 	snop  }
0x6: {  	_ = 	snop  }
0x7: {  	_ = 	snop  }
__scs_overlays_trampoline_lowered:
0x8: {  	[smem:$0x3F9F] =	sst s0  }
0x9: {  	[smem:$0x3FA0] =	sst s1  }
0xa: {  	[smem:$0x3FA1] =	sst s2  }
0xb: {  	[smem:$0x3FA2] =	sst s3  }
0xc: {  	[smem:$0x3FA3] =	sst s4  }
0xd: {  	[smem:$0x3FA4] =	sst s5  }
0xe: {  	[smem:$0x3FA5] =	sst s6  }
0xf: {  	[smem:$0x3FA6] =	sst s7  }
0x10: {  	[smem:$0x3FA7] =	sst s8  }
0x11: {  	[smem:$0x3FA8] =	sst s9;
	s0 =	simm.s32 @!p0 $0x0  }
0x12: {  	s1 =	sld [smem:$0x3F8E];
	s0 =	simm.s32 @p0 $0x1  }
0x13: {  	[smem:$0x3FA9] =	sst s0;
	s0 =	simm.s32 @!p1 $0x0  }
0x14: {  	s2 =	sld [smem:$0x3F8D];
	s0 =	simm.s32 @p1 $0x1  }
0x15: {  	[smem:$0x3FAA] =	sst s0;
	s0 =	simm.s32 @!p2 $0x0  }
0x16: {  	s3 =	sld [smem:$0x3FDB];
	s0 =	simm.s32 @p2 $0x1  }
0x17: {  	s4 =	simm.s32 $0x1BF5;
	[smem:$0x3FAC] =	sst s0  }
0x18: {  	s0 =	sld [smem:$0x3F8F];
	_ =	swait.ge [sflag:s4], $0x0  }
0x19: {  	s7 =	sld [smem:$0x3F90]  }
0x1a: {  	s8 =	sadd.s32 $0xFFFFE003, lr  }
0x1b: {  	s9 =	sadd.s32 $0xFFFFFEF7, lr;
	s5 =	simm.s32 $0xFFFFFFFF;
	p2 =	slt.u32 s8, $0xFFFFF086  }
0x1c: {  	p1 =	slt.u32 s9, $0xF7A;
	s5 =	simm.s32 @!p2 $0x0  }
0x1d: {  	s5 =	simm.s32 @p1 $0x1;
	p0 =	seq.s32 s7, s2  }
0x1e: {  	s7 =	smul.u32 @!p0 $0xF7A, s2;
	p2 =	seq.s32 @!p0 s5, $0x0  }
0x1f: {  	s9 =	smul.u32 $0xF7A, s1;
	s8 =	simm.s32 @!p0 $0x1BF5;
	p2 =	por !p2, p0  }
0x20: {  	[sflag:s8] =	ssyncset.s32 @!p0 $0xFFFFF086;
	s6 =	sadd.s32 @!p0 s3, s7;
	s7 =	simm.s32 @!p0 $0x108  }
0x21: {  	s3 =	sadd.s32 s3, s9;
	s6 =	sadd.s32 @!p0 $0x88, s6;
	s7 =	simm.s32 @p2 $0x1082  }
0x22: {  	[simem:s7], [sflag:s8] =	dma.local @!p0 [hbm:s6], $0xF7A  }
0x23: {  	s9 =	sor.u32 $0xD0000000, s2;
	s6 =	simm.s32 $0x108;
	_ =	swait.ge @!p0 [sflag:s8], $0x0  }
0x24: {  	s3 =	sadd.s32 $0x88, s3;
	s6 =	simm.s32 @!p1 $0x1082;
	[sflag:s4] =	ssyncset.s32 $0xFFFFF086  }
0x25: {  	[simem:s6], [sflag:s4] =	dma.local [hbm:s3], $0xF7A  }
0x26: {  	[smem:$0x3F90] =	sst s1;
	(tag) =	ssettag s2;
	_ =	strace s9  }
0x27: {  	s1 =	sld [smem:$0x3FA0]  }
0x28: {  	s2 =	sld [smem:$0x3FA1]  }
0x29: {  	s4 =	sld [smem:$0x3FA3]  }
0x2a: {  	p0 =	seq.s32 s5, $0x0;
	s5 =	sld [smem:$0x3FA4]  }
0x2b: {  	s6 =	sld [smem:$0x3FA5]  }
0x2c: {  	s7 =	sld [smem:$0x3FA6]  }
0x2d: {  	s3 =	simm.s32 $0x108;
	s8 =	sld [smem:$0x3FA7]  }
0x2e: {  	s3 =	simm.s32 @!p0 $0x1082;
	s9 =	sld [smem:$0x3FA8]  }
0x2f: {  	lr =	sadd.s32 s0, s3;
	s0 =	sld [smem:$0x3F9F]  }
0x30: {  	s3 =	sld [smem:$0x3FA2]  }
0x31: {  	[smem:$0x3FAB] =	sst s10  }
0x32: {  	s10 =	sld [smem:$0x3FA9];
	_ =	sdelay $0x3  }
0x33: {  	p0 =	seq.s32 s10, $0x1;
	s10 =	sld [smem:$0x3FAB];
	_ =	sdelay $0x3  }
0x34: {  	[smem:$0x3FAB] =	sst s10  }
0x35: {  	s10 =	sld [smem:$0x3FAA];
	_ =	sdelay $0x3  }
0x36: {  	p1 =	seq.s32 s10, $0x1;
	s10 =	sld [smem:$0x3FAB];
	_ =	sdelay $0x3  }
0x37: {  	[smem:$0x3FAB] =	sst s10  }
0x38: {  	s10 =	sld [smem:$0x3FAC]  }
0x39: {  	_ = 	snop;
	(pc) =	sbr.ind lr, $3  }
0x3a: {  	_ = 	snop  }
0x3b: {  	_ = 	snop  }
0x3c: {  	p2 =	seq.s32 s10, $0x1;
	s10 =	sld [smem:$0x3FAB]  }
0x3d: {  	_ =	shalt  }
0x3e: {  	_ =	shalt  }
0x3f: {  	_ =	shalt  }
0x40: {  	_ =	shalt  }
0x41: {  	_ =	shalt  }
0x42: {  	_ =	shalt  }
0x43: {  	_ =	shalt  }
0x44: {  	_ =	shalt  }
0x45: {  	_ =	shalt  }
0x46: {  	_ =	shalt  }
0x47: {  	_ =	shalt  }
0x48: {  	_ =	shalt  }
0x49: {  	_ =	shalt  }
0x4a: {  	_ =	shalt  }
0x4b: {  	_ =	shalt  }
0x4c: {  	_ =	shalt  }
0x4d: {  	_ =	shalt  }
0x4e: {  	_ =	shalt  }
0x4f: {  	_ =	shalt  }
0x50: {  	_ =	shalt  }
0x51: {  	_ =	shalt  }
0x52: {  	_ =	shalt  }
0x53: {  	_ =	shalt  }
0x54: {  	_ =	shalt  }
0x55: {  	_ =	shalt  }
0x56: {  	_ =	shalt  }
0x57: {  	_ =	shalt  }
0x58: {  	_ =	shalt  }
0x59: {  	_ =	shalt  }
0x5a: {  	_ =	shalt  }
0x5b: {  	_ =	shalt  }
0x5c: {  	_ =	shalt  }
0x5d: {  	_ =	shalt  }
0x5e: {  	_ =	shalt  }
0x5f: {  	_ =	shalt  }
0x60: {  	_ =	shalt  }
0x61: {  	_ =	shalt  }
0x62: {  	_ =	shalt  }
0x63: {  	_ =	shalt  }
0x64: {  	_ =	shalt  }
0x65: {  	_ =	shalt  }
0x66: {  	_ =	shalt  }
0x67: {  	_ =	shalt  }
0x68: {  	_ =	shalt  }
0x69: {  	_ =	shalt  }
0x6a: {  	_ =	shalt  }
0x6b: {  	_ =	shalt  }
0x6c: {  	_ =	shalt  }
0x6d: {  	_ =	shalt  }
0x6e: {  	_ =	shalt  }
0x6f: {  	_ =	shalt  }
0x70: {  	_ =	shalt  }
0x71: {  	_ =	shalt  }
0x72: {  	_ =	shalt  }
0x73: {  	_ =	shalt  }
0x74: {  	_ =	shalt  }
0x75: {  	_ =	shalt  }
0x76: {  	_ =	shalt  }
0x77: {  	_ =	shalt  }
0x78: {  	_ =	shalt  }
0x79: {  	_ =	shalt  }
0x7a: {  	_ =	shalt  }
0x7b: {  	_ =	shalt  }
0x7c: {  	_ =	shalt  }
0x7d: {  	_ =	shalt  }
0x7e: {  	_ =	shalt  }
0x7f: {  	_ =	shalt  }
0x80: {  	_ =	shalt  }
0x81: {  	_ =	shalt  }
0x82: {  	_ =	shalt  }
0x83: {  	_ =	shalt  }
0x84: {  	_ =	shalt  }
0x85: {  	_ =	shalt  }
0x86: {  	_ =	shalt  }
0x87: {  	_ =	shalt  }
.Lfunc_end0:
.L_simem_size_0:
called_computation.3_lowered:
.L_overlay_start_0:
0x88: {  	s2 =	sld [smem:$0x3FD9]  }
0x89: {  	s3 =	sld [smem:$0x3FFE];
	_ =	sdelay $0x1  }
0x8a: {  	s1 =	srdreg.scid  }
0x8b: {  	s0 =	sand.u32 $0x1, s1  }
0x8c: {  	s14 =	sshll.u32 s0, $0xA;
	s2 =	sadd.s32 s3, s2  }
0x8d: {  	s2 =	sadd.s32 s2, s14  }
0x8e: {  	[smem:$0x3FB7] =	sst s2  }
0x8f: {  	_ = 	snop  }
0x90: {  	s2 =	sld [smem:$0x3FD0];
	_ =	sdelay $0x2  }
0x91: {  	s15 =	simm.s32 $0xA;
	s4 =	simm.s32 $0x10  }
0x92: {  	[smem:s4], [sflag:s15] =	dma.local [hbm:s2], $0x1  }
0x93: {  	_ =	swait.eq [sflag:s15], $0x1  }
0x94: {  	[sflag:s15] =	ssyncset.done $0x0  }
0x95: {  	[sflag:s15] =	ssyncadd.s32 $0xFFFFFFFF  }
0x96: {  	s16 =	sld [smem:$0x10];
	(tm) =	ssettm $0x1  }
0x97: {  	s17 =	sld [smem:$0x3FFB];
	_ =	sdelay $0x3  }
0x98: {  	_ =	strace s17  }
0x99: {  	s3 =	sld [smem:$0x3FFC];
	_ =	sdelay $0x3  }
0x9a: {  	_ =	strace s3  }
0x9b: {  	s3 =	sld [smem:$0x3FFD];
	_ =	sdelay $0x3  }
0x9c: {  	_ =	strace s3  }
0x9d: {  	_ =	strace $0x8FFFFFFF  }
0x9e: {  	s18 =	sld [smem:$0x3FDB];
	_ =	sdelay $0x1  }
0x9f: {  	s19 =	simm.s32 $_scs_section_size  }
0xa0: {  	s5 =	simm.s32 $_size__tile_overlayer_lowered;
	s6 =	simm.s32 $_tile_overlayer_lowered  }
0xa1: {  	s22 =	simm.s32 $0x1BFF;
	s21 =	sshll.u32 s6, $0x1;
	s3 =	sadd.s32 s19, s18  }
0xa2: {  	s7 =	simm.s32 $0x0;
	s20 =	sshll.u32 s5, $0x1;
	s5 =	sadd.s32 s21, s3  }
0xa3: {  	[timem:s7], [sflag:s22] =	dma.local [hbm:s5], s20  }
0xa4: {  	_ =	swait.ge [sflag:s22], s20  }
0xa5: {  	s4 =	ssub.s32 $0x0, s20;
	[sflag:s22] =	ssyncset.done $0x0  }
0xa6: {  	[sflag:s22] =	ssyncadd.s32 s4;
	_ =	sdelay $0x1  }
0xa7: {  	s23 =	simm.s32 $0x1B8B  }
0xa8: {  	_ =	swait.ge [sflag:s23], $0x1  }
0xa9: {  	[sflag:s23] =	ssyncset.done $0x0  }
0xaa: {  	s25 =	simm.s32 $0x1B8E;
	s24 =	sld [smem:$0x3FFE];
	[sflag:s23] =	ssyncadd.s32 $0xFFFFFFFF  }
0xab: {  	s26 =	simm.s32 $execute0_lowered;
	[smem:$0x3FD2] =	sst s25  }
0xac: {  	s5 =	sshll.u32 s26, $0x1;
	_ =	strace $0x8000004F;
	[dreg:$0x1] =	wrdreg $0xFFFFFFFF  }
0xad: {  	s28 =	simm.s32 $_size_execute0_lowered;
	s3 =	sadd.s32 s3, s5;
	[dreg:$0x0] =	wrdreg $0x0  }
0xae: {  	s5 =	sshll.u32 s28, $0x1;
	[dreg:$0x2] =	wrdreg s3  }
0xaf: {  	[dreg:$0x3] =	wrdreg s5  }
0xb0: {  	[dreg:$0x4] =	wrdreg $0xC0  }
0xb1: {  	_ =	task [dreg:s7], $0x5FFFF  }
0xb2: {  	[dreg:$0x1] =	wrdreg $0xFFFFFFFF  }
0xb3: {  	[dreg:$0x0] =	wrdreg $0x60  }
0xb4: {  	[dreg:$0x2] =	wrdreg s24  }
0xb5: {  	[dreg:$0x3] =	wrdreg s16  }
0xb6: {  	[dreg:$0x4] =	wrdreg $0xB8000  }
0xb7: {  	[dreg:$0x5] =	wrdreg $0x9  }
0xb8: {  	_ =	task.clear_ibuf [dreg:s7], $0x6FFFF;
	_ =	strace $0x9000004F  }
0xb9: {  	s29 =	simm.s32 $0x9;
	_ =	strace $0x80000051  }
0xba: {  	_ =	swait.ge [sflag:s29], $0x1  }
0xbb: {  	[sflag:s29] =	ssyncadd.s32 $0xFFFFFFFF  }
0xbc: {  	_ =	strace $0x90000051  }
0xbd: {  	_ =	sfence  }
0xbe: {  	s30 =	sld [smem:$0x0];
	_ =	sdelay $0x2  }
0xbf: {  	s31 =	sshll.u32 s1, $0xD;
	s1 =	sshrl.u32 s1, $0x2  }
0xc0: {  	s3 =	sand.u32 $0x4000, s31;
	s1 =	sadd.s32 s1, s30  }
0xc1: {  	s0 =	sor.u32 s3, s0;
	s1 =	sshll.u32 s1, $0x11  }
0xc2: {  	s0 =	sor.u32 s1, s0  }
0xc3: {  	s0 =	sadd.s32 $0x8F2B, s0  }
0xc4: {  	[sflag:s0] =	ssyncadd.remote.s32 $0x1  }
0xc5: {  	_ =	sfence.sel $0xFFFF  }
0xc6: {  	[dreg:$0x0] =	wrdreg $0xFFFFFFFF;
	(pc) =	sbr.abs _section_cstart, $3  }
0xc7: {  	[dreg:$0x1] =	wrdreg $0xFFFFFFFF  }
0xc8: {  	_ =	task.clear_ibuf [dreg:s7], $0x2FFFF;
	_ =	strace $0x9FFFFFFF  }
0xc9: {  	(tm) =	ssettm $0x7FFFFFFF  }
tec
execute0_lowered:
.L_overlay_start_1:
0x0: {  	(tag) =	ssettag $0x1  }
0x1: {  	s0 =	rddreg [dreg:$0x0]  }
0x2: {  	s1 =	rddreg [dreg:$0x1]  }
0x3: {  	s2 =	rddreg [dreg:$0x2]  }
0x4: {  	s4 =	simm.s32 $0x0;
	s5 =	srdreg.scid;
	s3 =	stileid.u32  }
0x5: {  	s19 =	simm.s32 $0x4000;
	s20 =	simm.s32 $0x9000;
	s28 =	simm.s32 $0x6800  }
0x6: {  	s29 =	simm.s32 $0x0;
	[smem:$0x7FF] =	sst s4;
	s7 =	smul.u32 $0x13C00, s3  }
0x7: {  	s10 =	sand.u32 $0x1, s5;
	s12 =	sadd.s32 $0x13D3200, s0;
	s13 =	smul.u32 $0x4F000, s3  }
0x8: {  	s21 =	sshll.u32 s3, $0x1;
	s5 =	sadd.s32 $0x18B5200, s0;
	s30 =	smul.u32 $0x4E200, s3  }
0x9: {  	s24 =	sshll.u32 s3, $0x6;
	_ =	strace $0x80000050;
	s6 =	smul.u32 $0x13C000, s10  }
0xa: {  	s8 =	sor.u32 s10, s21;
	s22 =	ssub.s32 $0x2, s10;
	s17 =	smul.u32 $0x27100, s10  }
0xb: {  	s21 =	simm.s32 $0x1;
	s9 =	sshll.u32 s8, $0xB;
	s25 =	smul.u32 $0x138800, s8  }
0xc: {  	s11 =	sshrl.u32 s22, $0x1;
	s23 =	sshrl.u32 s13, $0x2;
	s15 =	smul.u32 $0x27100, s8  }
0xd: {  	s18 =	sadd.s32 s30, s12;
	s9 =	sadd.s32 s9, s0;
	s6 =	sadd.s32 s7, s6  }
0xe: {  	s14 =	ssub.s32 s22, s11;
	s16 =	sadd.s32 s23, s2;
	s7 =	sor.u32 $0x1C03, s24  }
0xf: {  	s31 =	sadd.s32 s17, s18;
	s18 =	simm.s32 $0x3;
	s22 =	simm.s32 $0x50  }
0x10: {  	s23 =	simm.s32 $0x2;
	s6 =	sshrl.u32 s6, $0x3;
	s26 =	sshrl.u32 s25, $0x3  }
0x11: {  	s14 =	smax.u32 s14, $0x1;
	s17 =	sshrl.u32 s16, $0x3;
	s25 =	simm.s32 $0x3D80  }
0x12: {  	s0 =	sadd.s32 s6, s0;
	s6 =	smul.u32 $0x2710, s8;
	s8 =	sadd.s32 $0x3400, s9  }
0x13: {  	s9 =	sadd.s32 s12, s15;
	s11 =	sadd.s32 s12, s26;
	s12 =	sadd.s32 s5, s15  }
0x14: {  	s26 =	simm.s32 $0x3E00;
	s10 =	sadd.s32 $0x500, s11;
	s11 =	sadd.s32 $0x13400, s0  }
0x15: {  	s13 =	sadd.s32 $0x62400, s0;
	s15 =	sadd.s32 $0x26C00, s9;
	s0 =	sadd.s32 $0xF00, s31  }
.LBB2_1:
0x16: {  	[spmem:s17], [sflag:s7] =	dma.local [hbm:s1], $0x2780  }
0x17: {  	_ =	swait.ge [sflag:s18], $0x2780  }
0x18: {  	[sflag:s18] =	ssyncset.done $0x0  }
0x19: {  	[sflag:s18] =	ssyncadd.s32 $0xFFFFD880  }
0x1a: {  	[tilespmem:s4], [sflag:$0x3] =	stream.linear.gather [hbm4b:s8+s4], $0x3E80, $0x38;
	[tilespmem:$0x1F400] =	vst v63  }
0x1b: {  	_ =	swait.ge [sflag:s18], $0x3E80  }
0x1c: {  	[sflag:s18] =	ssyncset.done $0x0  }
0x1d: {  	[sflag:s18] =	ssyncadd.s32 $0xFFFFC180  }
0x1e: {  	[bflag:$0x0] =	sbarrier.arrive $0xFFFF  }
0x1f: {  	[tilespmem:s19], [sflag:$0x1] =	stream.linear.gather [hbm4b:s9+s4], $0x2800, $0x38;
	[tilespmem:$0x1F400] =	vst v63  }
0x20: {  	_ = 	snop  }
0x21: {  	[tilespmem:s20], [sflag:$0x2] =	stream.linear.gather [hbm4b:s10+s4], $0x2800, $0x38;
	[tilespmem:$0x1F400] =	vst v63  }
0x22: {  	_ =	swait.ge [sflag:s21], $0x2800  }
0x23: {  	[sflag:s21] =	ssyncset.done $0x0  }
0x24: {  	s16 =	simm.s32 $0x0;
	[sflag:s21] =	ssyncadd.s32 $0xFFFFD800  }
0x25: {  	[spmem:s2] =	stream.indirect.scatter.add.f32 [tilespmem:s19], [sflag:$0x3], $0x80, s16, s22, $0xb8;
	[tilespmem:$0x1F400] =	vst v63  }
0x26: {  	_ =	swait.ge [sflag:s18], $0x2800  }
0x27: {  	[sflag:s18] =	ssyncset.done $0x0  }
0x28: {  	s3 =	sadd.s32 $0xFFFFFB00, s0;
	[sflag:s18] =	ssyncadd.s32 $0xFFFFD800  }
0x29: {  	[tilespmem:s19], [sflag:$0x1] =	stream.linear.gather [hbm4b:s3+s4], $0x2800, $0x38;
	[tilespmem:$0x1F400] =	vst v63  }
0x2a: {  	_ =	swait.ge [sflag:s23], $0x2800  }
0x2b: {  	[sflag:s23] =	ssyncset.done $0x0  }
0x2c: {  	s24 =	simm.s32 $0x80;
	[sflag:s23] =	ssyncadd.s32 $0xFFFFD800  }
0x2d: {  	[spmem:s2] =	stream.indirect.scatter.add.f32 [tilespmem:s20], [sflag:$0x3], $0x80, s24, s22, $0xb8;
	[tilespmem:$0x1F400] =	vst v63  }
0x2e: {  	_ =	swait.ge [sflag:s18], $0x2800  }
0x2f: {  	s30 =	simm.s32 $0x400;
	[sflag:s18] =	ssyncset.done $0x0  }
0x30: {  	s31 =	sadd.s32 $0xA00, s0;
	s16 =	smov.u32 s0;
	[sflag:s18] =	ssyncadd.s32 $0xFFFFD800  }
.LBB2_2:
0x31: {  	[tilespmem:s20], [sflag:$0x2] =	stream.linear.gather [hbm4b:s16+s4], $0x2800, $0x38;
	[tilespmem:$0x1F400] =	vst v63  }
0x32: {  	s3 =	smov.u32 s30;
	s16 =	smov.u32 s31  }
0x33: {  	p0 =	sne.s32 s30, $0xF000;
	s30 =	sadd.s32 $0x400, s30;
	_ =	swait.ge [sflag:s21], $0x2800  }
0x34: {  	[sflag:s21] =	ssyncset.done $0x0  }
0x35: {  	s3 =	sshra.s32 s3, $0x2;
	[sflag:s21] =	ssyncadd.s32 $0xFFFFD800  }
0x36: {  	[spmem:s2] =	stream.indirect.scatter.add.f32 [tilespmem:s19], [sflag:$0x3], $0x80, s3, s22, $0xb8;
	[tilespmem:$0x1F400] =	vst v63  }
0x37: {  	_ =	swait.ge [sflag:s18], $0x2800  }
0x38: {  	[sflag:s18] =	ssyncset.done $0x0  }
0x39: {  	s24 =	sadd.s32 $0xFFFFFB00, s31;
	[sflag:s18] =	ssyncadd.s32 $0xFFFFD800  }
0x3a: {  	[tilespmem:s19], [sflag:$0x1] =	stream.linear.gather [hbm4b:s24+s4], $0x2800, $0x38;
	[tilespmem:$0x1F400] =	vst v63  }
0x3b: {  	_ =	swait.ge [sflag:s23], $0x2800  }
0x3c: {  	[sflag:s23] =	ssyncset.done $0x0  }
.Ltmp0:
0x3d: {  	s3 =	sadd.s32 $0x80, s3;
	[sflag:s23] =	ssyncadd.s32 $0xFFFFD800;
	(pc) =	sbr.rel @p0 .LBB2_2-.Ltmp0, $4  }
0x3e: {  	[spmem:s2] =	stream.indirect.scatter.add.f32 [tilespmem:s20], [sflag:$0x3], $0x80, s3, s22, $0xb8;
	[tilespmem:$0x1F400] =	vst v63  }
0x3f: {  	_ =	swait.ge [sflag:s18], $0x2800  }
0x40: {  	[sflag:s18] =	ssyncset.done $0x0  }
0x41: {  	s31 =	sadd.s32 $0xA00, s31;
	[sflag:s18] =	ssyncadd.s32 $0xFFFFD800  }
0x42: {  	[tilespmem:s20], [sflag:$0x2] =	stream.linear.gather [hbm4b:s16+s4], $0x2800, $0x38;
	[tilespmem:$0x1F400] =	vst v63  }
0x43: {  	_ =	swait.ge [sflag:s21], $0x2800  }
0x44: {  	[sflag:s21] =	ssyncset.done $0x0  }
0x45: {  	s3 =	simm.s32 $0x3D00;
	[sflag:s21] =	ssyncadd.s32 $0xFFFFD800  }
0x46: {  	[spmem:s2] =	stream.indirect.scatter.add.f32 [tilespmem:s19], [sflag:$0x3], $0x80, s3, s22, $0xb8;
	[tilespmem:$0x1F400] =	vst v63  }
0x47: {  	_ =	swait.ge [sflag:s18], $0x2800  }
0x48: {  	[sflag:s18] =	ssyncset.done $0x0  }
0x49: {  	s30 =	simm.s32 $0x0;
	[sflag:s18] =	ssyncadd.s32 $0xFFFFD800  }
0x4a: {  	[tilespmem:s19], [sflag:$0x1] =	stream.linear.gather [hbm4b:s15+s30], $0x2800, $0x38;
	[tilespmem:$0x1F400] =	vst v63  }
0x4b: {  	_ =	swait.ge [sflag:s23], $0x2800  }
0x4c: {  	[sflag:s23] =	ssyncset.done $0x0  }
0x4d: {  	[sflag:s23] =	ssyncadd.s32 $0xFFFFD800  }
0x4e: {  	[spmem:s2] =	stream.indirect.scatter.add.f32 [tilespmem:s20], [sflag:$0x3], $0x80, s25, s22, $0xb8;
	[tilespmem:$0x1F400] =	vst v63  }
0x4f: {  	_ =	swait.ge [sflag:s18], $0x2800  }
0x50: {  	[sflag:s18] =	ssyncset.done $0x0  }
0x51: {  	[sflag:s18] =	ssyncadd.s32 $0xFFFFD800  }
0x52: {  	_ =	swait.ge [sflag:s21], $0x2800  }
0x53: {  	[sflag:s21] =	ssyncset.done $0x0  }
0x54: {  	[sflag:s21] =	ssyncadd.s32 $0xFFFFD800  }
0x55: {  	[spmem:s2] =	stream.indirect.scatter.add.f32 [tilespmem:s19], [sflag:$0x3], $0x80, s26, s22, $0xb8;
	[tilespmem:$0x1F400] =	vst v63  }
0x56: {  	_ =	swait.ge [sflag:s18], $0x2800  }
0x57: {  	[sflag:s18] =	ssyncset.done $0x0  }
0x58: {  	[sflag:s18] =	ssyncadd.s32 $0xFFFFD800  }
0x59: {  	[bflag:$0x0] =	sbarrier.arrive $0xFFFF  }
0x5a: {  	[hbm:s11], [sflag:s7] =	dma.local [spmem:s17], $0x2780  }
0x5b: {  	_ =	swait.ge [sflag:s18], $0x2780  }
0x5c: {  	[sflag:s18] =	ssyncset.done $0x0  }
0x5d: {  	[sflag:s18] =	ssyncadd.s32 $0xFFFFD880  }
0x5e: {  	[bflag:$0x0] =	sbarrier.arrive $0xFFFF  }
0x5f: {  	[spmem:s17], [sflag:s7] =	dma.local [hbm:s1], $0x2780  }
0x60: {  	_ =	swait.ge [sflag:s18], $0x2780  }
0x61: {  	[sflag:s18] =	ssyncset.done $0x0  }
0x62: {  	[sflag:s18] =	ssyncadd.s32 $0xFFFFD880  }
0x63: {  	[tilespmem:s19], [sflag:$0x3] =	stream.linear.gather [hbm4b:s1+s30], $0x2800, $0x38;
	[tilespmem:$0x1F400] =	vst v63  }
0x64: {  	_ =	swait.ge [sflag:s18], $0x2800  }
0x65: {  	[sflag:s18] =	ssyncset.done $0x0  }
0x66: {  	[sflag:s18] =	ssyncadd.s32 $0xFFFFD800  }
0x67: {  	[bflag:$0x0] =	sbarrier.arrive $0xFFFF  }
0x68: {  	[tilespmem:s28], [sflag:$0x1] =	stream.linear.gather [hbm4b:s12+s30], $0x2800, $0x38;
	[tilespmem:$0x1F400] =	vst v63  }
.LBB2_4:
0x69: {  	_ =	swait.ge [sflag:s21], $0x2800  }
0x6a: {  	[sflag:s21] =	ssyncset.done $0x0  }
0x6b: {  	s16 =	simm.s32 $0x0;
	[sflag:s21] =	ssyncadd.s32 $0xFFFFD800  }
0x6c: {  	s31 =	simm.s32 $0x200;
	v0 =	vld [tilespmem:s16+$0x6800]  }
.LBB2_5:
0x6d: {  	p0 =	sne.s32 s31, $0x9E00  }
.Ltmp1:
0x6e: {  	_ = 	snop;
	(pc) =	sbr.rel @p0 .LBB2_5-.Ltmp1, $3  }
0x6f: {  	_ =	sdelay $0x1  }
0x70: {  	[tilespmem:s16+$0x4000] =	vst v0;
	s16 =	sshra.s32 s31, $0x2;
	s31 =	sadd.s32 $0x200, s31  }
0x71: {  	v0 =	vld [tilespmem:s16+$0x6800]  }
0x72: {  	s3 =	sadd.s32 $0x1, s30;
	p0 =	seq.s32 s30, $0x7C  }
0x73: {  	s24 =	smul.u32 @!p0 $0x50, s3;
	_ =	sdelay $0x1  }
0x74: {  	s24 =	sadd.s32 @!p0 s6, s24  }
0x75: {  	s24 =	sshll.u32 @!p0 s24, $0x4  }
0x76: {  	s31 =	simm.s32 @!p0 $0x6800;
	[tilespmem:s16+$0x4000] =	vst v0;
	s16 =	sadd.s32 @!p0 s5, s24;
	s24 =	simm.s32 @!p0 $0x0  }
0x77: {  	[tilespmem:s31], [sflag:$0x1] =	stream.linear.gather @!p0 [hbm4b:s16+s24], $0x2800, $0x38;
	[tilespmem:$0x1F400] =	vst v63  }
0x78: {  	s31 =	sshll.u32 s30, $0x7;
	p0 =	sne.s32 s3, $0x7D  }
.Ltmp2:
0x79: {  	s16 =	sand.u32 $0x3FFFFF80, s31;
	(pc) =	sbr.rel @p0 .LBB2_4-.Ltmp2, $4  }
0x7a: {  	[spmem:s2] =	stream.indirect.scatter.add.f32 [tilespmem:s19], [sflag:$0x3], $0x80, s16, s22, $0xb8;
	[tilespmem:$0x1F400] =	vst v63  }
0x7b: {  	_ =	swait.ge [sflag:s18], $0x2800  }
0x7c: {  	[sflag:s18] =	ssyncset.done $0x0  }
0x7d: {  	s30 =	smov.u32 s3;
	[sflag:s18] =	ssyncadd.s32 $0xFFFFD800  }
0x7e: {  	s29 =	sadd.s32 $0x1, s29  }
0x7f: {  	p0 =	sne.s32 s29, s14  }
.Ltmp3:
0x80: {  	[bflag:$0x0] =	sbarrier.arrive $0xFFFF;
	(pc) =	sbr.rel @p0 .LBB2_1-.Ltmp3, $4  }
0x81: {  	[hbm:s13], [sflag:s7] =	dma.local [spmem:s17], $0x2780  }
0x82: {  	_ =	swait.ge [sflag:s18], $0x2780  }
0x83: {  	[sflag:s18] =	ssyncset.done $0x0  }
0x84: {  	[sflag:s18] =	ssyncadd.s32 $0xFFFFD880  }
0x85: {  	_ =	sfence.sel $0x180000  }
0x86: {  	[bflag:$0x0] =	sbarrier.arrive $0xFFFF  }
0x87: {  	_ =	strace $0x90000050  }
0x88: {  	s0 =	stileid.u32;
	[bflag:$0x2] =	sbarrier.arrive $0xFFFF  }
0x89: {  	p0 =	sne.s32 s0, $0x0;
	s0 =	rddreg [dreg:$0x3]  }
0x8a: {  	s0 =	sadd.s32 @!p0 $0x100000, s0  }
0x8b: {  	[sflag:s0] =	ssyncadd.tile.s32 @!p0 $0x1;
	_ =	shalt  }
.Lfunc_end2:
_tile_overlayer_lowered:
.L_overlay_start_2:
0x8c: {  	(tag) =	ssettag $0x2  }
0x8d: {  	s0 =	rddreg [dreg:$0x0];
	s2 =	stileid.u32  }
0x8e: {  	s1 =	rddreg [dreg:$0x1];
	p0 =	sne.s32 s2, $0x0  }
0x8f: {  	s3 =	rddreg [dreg:$0x2];
	[bflag:$0x3] =	sbarrier.arrive $0xFFFF;
	s2 =	simm.s32 @!p0 $0x1C03  }
0x90: {  	[timem:s3], [sflag:s2] =	dma.local @!p0 [hbm:s0], s1  }
0x91: {  	s0 =	simm.s32 @!p0 $0x3  }
0x92: {  	_ =	swait.ge @!p0 [sflag:s0], s1  }
0x93: {  	s1 =	ssub.s32 @!p0 $0x0, s1;
	[sflag:s0] =	ssyncset.done @!p0 $0x0  }
0x94: {  	[sflag:s0] =	ssyncadd.s32 @!p0 s1  }
0x95: {  	[bflag:$0x3] =	sbarrier.arrive $0xFFFF  }
0x96: {  	_ =	shalt  }

// kernel: kernel.9.cloned.1.call-start
scs
__scs_entry_jumppad:
0x0: {  	(pc) =	sbr.rel $0x88, $3  }
0x1: {  	(tag) =	ssettag $0x0;
	lr =	simm.s32 $0x1  }
0x2: {  	[smem:$0x3F90] =	sst lr;
	_ =	strace $0xD0000000  }
0x3: {  	_ = 	snop  }
0x4: {  	_ = 	snop  }
0x5: {  	_ = 	snop  }
0x6: {  	_ = 	snop  }
0x7: {  	_ = 	snop  }
__scs_overlays_trampoline_lowered:
0x8: {  	[smem:$0x3F9F] =	sst s0  }
0x9: {  	[smem:$0x3FA0] =	sst s1  }
0xa: {  	[smem:$0x3FA1] =	sst s2  }
0xb: {  	[smem:$0x3FA2] =	sst s3  }
0xc: {  	[smem:$0x3FA3] =	sst s4  }
0xd: {  	[smem:$0x3FA4] =	sst s5  }
0xe: {  	[smem:$0x3FA5] =	sst s6  }
0xf: {  	[smem:$0x3FA6] =	sst s7  }
0x10: {  	[smem:$0x3FA7] =	sst s8  }
0x11: {  	[smem:$0x3FA8] =	sst s9;
	s0 =	simm.s32 @!p0 $0x0  }
0x12: {  	s1 =	sld [smem:$0x3F8E];
	s0 =	simm.s32 @p0 $0x1  }
0x13: {  	[smem:$0x3FA9] =	sst s0;
	s0 =	simm.s32 @!p1 $0x0  }
0x14: {  	s2 =	sld [smem:$0x3F8D];
	s0 =	simm.s32 @p1 $0x1  }
0x15: {  	[smem:$0x3FAA] =	sst s0;
	s0 =	simm.s32 @!p2 $0x0  }
0x16: {  	s3 =	sld [smem:$0x3FDB];
	s0 =	simm.s32 @p2 $0x1  }
0x17: {  	s4 =	simm.s32 $0x1BF5;
	[smem:$0x3FAC] =	sst s0  }
0x18: {  	s0 =	sld [smem:$0x3F8F];
	_ =	swait.ge [sflag:s4], $0x0  }
0x19: {  	s7 =	sld [smem:$0x3F90]  }
0x1a: {  	s8 =	sadd.s32 $0xFFFFE003, lr  }
0x1b: {  	s9 =	sadd.s32 $0xFFFFFEF7, lr;
	s5 =	simm.s32 $0xFFFFFFFF;
	p2 =	slt.u32 s8, $0xFFFFF086  }
0x1c: {  	p1 =	slt.u32 s9, $0xF7A;
	s5 =	simm.s32 @!p2 $0x0  }
0x1d: {  	s5 =	simm.s32 @p1 $0x1;
	p0 =	seq.s32 s7, s2  }
0x1e: {  	s7 =	smul.u32 @!p0 $0xF7A, s2;
	p2 =	seq.s32 @!p0 s5, $0x0  }
0x1f: {  	s9 =	smul.u32 $0xF7A, s1;
	s8 =	simm.s32 @!p0 $0x1BF5;
	p2 =	por !p2, p0  }
0x20: {  	[sflag:s8] =	ssyncset.s32 @!p0 $0xFFFFF086;
	s6 =	sadd.s32 @!p0 s3, s7;
	s7 =	simm.s32 @!p0 $0x108  }
0x21: {  	s3 =	sadd.s32 s3, s9;
	s6 =	sadd.s32 @!p0 $0x88, s6;
	s7 =	simm.s32 @p2 $0x1082  }
0x22: {  	[simem:s7], [sflag:s8] =	dma.local @!p0 [hbm:s6], $0xF7A  }
0x23: {  	s9 =	sor.u32 $0xD0000000, s2;
	s6 =	simm.s32 $0x108;
	_ =	swait.ge @!p0 [sflag:s8], $0x0  }
0x24: {  	s3 =	sadd.s32 $0x88, s3;
	s6 =	simm.s32 @!p1 $0x1082;
	[sflag:s4] =	ssyncset.s32 $0xFFFFF086  }
0x25: {  	[simem:s6], [sflag:s4] =	dma.local [hbm:s3], $0xF7A  }
0x26: {  	[smem:$0x3F90] =	sst s1;
	(tag) =	ssettag s2;
	_ =	strace s9  }
0x27: {  	s1 =	sld [smem:$0x3FA0]  }
0x28: {  	s2 =	sld [smem:$0x3FA1]  }
0x29: {  	s4 =	sld [smem:$0x3FA3]  }
0x2a: {  	p0 =	seq.s32 s5, $0x0;
	s5 =	sld [smem:$0x3FA4]  }
0x2b: {  	s6 =	sld [smem:$0x3FA5]  }
0x2c: {  	s7 =	sld [smem:$0x3FA6]  }
0x2d: {  	s3 =	simm.s32 $0x108;
	s8 =	sld [smem:$0x3FA7]  }
0x2e: {  	s3 =	simm.s32 @!p0 $0x1082;
	s9 =	sld [smem:$0x3FA8]  }
0x2f: {  	lr =	sadd.s32 s0, s3;
	s0 =	sld [smem:$0x3F9F]  }
0x30: {  	s3 =	sld [smem:$0x3FA2]  }
0x31: {  	[smem:$0x3FAB] =	sst s10  }
0x32: {  	s10 =	sld [smem:$0x3FA9];
	_ =	sdelay $0x3  }
0x33: {  	p0 =	seq.s32 s10, $0x1;
	s10 =	sld [smem:$0x3FAB];
	_ =	sdelay $0x3  }
0x34: {  	[smem:$0x3FAB] =	sst s10  }
0x35: {  	s10 =	sld [smem:$0x3FAA];
	_ =	sdelay $0x3  }
0x36: {  	p1 =	seq.s32 s10, $0x1;
	s10 =	sld [smem:$0x3FAB];
	_ =	sdelay $0x3  }
0x37: {  	[smem:$0x3FAB] =	sst s10  }
0x38: {  	s10 =	sld [smem:$0x3FAC]  }
0x39: {  	_ = 	snop;
	(pc) =	sbr.ind lr, $3  }
0x3a: {  	_ = 	snop  }
0x3b: {  	_ = 	snop  }
0x3c: {  	p2 =	seq.s32 s10, $0x1;
	s10 =	sld [smem:$0x3FAB]  }
0x3d: {  	_ =	shalt  }
0x3e: {  	_ =	shalt  }
0x3f: {  	_ =	shalt  }
0x40: {  	_ =	shalt  }
0x41: {  	_ =	shalt  }
0x42: {  	_ =	shalt  }
0x43: {  	_ =	shalt  }
0x44: {  	_ =	shalt  }
0x45: {  	_ =	shalt  }
0x46: {  	_ =	shalt  }
0x47: {  	_ =	shalt  }
0x48: {  	_ =	shalt  }
0x49: {  	_ =	shalt  }
0x4a: {  	_ =	shalt  }
0x4b: {  	_ =	shalt  }
0x4c: {  	_ =	shalt  }
0x4d: {  	_ =	shalt  }
0x4e: {  	_ =	shalt  }
0x4f: {  	_ =	shalt  }
0x50: {  	_ =	shalt  }
0x51: {  	_ =	shalt  }
0x52: {  	_ =	shalt  }
0x53: {  	_ =	shalt  }
0x54: {  	_ =	shalt  }
0x55: {  	_ =	shalt  }
0x56: {  	_ =	shalt  }
0x57: {  	_ =	shalt  }
0x58: {  	_ =	shalt  }
0x59: {  	_ =	shalt  }
0x5a: {  	_ =	shalt  }
0x5b: {  	_ =	shalt  }
0x5c: {  	_ =	shalt  }
0x5d: {  	_ =	shalt  }
0x5e: {  	_ =	shalt  }
0x5f: {  	_ =	shalt  }
0x60: {  	_ =	shalt  }
0x61: {  	_ =	shalt  }
0x62: {  	_ =	shalt  }
0x63: {  	_ =	shalt  }
0x64: {  	_ =	shalt  }
0x65: {  	_ =	shalt  }
0x66: {  	_ =	shalt  }
0x67: {  	_ =	shalt  }
0x68: {  	_ =	shalt  }
0x69: {  	_ =	shalt  }
0x6a: {  	_ =	shalt  }
0x6b: {  	_ =	shalt  }
0x6c: {  	_ =	shalt  }
0x6d: {  	_ =	shalt  }
0x6e: {  	_ =	shalt  }
0x6f: {  	_ =	shalt  }
0x70: {  	_ =	shalt  }
0x71: {  	_ =	shalt  }
0x72: {  	_ =	shalt  }
0x73: {  	_ =	shalt  }
0x74: {  	_ =	shalt  }
0x75: {  	_ =	shalt  }
0x76: {  	_ =	shalt  }
0x77: {  	_ =	shalt  }
0x78: {  	_ =	shalt  }
0x79: {  	_ =	shalt  }
0x7a: {  	_ =	shalt  }
0x7b: {  	_ =	shalt  }
0x7c: {  	_ =	shalt  }
0x7d: {  	_ =	shalt  }
0x7e: {  	_ =	shalt  }
0x7f: {  	_ =	shalt  }
0x80: {  	_ =	shalt  }
0x81: {  	_ =	shalt  }
0x82: {  	_ =	shalt  }
0x83: {  	_ =	shalt  }
0x84: {  	_ =	shalt  }
0x85: {  	_ =	shalt  }
0x86: {  	_ =	shalt  }
0x87: {  	_ =	shalt  }
.Lfunc_end0:
.L_simem_size_0:
called_computation_lowered:
.L_overlay_start_0:
0x88: {  	s2 =	sld [smem:$0x3FD9]  }
0x89: {  	s3 =	sld [smem:$0x3FFE];
	_ =	sdelay $0x1  }
0x8a: {  	s1 =	srdreg.scid  }
0x8b: {  	s0 =	sand.u32 $0x1, s1  }
0x8c: {  	s14 =	sshll.u32 s0, $0xA;
	s2 =	sadd.s32 s3, s2  }
0x8d: {  	s2 =	sadd.s32 s2, s14  }
0x8e: {  	[smem:$0x3FB7] =	sst s2  }
0x8f: {  	_ = 	snop  }
0x90: {  	s2 =	sld [smem:$0x3FD0];
	_ =	sdelay $0x2  }
0x91: {  	s15 =	simm.s32 $0xA;
	s4 =	simm.s32 $0x10  }
0x92: {  	[smem:s4], [sflag:s15] =	dma.local [hbm:s2], $0x1  }
0x93: {  	_ =	swait.eq [sflag:s15], $0x1  }
0x94: {  	[sflag:s15] =	ssyncset.done $0x0  }
0x95: {  	[sflag:s15] =	ssyncadd.s32 $0xFFFFFFFF  }
0x96: {  	s16 =	sld [smem:$0x11];
	(tm) =	ssettm $0x1  }
0x97: {  	s17 =	sld [smem:$0x3FFB];
	_ =	sdelay $0x3  }
0x98: {  	_ =	strace s17  }
0x99: {  	s3 =	sld [smem:$0x3FFC];
	_ =	sdelay $0x3  }
0x9a: {  	_ =	strace s3  }
0x9b: {  	s3 =	sld [smem:$0x3FFD];
	_ =	sdelay $0x3  }
0x9c: {  	_ =	strace s3  }
0x9d: {  	_ =	strace $0x8FFFFFFF  }
0x9e: {  	s18 =	sld [smem:$0x3FDB];
	_ =	sdelay $0x1  }
0x9f: {  	s19 =	simm.s32 $_scs_section_size  }
0xa0: {  	s5 =	simm.s32 $_size__tile_overlayer_lowered;
	s6 =	simm.s32 $_tile_overlayer_lowered  }
0xa1: {  	s22 =	simm.s32 $0x1BFF;
	s21 =	sshll.u32 s6, $0x1;
	s3 =	sadd.s32 s19, s18  }
0xa2: {  	s7 =	simm.s32 $0x0;
	s20 =	sshll.u32 s5, $0x1;
	s5 =	sadd.s32 s21, s3  }
0xa3: {  	[timem:s7], [sflag:s22] =	dma.local [hbm:s5], s20  }
0xa4: {  	_ =	swait.ge [sflag:s22], s20  }
0xa5: {  	s4 =	ssub.s32 $0x0, s20;
	[sflag:s22] =	ssyncset.done $0x0  }
0xa6: {  	[sflag:s22] =	ssyncadd.s32 s4;
	_ =	sdelay $0x1  }
0xa7: {  	s23 =	simm.s32 $0x1B8B  }
0xa8: {  	_ =	swait.ge [sflag:s23], $0x1  }
0xa9: {  	[sflag:s23] =	ssyncset.done $0x0  }
0xaa: {  	s25 =	simm.s32 $0x1B8E;
	s24 =	sld [smem:$0x3FFE];
	[sflag:s23] =	ssyncadd.s32 $0xFFFFFFFF  }
0xab: {  	s26 =	simm.s32 $execute0_lowered;
	[smem:$0x3FD2] =	sst s25  }
0xac: {  	s5 =	sshll.u32 s26, $0x1;
	_ =	strace $0x80000046;
	[dreg:$0x1] =	wrdreg $0xFFFFFFFF  }
0xad: {  	s28 =	simm.s32 $_size_execute0_lowered;
	s3 =	sadd.s32 s3, s5;
	[dreg:$0x0] =	wrdreg $0x0  }
0xae: {  	s5 =	sshll.u32 s28, $0x1;
	[dreg:$0x2] =	wrdreg s3  }
0xaf: {  	[dreg:$0x3] =	wrdreg s5  }
0xb0: {  	[dreg:$0x4] =	wrdreg $0xC0  }
0xb1: {  	_ =	task [dreg:s7], $0x5FFFF  }
0xb2: {  	[dreg:$0x1] =	wrdreg $0xFFFFFFFF  }
0xb3: {  	[dreg:$0x0] =	wrdreg $0x60  }
0xb4: {  	[dreg:$0x2] =	wrdreg s24  }
0xb5: {  	[dreg:$0x3] =	wrdreg s16  }
0xb6: {  	[dreg:$0x4] =	wrdreg $0x9  }
0xb7: {  	_ =	task.clear_ibuf [dreg:s7], $0x5FFFF;
	_ =	strace $0x90000046  }
0xb8: {  	s29 =	simm.s32 $0x9;
	_ =	strace $0x80000048  }
0xb9: {  	_ =	swait.ge [sflag:s29], $0x1  }
0xba: {  	[sflag:s29] =	ssyncadd.s32 $0xFFFFFFFF  }
0xbb: {  	_ =	strace $0x90000048  }
0xbc: {  	_ =	sfence  }
0xbd: {  	s30 =	sld [smem:$0x0];
	_ =	sdelay $0x2  }
0xbe: {  	s31 =	sshll.u32 s1, $0xD;
	s1 =	sshrl.u32 s1, $0x2  }
0xbf: {  	s3 =	sand.u32 $0x4000, s31;
	s1 =	sadd.s32 s1, s30  }
0xc0: {  	s0 =	sor.u32 s3, s0;
	s1 =	sshll.u32 s1, $0x11  }
0xc1: {  	s0 =	sor.u32 s1, s0  }
0xc2: {  	s0 =	sadd.s32 $0x8F2B, s0  }
0xc3: {  	[sflag:s0] =	ssyncadd.remote.s32 $0x1  }
0xc4: {  	_ =	sfence.sel $0xFFFF  }
0xc5: {  	[dreg:$0x0] =	wrdreg $0xFFFFFFFF;
	(pc) =	sbr.abs _section_cstart, $3  }
0xc6: {  	[dreg:$0x1] =	wrdreg $0xFFFFFFFF  }
0xc7: {  	_ =	task.clear_ibuf [dreg:s7], $0x2FFFF;
	_ =	strace $0x9FFFFFFF  }
0xc8: {  	(tm) =	ssettm $0x7FFFFFFF  }
0xc9: {  	_ =	shalt  }
tec
execute0_lowered:
.L_overlay_start_1:
0x0: {  	(tag) =	ssettag $0x1  }
0x1: {  	s6 =	rddreg [dreg:$0x0]  }
0x2: {  	s1 =	rddreg [dreg:$0x1]  }
0x3: {  	s0 =	rddreg [dreg:$0x2]  }
0x4: {  	s2 =	simm.s32 $0x0;
	v0 =	vlaneseq.u32;
	s7 =	srdreg.scid;
	s3 =	stileid.u32  }
0x5: {  	s13 =	simm.s32 $0xD000;
	s14 =	simm.s32 $0xF800;
	s15 =	simm.s32 $0x8000;
	v0 =	vmul.u32 $0x80, v0  }
0x6: {  	s16 =	simm.s32 $0x0;
	[smem:$0x7FF] =	sst s2;
	s4 =	sadd.s32 $0x23A00, s6  }
0x7: {  	s5 =	sadd.s32 $0x23400, s6;
	s7 =	sand.u32 $0x1, s7;
	s8 =	sshll.u32 s3, $0xC;
	v1 =	vor.u32 $0x1, v0  }
0x8: {  	s10 =	smul.u32 $0x4E200, s3;
	_ =	strace $0x80000047;
	s9 =	sshll.u32 s7, $0xB;
	v2 =	vor.u32 $0x2, v0;
	v3 =	vor.u32 $0x3, v0;
	v4 =	vor.u32 $0x800, v0  }
0x9: {  	s11 =	ssub.s32 $0x2, s7;
	s12 =	smul.u32 $0x27100, s7;
	s8 =	sor.u32 s9, s8;
	v5 =	vor.u32 $0x801, v0;
	v6 =	vor.u32 $0x802, v0;
	v7 =	vor.u32 $0x803, v0  }
0xa: {  	s29 =	sshrl.u32 s11, $0x1;
	s31 =	sadd.s32 s10, s6;
	v8 =	vor.u32 $0x1000, v0;
	v9 =	vor.u32 $0x1001, v0;
	v10 =	vor.u32 $0x1002, v0;
	s30 =	sadd.s32 s8, s6  }
0xb: {  	v11 =	vor.u32 $0x1003, v0;
	v12 =	vor.u32 $0x1800, v0;
	v13 =	vor.u32 $0x1801, v0;
	s9 =	ssub.s32 s11, s29;
	s10 =	sadd.s32 s12, s31;
	s11 =	simm.s32 $0x4000  }
0xc: {  	v14 =	vor.u32 $0x1802, v0;
	v15 =	vor.u32 $0x1803, v0;
	v16 =	vor.u32 $0x2000, v0;
	s12 =	simm.s32 $0xA800;
	s6 =	sadd.s32 $0x3400, s30;
	s7 =	sadd.s32 $0x13400, s30  }
0xd: {  	v17 =	vor.u32 $0x2001, v0;
	v18 =	vor.u32 $0x2002, v0;
	v19 =	vor.u32 $0x2003, v0;
	s8 =	smax.u32 s9, $0x1;
	s9 =	sadd.s32 $0x24000, s10;
	s10 =	simm.s32 $0x1  }
.LBB2_1:
0xe: {  	[tilespmem:s2], [sflag:$0x1] =	stream.linear.gather [hbm4b:s6+s2], $0x3E80, $0x38;
	[tilespmem:$0x12000] =	vst v63  }
0xf: {  	_ =	swait.ge [sflag:s10], $0x3E80  }
0x10: {  	[sflag:s10] =	ssyncset.done $0x0  }
0x11: {  	[sflag:s10] =	ssyncadd.s32 $0xFFFFC180  }
0x12: {  	[tilespmem:s11], [sflag:$0x1] =	stream.linear.gather [hbm4b:s7+s2], $0x3E80, $0x38;
	[tilespmem:$0x12000] =	vst v63  }
0x13: {  	_ =	swait.ge [sflag:s10], $0x3E80  }
0x14: {  	[sflag:s10] =	ssyncset.done $0x0  }
0x15: {  	[sflag:s10] =	ssyncadd.s32 $0xFFFFC180  }
0x16: {  	[tilespmem:s12], [sflag:$0x1] =	stream.linear.gather [hbm4b:s4+s2], $0x2780, $0x38;
	[tilespmem:$0x12000] =	vst v63  }
0x17: {  	_ =	swait.ge [sflag:s10], $0x2780  }
0x18: {  	[sflag:s10] =	ssyncset.done $0x0  }
0x19: {  	[sflag:s10] =	ssyncadd.s32 $0xFFFFD880  }
0x1a: {  	[tilespmem:s13], [sflag:$0x1] =	stream.linear.gather [hbm4b:s5+s2], $0x2780, $0x38;
	[tilespmem:$0x12000] =	vst v63  }
0x1b: {  	_ =	swait.ge [sflag:s10], $0x2780  }
0x1c: {  	[sflag:s10] =	ssyncset.done $0x0  }
0x1d: {  	[sflag:s10] =	ssyncadd.s32 $0xFFFFD880  }
0x1e: {  	[tilespmem:s14], [sflag:$0x1] =	stream.linear.gather [hbm4b:s1+s2], $0x2780, $0x38;
	[tilespmem:$0x12000] =	vst v63  }
0x1f: {  	_ =	swait.ge [sflag:s10], $0x2780  }
0x20: {  	[sflag:s10] =	ssyncset.done $0x0  }
0x21: {  	s17 =	smov.u32 s9;
	s18 =	simm.s32 $0x0;
	[sflag:s10] =	ssyncadd.s32 $0xFFFFD880  }
.LBB2_2:
0x22: {  	s19 =	sshra.s32 s18, $0x2  }
0x23: {  	v20 =	vld [tilespmem:s19+$0x0]  }
0x24: {  	v21 =	vld [tilespmem:s19+$0x4000];
	_ =	sdelay $0x6  }
0x25: {  	v22 =	vld.idx.msk [tilespmem:v20+s12+$0x0], $0xffff  }
0x26: {  	v23 =	vld.idx.msk [tilespmem:v21+s12+$0x0], $0xffff  }
0x27: {  	v24 =	vld.idx.msk [tilespmem:v20+s13+$0x0], $0xffff  }
0x28: {  	v25 =	vld.idx.msk [tilespmem:v21+s13+$0x0], $0xffff  }
0x29: {  	v20 =	vld.idx.msk [tilespmem:v20+s14+$0x0], $0xffff  }
0x2a: {  	v21 =	vld.idx.msk [tilespmem:v21+s14+$0x0], $0xffff;
	_ =	sdelay $0x2  }
0x2b: {  	v22 =	vsub.f32 v22, v23;
	v41 =	vsub.f32 v24, v25;
	_ =	sdelay $0x1  }
0x2c: {  	v20 =	vsub.f32 v20, v21;
	v42 =	vmul.f32 v22, v22;
	v24 =	vmul.f32 v41, v41;
	_ =	sdelay $0x1  }
0x2d: {  	v43 =	vmul.f32 v20, v20;
	v21 =	vadd.f32 v24, v42  }
0x2e: {  	[tilespmem:v0+s15+$0x0] =	vst.idx.msk $0xffff, v22  }
0x2f: {  	[tilespmem:v1+s15+$0x0] =	vst.idx.msk $0xffff, v41;
	v21 =	vadd.f32 v43, v21  }
0x30: {  	[tilespmem:v2+s15+$0x0] =	vst.idx.msk $0xffff, v20  }
0x31: {  	[tilespmem:v3+s15+$0x0] =	vst.idx.msk $0xffff, v21  }
0x32: {  	v20 =	vld [tilespmem:s19+$0x10]  }
0x33: {  	v21 =	vld [tilespmem:s19+$0x4010];
	_ =	sdelay $0x6  }
0x34: {  	v22 =	vld.idx.msk [tilespmem:v20+s12+$0x0], $0xffff  }
0x35: {  	v23 =	vld.idx.msk [tilespmem:v21+s12+$0x0], $0xffff  }
0x36: {  	v44 =	vld.idx.msk [tilespmem:v20+s13+$0x0], $0xffff  }
0x37: {  	v45 =	vld.idx.msk [tilespmem:v21+s13+$0x0], $0xffff  }
0x38: {  	v20 =	vld.idx.msk [tilespmem:v20+s14+$0x0], $0xffff  }
0x39: {  	v21 =	vld.idx.msk [tilespmem:v21+s14+$0x0], $0xffff;
	_ =	sdelay $0x2  }
0x3a: {  	v22 =	vsub.f32 v22, v23;
	v46 =	vsub.f32 v44, v45;
	_ =	sdelay $0x1  }
0x3b: {  	v20 =	vsub.f32 v20, v21;
	v47 =	vmul.f32 v22, v22;
	v24 =	vmul.f32 v46, v46;
	_ =	sdelay $0x1  }
0x3c: {  	v48 =	vmul.f32 v20, v20;
	v21 =	vadd.f32 v24, v47  }
0x3d: {  	[tilespmem:v4+s15+$0x0] =	vst.idx.msk $0xffff, v22  }
0x3e: {  	[tilespmem:v5+s15+$0x0] =	vst.idx.msk $0xffff, v46;
	v21 =	vadd.f32 v48, v21  }
0x3f: {  	[tilespmem:v6+s15+$0x0] =	vst.idx.msk $0xffff, v20  }
0x40: {  	[tilespmem:v7+s15+$0x0] =	vst.idx.msk $0xffff, v21  }
0x41: {  	v20 =	vld [tilespmem:s19+$0x20]  }
0x42: {  	v21 =	vld [tilespmem:s19+$0x4020];
	_ =	sdelay $0x6  }
0x43: {  	v22 =	vld.idx.msk [tilespmem:v20+s12+$0x0], $0xffff  }
0x44: {  	v23 =	vld.idx.msk [tilespmem:v21+s12+$0x0], $0xffff  }
0x45: {  	v49 =	vld.idx.msk [tilespmem:v20+s13+$0x0], $0xffff  }
0x46: {  	v50 =	vld.idx.msk [tilespmem:v21+s13+$0x0], $0xffff  }
0x47: {  	v20 =	vld.idx.msk [tilespmem:v20+s14+$0x0], $0xffff  }
0x48: {  	v21 =	vld.idx.msk [tilespmem:v21+s14+$0x0], $0xffff;
	_ =	sdelay $0x2  }
0x49: {  	v22 =	vsub.f32 v22, v23;
	v51 =	vsub.f32 v49, v50;
	_ =	sdelay $0x1  }
0x4a: {  	v20 =	vsub.f32 v20, v21;
	v52 =	vmul.f32 v22, v22;
	v24 =	vmul.f32 v51, v51;
	_ =	sdelay $0x1  }
0x4b: {  	v53 =	vmul.f32 v20, v20;
	v21 =	vadd.f32 v24, v52  }
0x4c: {  	[tilespmem:v8+s15+$0x0] =	vst.idx.msk $0xffff, v22  }
0x4d: {  	[tilespmem:v9+s15+$0x0] =	vst.idx.msk $0xffff, v51;
	v21 =	vadd.f32 v53, v21  }
0x4e: {  	[tilespmem:v10+s15+$0x0] =	vst.idx.msk $0xffff, v20  }
0x4f: {  	[tilespmem:v11+s15+$0x0] =	vst.idx.msk $0xffff, v21  }
0x50: {  	v20 =	vld [tilespmem:s19+$0x30]  }
0x51: {  	v21 =	vld [tilespmem:s19+$0x4030];
	_ =	sdelay $0x6  }
0x52: {  	v22 =	vld.idx.msk [tilespmem:v20+s12+$0x0], $0xffff  }
0x53: {  	v23 =	vld.idx.msk [tilespmem:v21+s12+$0x0], $0xffff  }
0x54: {  	v54 =	vld.idx.msk [tilespmem:v20+s13+$0x0], $0xffff  }
0x55: {  	v55 =	vld.idx.msk [tilespmem:v21+s13+$0x0], $0xffff  }
0x56: {  	v20 =	vld.idx.msk [tilespmem:v20+s14+$0x0], $0xffff  }
0x57: {  	v21 =	vld.idx.msk [tilespmem:v21+s14+$0x0], $0xffff;
	_ =	sdelay $0x2  }
0x58: {  	v22 =	vsub.f32 v22, v23;
	v56 =	vsub.f32 v54, v55;
	_ =	sdelay $0x1  }
0x59: {  	v20 =	vsub.f32 v20, v21;
	v57 =	vmul.f32 v22, v22;
	v24 =	vmul.f32 v56, v56;
	_ =	sdelay $0x1  }
0x5a: {  	v58 =	vmul.f32 v20, v20;
	v21 =	vadd.f32 v24, v57  }
0x5b: {  	[tilespmem:v12+s15+$0x0] =	vst.idx.msk $0xffff, v22  }
0x5c: {  	[tilespmem:v13+s15+$0x0] =	vst.idx.msk $0xffff, v56;
	v21 =	vadd.f32 v58, v21  }
0x5d: {  	[tilespmem:v14+s15+$0x0] =	vst.idx.msk $0xffff, v20  }
0x5e: {  	[tilespmem:v15+s15+$0x0] =	vst.idx.msk $0xffff, v21  }
0x5f: {  	v20 =	vld [tilespmem:s19+$0x40]  }
0x60: {  	v21 =	vld [tilespmem:s19+$0x4040];
	_ =	sdelay $0x6  }
0x61: {  	v22 =	vld.idx.msk [tilespmem:v20+s12+$0x0], $0xffff  }
0x62: {  	v23 =	vld.idx.msk [tilespmem:v21+s12+$0x0], $0xffff  }
0x63: {  	v59 =	vld.idx.msk [tilespmem:v20+s13+$0x0], $0xffff  }
0x64: {  	v60 =	vld.idx.msk [tilespmem:v21+s13+$0x0], $0xffff  }
0x65: {  	v20 =	vld.idx.msk [tilespmem:v20+s14+$0x0], $0xffff  }
0x66: {  	v21 =	vld.idx.msk [tilespmem:v21+s14+$0x0], $0xffff;
	_ =	sdelay $0x2  }
0x67: {  	v22 =	vsub.f32 v22, v23;
	v61 =	vsub.f32 v59, v60;
	_ =	sdelay $0x1  }
0x68: {  	v20 =	vsub.f32 v20, v21;
	v62 =	vmul.f32 v22, v22;
	v24 =	vmul.f32 v61, v61;
	_ =	sdelay $0x1  }
0x69: {  	v63 =	vmul.f32 v20, v20;
	v21 =	vadd.f32 v24, v62  }
0x6a: {  	[tilespmem:v16+s15+$0x0] =	vst.idx.msk $0xffff, v22  }
0x6b: {  	[tilespmem:v17+s15+$0x0] =	vst.idx.msk $0xffff, v61;
	v21 =	vadd.f32 v63, v21  }
0x6c: {  	p0 =	sne.s32 s18, $0xF800;
	[tilespmem:v18+s15+$0x0] =	vst.idx.msk $0xffff, v20  }
.Ltmp0:
0x6d: {  	[tilespmem:v19+s15+$0x0] =	vst.idx.msk $0xffff, v21;
	(pc) =	sbr.rel @p0 .LBB2_2-.Ltmp0, $4  }
0x6e: {  	[hbm4b:s17+s2] =	stream.linear.scatter [tilespmem:s15], [sflag:$0x1], $0x2800, $0x38;
	[tilespmem:$0x12000] =	vst v63  }
0x6f: {  	_ =	swait.ge [sflag:s10], $0x2800  }
0x70: {  	[sflag:s10] =	ssyncset.done $0x0  }
0x71: {  	s18 =	sadd.s32 $0x200, s18;
	s17 =	sadd.s32 $0x500, s17;
	[sflag:s10] =	ssyncadd.s32 $0xFFFFD800  }
0x72: {  	s16 =	sadd.s32 $0x1, s16  }
0x73: {  	p0 =	sne.s32 s16, s8  }
.Ltmp1:
0x74: {  	_ = 	snop;
	(pc) =	sbr.rel @p0 .LBB2_1-.Ltmp1, $1  }
0x75: {  	_ =	sdelay $0x3  }
0x76: {  	_ =	sfence.sel $0x180000  }
0x77: {  	[bflag:$0x0] =	sbarrier.arrive $0xFFFF  }
0x78: {  	p0 =	sne.s32 s3, $0x0;
	_ =	strace $0x90000047  }
0x79: {  	s0 =	sadd.s32 @!p0 $0x100000, s0;
	[bflag:$0x2] =	sbarrier.arrive $0xFFFF  }
0x7a: {  	[sflag:s0] =	ssyncadd.tile.s32 @!p0 $0x1;
	_ =	shalt  }
.Lfunc_end2:
_tile_overlayer_lowered:
.L_overlay_start_2:
0x7b: {  	(tag) =	ssettag $0x2  }
0x7c: {  	s0 =	rddreg [dreg:$0x0];
	s2 =	stileid.u32  }
0x7d: {  	s1 =	rddreg [dreg:$0x1];
	p0 =	sne.s32 s2, $0x0  }
0x7e: {  	s3 =	rddreg [dreg:$0x2];
	[bflag:$0x3] =	sbarrier.arrive $0xFFFF;
	s2 =	simm.s32 @!p0 $0x1C01  }
0x7f: {  	[timem:s3], [sflag:s2] =	dma.local @!p0 [hbm:s0], s1  }
0x80: {  	s0 =	simm.s32 @!p0 $0x1  }
0x81: {  	_ =	swait.ge @!p0 [sflag:s0], s1  }
0x82: {  	s1 =	ssub.s32 @!p0 $0x0, s1;
	[sflag:s0] =	ssyncset.done @!p0 $0x0  }
0x83: {  	[sflag:s0] =	ssyncadd.s32 @!p0 s1  }
0x84: {  	[bflag:$0x3] =	sbarrier.arrive $0xFFFF  }
0x85: {  	_ =	shalt  }

</sc_bundles>
